<compile_context>
chip_gen: v7x
topology: tpu7x:2x2x1
jax: 0.10.2.dev20260603
libtpu: 0.0.44.dev20260713+nightly
codegen_flags: <defaults>
</compile_context>

<pallas_src>
import functools
import jax
import jax.numpy as jnp
from jax import lax
from jax.experimental import pallas as pl
from jax.experimental.pallas import tpu as pltpu
from jax.experimental.pallas import tpu_sc as plsc
from jax.experimental.compute_on import compute_on

_NC = 2
_NS = 16
_LANES = 16
_CHR = 16


def _tc_body(x_ref, pe_ref, o_ref):
    o_ref[...] = x_ref[...] + pe_ref[...][None, :, :]


def _tc_add(x, pe, nb, bs=512):
    B, L, D = x.shape
    return pl.pallas_call(
        _tc_body,
        grid=(L // bs, nb),
        in_specs=[
            pl.BlockSpec((1, bs, D), lambda i, b: (b, i, 0)),
            pl.BlockSpec((bs, D), lambda i, b: (i, 0)),
        ],
        out_specs=pl.BlockSpec((1, bs, D), lambda i, b: (b, i, 0)),
        out_shape=jax.ShapeDtypeStruct((B, L, D), x.dtype),
    )(x, pe)


def _sc_add(xf, per, row_lo):
    R, D = per.shape
    NW = _NC * _NS
    seg = R // NW
    n_chunks = seg // _CHR
    n_half = n_chunks // 2
    mesh = plsc.VectorSubcoreMesh(core_axis_name="c", subcore_axis_name="s")

    @functools.partial(
        pl.kernel,
        out_type=jax.ShapeDtypeStruct((R, D), jnp.float32),
        mesh=mesh,
        scratch_types=[
            pltpu.VMEM((2, _CHR, D), jnp.float32),
            pltpu.VMEM((2, _CHR, D), jnp.float32),
            pltpu.VMEM((2, _CHR, D), jnp.float32),
            pltpu.SemaphoreType.DMA,
            pltpu.SemaphoreType.DMA,
            pltpu.SemaphoreType.DMA,
            pltpu.SemaphoreType.DMA,
            pltpu.SemaphoreType.DMA,
            pltpu.SemaphoreType.DMA,
        ],
    )
    def body(x_hbm, pe_hbm, out_hbm, xbuf, pebuf, obuf,
             xs0, xs1, ps0, ps1, os0, os1):
        wid = lax.axis_index("s") * _NC + lax.axis_index("c")
        r0 = wid * seg
        xsem = (xs0, xs1)
        psem = (ps0, ps1)
        osem = (os0, os1)

        def load_descs(ci, par):
            row = r0 + ci * _CHR
            return [
                pltpu.make_async_copy(x_hbm.at[pl.ds(row_lo + row, _CHR)],
                                      xbuf.at[par], xsem[par]),
                pltpu.make_async_copy(pe_hbm.at[pl.ds(row, _CHR)],
                                      pebuf.at[par], psem[par]),
            ]

        def store_desc(ci, par):
            return pltpu.make_async_copy(
                obuf.at[par], out_hbm.at[pl.ds(r0 + ci * _CHR, _CHR)],
                osem[par])

        for par in range(2):
            for cp in load_descs(par, par):
                cp.start()

        def loop_body(h, _):
            for par in range(2):
                ci = 2 * h + par
                for cp in load_descs(ci, par):
                    cp.wait()

                @pl.when(h >= 1)
                def _():
                    store_desc(ci - 2, par).wait()

                @plsc.parallel_loop(0, _CHR)
                def _(i):
                    for j in range(D // _LANES):
                        s = pl.ds(j * _LANES, _LANES)
                        obuf[par, i, s] = xbuf[par, i, s] + pebuf[par, i, s]

                store_desc(ci, par).start()

                @pl.when(h < n_half - 1)
                def _():
                    for cp in load_descs(ci + 2, par):
                        cp.start()
            return 0

        lax.fori_loop(0, n_half, loop_body, 0)
        for par in range(2):
            store_desc(n_chunks - 2 + par, par).wait()

    return body(xf, per)


def kernel(x, pe):
    B, L, D = x.shape
    pef = pe[:L]
    sc_out = _sc_add(x.reshape(B * L, D), pef, (B - 1) * L)
    tc_out = _tc_add(x, pef, B - 1)
    return jnp.concatenate([tc_out[: B - 1], sc_out[None]], axis=0)

# --- scband reference (transcript-rebuilt; emitter-appended) ---
"""Pipeline reference for scband-learnable-positional-encoding-53334903881812 (READ-ONLY COPY).

The authoritative reference and input builder live on the scoring server;
editing this copy changes nothing except your own understanding.
"""

import jax, jax.numpy as jnp
import numpy as np

NUM_PATCHES = 8192
D_MODEL = 768
BATCH = 4
SEQ_LEN = 8192


def setup_inputs(seed: int = 0) -> dict:
    key = jax.random.key(seed)
    k_x, k_pe = jax.random.split(key)
    x = jax.random.normal(k_x, (BATCH, SEQ_LEN, D_MODEL), dtype=jnp.float32)
    # nn.Embedding default init: N(0, 1)
    pe = jax.random.normal(k_pe, (NUM_PATCHES, D_MODEL), dtype=jnp.float32)
    return {"x": x, "pe": pe}


def reference(x, pe):
    positions = jnp.arange(x.shape[1])
    pos_emb = jnp.take(pe, positions, axis=0)  # [L, d_model]
    return x + pos_emb[None, :, :]

if __name__ == "__main__":
    import jax
    _d = setup_inputs()
    print(jax.jit(kernel)(*tuple(_d.values())))

</pallas_src>

<mosaic_0001>
#map = affine_map<(d0, d1) -> (0, 0)>
module attributes {stable_mosaic.version = 14 : i64} {
  func.func @body(%arg0: i32, %arg1: i32, %arg2: memref<32768x768xf32, #tpu.memory_space<hbm>>, %arg3: memref<8192x768xf32, #tpu.memory_space<hbm>>, %arg4: memref<8192x768xf32, #tpu.memory_space<hbm>>, %arg5: memref<2x16x768xf32, #tpu.memory_space<vmem>>, %arg6: memref<2x16x768xf32, #tpu.memory_space<vmem>>, %arg7: memref<2x16x768xf32, #tpu.memory_space<vmem>>, %arg8: memref<!tpu.dma_semaphore, #tpu.memory_space<semaphore_mem>>, %arg9: memref<!tpu.dma_semaphore, #tpu.memory_space<semaphore_mem>>, %arg10: memref<!tpu.dma_semaphore, #tpu.memory_space<semaphore_mem>>, %arg11: memref<!tpu.dma_semaphore, #tpu.memory_space<semaphore_mem>>, %arg12: memref<!tpu.dma_semaphore, #tpu.memory_space<semaphore_mem>>, %arg13: memref<!tpu.dma_semaphore, #tpu.memory_space<semaphore_mem>>) attributes {dimension_semantics = [#tpu.dimension_semantics<core_parallel>, #tpu.dimension_semantics<subcore_parallel>], iteration_bounds = array<i64: 2, 16>, scalar_prefetch = 0 : i64, scratch_operands = 9 : i64, tpu.core_type = #tpu.core_type<sc_vector_subcore>, window_params = [{transform_indices = #map}, {transform_indices = #map}, {transform_indices = #map}]} {
    %mul3A = arith.constant 2 : i32
    %mul3A_0 = arith.muli %arg1, %mul3A : i32
    %add3A = arith.addi %mul3A_0, %arg0 : i32
    %mul3A_1 = arith.constant 256 : i32
    %mul3A_2 = arith.muli %add3A, %mul3A_1 : i32
    %add3A_3 = arith.constant 0 : i32
    %add3A_4 = arith.addi %mul3A_2, %add3A_3 : i32
    %add3A_5 = arith.constant 24576 : i32
    %add3A_6 = arith.addi %add3A_5, %add3A_4 : i32
    %dma_start3A = arith.constant 0 : i32
    %dma_start3A_7 = arith.constant 0 : i32
    %dma_start3A_8 = arith.constant 0 : i32
    %dma_start3A_9 = tpu.memref_slice %arg5[%dma_start3A, %dma_start3A_7, %dma_start3A_8] : memref<2x16x768xf32, #tpu.memory_space<vmem>> -> memref<1x16x768xf32, #tpu.memory_space<vmem>>
    %dma_start3A_10 = tpu.memref_squeeze %dma_start3A_9 : memref<1x16x768xf32, #tpu.memory_space<vmem>> -> memref<16x768xf32, #tpu.memory_space<vmem>>
    %dma_start3A_11 = arith.constant 0 : i32
    %dma_start3A_12 = tpu.memref_slice %arg2[%add3A_6, %dma_start3A_11] : memref<32768x768xf32, #tpu.memory_space<hbm>> -> memref<16x768xf32, #tpu.memory_space<hbm>>
    %dma_start3A_13 = arith.constant 0 : i32
    %dma_start3A_14 = arith.constant 0 : i32
    %dma_start3A_15 = tpu.memref_slice %arg5[%dma_start3A, %dma_start3A_13, %dma_start3A_14] : memref<2x16x768xf32, #tpu.memory_space<vmem>> -> memref<1x16x768xf32, #tpu.memory_space<vmem>>
    %dma_start3A_16 = tpu.memref_squeeze %dma_start3A_15 : memref<1x16x768xf32, #tpu.memory_space<vmem>> -> memref<16x768xf32, #tpu.memory_space<vmem>>
    %dma_start3A_17 = arith.constant 0 : i32
    %dma_start3A_18 = tpu.memref_slice %arg2[%add3A_6, %dma_start3A_17] : memref<32768x768xf32, #tpu.memory_space<hbm>> -> memref<16x768xf32, #tpu.memory_space<hbm>>
    tpu.enqueue_dma source(%dma_start3A_18 : memref<16x768xf32, #tpu.memory_space<hbm>>) target(%dma_start3A_16 : memref<16x768xf32, #tpu.memory_space<vmem>>) target_semaphore(%arg8 : memref<!tpu.dma_semaphore, #tpu.memory_space<semaphore_mem>>)
    %dma_start3A_19 = arith.constant 0 : i32
    %dma_start3A_20 = arith.constant 0 : i32
    %dma_start3A_21 = arith.constant 0 : i32
    %dma_start3A_22 = tpu.memref_slice %arg6[%dma_start3A_19, %dma_start3A_20, %dma_start3A_21] : memref<2x16x768xf32, #tpu.memory_space<vmem>> -> memref<1x16x768xf32, #tpu.memory_space<vmem>>
    %dma_start3A_23 = tpu.memref_squeeze %dma_start3A_22 : memref<1x16x768xf32, #tpu.memory_space<vmem>> -> memref<16x768xf32, #tpu.memory_space<vmem>>
    %dma_start3A_24 = arith.constant 0 : i32
    %dma_start3A_25 = tpu.memref_slice %arg3[%add3A_4, %dma_start3A_24] : memref<8192x768xf32, #tpu.memory_space<hbm>> -> memref<16x768xf32, #tpu.memory_space<hbm>>
    %dma_start3A_26 = arith.constant 0 : i32
    %dma_start3A_27 = arith.constant 0 : i32
    %dma_start3A_28 = tpu.memref_slice %arg6[%dma_start3A_19, %dma_start3A_26, %dma_start3A_27] : memref<2x16x768xf32, #tpu.memory_space<vmem>> -> memref<1x16x768xf32, #tpu.memory_space<vmem>>
    %dma_start3A_29 = tpu.memref_squeeze %dma_start3A_28 : memref<1x16x768xf32, #tpu.memory_space<vmem>> -> memref<16x768xf32, #tpu.memory_space<vmem>>
    %dma_start3A_30 = arith.constant 0 : i32
    %dma_start3A_31 = tpu.memref_slice %arg3[%add3A_4, %dma_start3A_30] : memref<8192x768xf32, #tpu.memory_space<hbm>> -> memref<16x768xf32, #tpu.memory_space<hbm>>
    tpu.enqueue_dma source(%dma_start3A_31 : memref<16x768xf32, #tpu.memory_space<hbm>>) target(%dma_start3A_29 : memref<16x768xf32, #tpu.memory_space<vmem>>) target_semaphore(%arg10 : memref<!tpu.dma_semaphore, #tpu.memory_space<semaphore_mem>>)
    %add3A_32 = arith.constant 16 : i32
    %add3A_33 = arith.addi %mul3A_2, %add3A_32 : i32
    %add3A_34 = arith.constant 24576 : i32
    %add3A_35 = arith.addi %add3A_34, %add3A_33 : i32
    %dma_start3A_36 = arith.constant 1 : i32
    %dma_start3A_37 = arith.constant 0 : i32
    %dma_start3A_38 = arith.constant 0 : i32
    %dma_start3A_39 = tpu.memref_slice %arg5[%dma_start3A_36, %dma_start3A_37, %dma_start3A_38] : memref<2x16x768xf32, #tpu.memory_space<vmem>> -> memref<1x16x768xf32, #tpu.memory_space<vmem>>
    %dma_start3A_40 = tpu.memref_squeeze %dma_start3A_39 : memref<1x16x768xf32, #tpu.memory_space<vmem>> -> memref<16x768xf32, #tpu.memory_space<vmem>>
    %dma_start3A_41 = arith.constant 0 : i32
    %dma_start3A_42 = tpu.memref_slice %arg2[%add3A_35, %dma_start3A_41] : memref<32768x768xf32, #tpu.memory_space<hbm>> -> memref<16x768xf32, #tpu.memory_space<hbm>>
    %dma_start3A_43 = arith.constant 0 : i32
    %dma_start3A_44 = arith.constant 0 : i32
    %dma_start3A_45 = tpu.memref_slice %arg5[%dma_start3A_36, %dma_start3A_43, %dma_start3A_44] : memref<2x16x768xf32, #tpu.memory_space<vmem>> -> memref<1x16x768xf32, #tpu.memory_space<vmem>>
    %dma_start3A_46 = tpu.memref_squeeze %dma_start3A_45 : memref<1x16x768xf32, #tpu.memory_space<vmem>> -> memref<16x768xf32, #tpu.memory_space<vmem>>
    %dma_start3A_47 = arith.constant 0 : i32
    %dma_start3A_48 = tpu.memref_slice %arg2[%add3A_35, %dma_start3A_47] : memref<32768x768xf32, #tpu.memory_space<hbm>> -> memref<16x768xf32, #tpu.memory_space<hbm>>
    tpu.enqueue_dma source(%dma_start3A_48 : memref<16x768xf32, #tpu.memory_space<hbm>>) target(%dma_start3A_46 : memref<16x768xf32, #tpu.memory_space<vmem>>) target_semaphore(%arg9 : memref<!tpu.dma_semaphore, #tpu.memory_space<semaphore_mem>>)
    %dma_start3A_49 = arith.constant 1 : i32
    %dma_start3A_50 = arith.constant 0 : i32
    %dma_start3A_51 = arith.constant 0 : i32
    %dma_start3A_52 = tpu.memref_slice %arg6[%dma_start3A_49, %dma_start3A_50, %dma_start3A_51] : memref<2x16x768xf32, #tpu.memory_space<vmem>> -> memref<1x16x768xf32, #tpu.memory_space<vmem>>
    %dma_start3A_53 = tpu.memref_squeeze %dma_start3A_52 : memref<1x16x768xf32, #tpu.memory_space<vmem>> -> memref<16x768xf32, #tpu.memory_space<vmem>>
    %dma_start3A_54 = arith.constant 0 : i32
    %dma_start3A_55 = tpu.memref_slice %arg3[%add3A_33, %dma_start3A_54] : memref<8192x768xf32, #tpu.memory_space<hbm>> -> memref<16x768xf32, #tpu.memory_space<hbm>>
    %dma_start3A_56 = arith.constant 0 : i32
    %dma_start3A_57 = arith.constant 0 : i32
    %dma_start3A_58 = tpu.memref_slice %arg6[%dma_start3A_49, %dma_start3A_56, %dma_start3A_57] : memref<2x16x768xf32, #tpu.memory_space<vmem>> -> memref<1x16x768xf32, #tpu.memory_space<vmem>>
    %dma_start3A_59 = tpu.memref_squeeze %dma_start3A_58 : memref<1x16x768xf32, #tpu.memory_space<vmem>> -> memref<16x768xf32, #tpu.memory_space<vmem>>
    %dma_start3A_60 = arith.constant 0 : i32
    %dma_start3A_61 = tpu.memref_slice %arg3[%add3A_33, %dma_start3A_60] : memref<8192x768xf32, #tpu.memory_space<hbm>> -> memref<16x768xf32, #tpu.memory_space<hbm>>
    tpu.enqueue_dma source(%dma_start3A_61 : memref<16x768xf32, #tpu.memory_space<hbm>>) target(%dma_start3A_59 : memref<16x768xf32, #tpu.memory_space<vmem>>) target_semaphore(%arg11 : memref<!tpu.dma_semaphore, #tpu.memory_space<semaphore_mem>>)
    %scan3A = arith.constant 0 : i32
    %scan3A_62 = arith.constant 0 : i32
    %scan3A_63 = arith.constant 8 : i32
    %scan3A_64 = arith.addi %scan3A_62, %scan3A_63 : i32
    %scan3A_65 = arith.constant 1 : i32
    %scan3A_66 = scf.for %scan3A_97 = %scan3A_62 to %scan3A_64 step %scan3A_65 iter_args(%scan3A_98 = %scan3A) -> (i32)  : i32 {
      %mul3A_99 = arith.constant 2 : i32
      %mul3A_100 = arith.muli %mul3A_99, %scan3A_97 : i32
      %add3A_101 = arith.constant 0 : i32
      %add3A_102 = arith.addi %mul3A_100, %add3A_101 : i32
      %mul3A_103 = arith.constant 16 : i32
      %mul3A_104 = arith.muli %add3A_102, %mul3A_103 : i32
      %add3A_105 = arith.addi %mul3A_2, %mul3A_104 : i32
      %add3A_106 = arith.constant 24576 : i32
      %add3A_107 = arith.addi %add3A_106, %add3A_105 : i32
      %dma_wait3A_108 = arith.constant 0 : i32
      %dma_wait3A_109 = arith.constant 0 : i32
      %dma_wait3A_110 = arith.constant 0 : i32
      %dma_wait3A_111 = tpu.memref_slice %arg5[%dma_wait3A_108, %dma_wait3A_109, %dma_wait3A_110] : memref<2x16x768xf32, #tpu.memory_space<vmem>> -> memref<1x16x768xf32, #tpu.memory_space<vmem>>
      %dma_wait3A_112 = tpu.memref_squeeze %dma_wait3A_111 : memref<1x16x768xf32, #tpu.memory_space<vmem>> -> memref<16x768xf32, #tpu.memory_space<vmem>>
      %dma_wait3A_113 = arith.constant 0 : i32
      %dma_wait3A_114 = tpu.memref_slice %arg2[%add3A_107, %dma_wait3A_113] : memref<32768x768xf32, #tpu.memory_space<hbm>> -> memref<16x768xf32, #tpu.memory_space<hbm>>
      %dma_wait3A_115 = arith.constant 0 : i32
      %dma_wait3A_116 = arith.constant 0 : i32
      %dma_wait3A_117 = tpu.memref_slice %arg5[%dma_wait3A_108, %dma_wait3A_115, %dma_wait3A_116] : memref<2x16x768xf32, #tpu.memory_space<vmem>> -> memref<1x16x768xf32, #tpu.memory_space<vmem>>
      %dma_wait3A_118 = tpu.memref_squeeze %dma_wait3A_117 : memref<1x16x768xf32, #tpu.memory_space<vmem>> -> memref<16x768xf32, #tpu.memory_space<vmem>>
      %dma_wait3A_119 = arith.constant 0 : i32
      %dma_wait3A_120 = tpu.memref_slice %arg2[%add3A_107, %dma_wait3A_119] : memref<32768x768xf32, #tpu.memory_space<hbm>> -> memref<16x768xf32, #tpu.memory_space<hbm>>
      tpu.wait_dma2 semaphore(%arg8 : memref<!tpu.dma_semaphore, #tpu.memory_space<semaphore_mem>>) src(%dma_wait3A_120 : memref<16x768xf32, #tpu.memory_space<hbm>>) dst(%dma_wait3A_118 : memref<16x768xf32, #tpu.memory_space<vmem>>)
      %dma_wait3A_121 = arith.constant 0 : i32
      %dma_wait3A_122 = arith.constant 0 : i32
      %dma_wait3A_123 = arith.constant 0 : i32
      %dma_wait3A_124 = tpu.memref_slice %arg6[%dma_wait3A_121, %dma_wait3A_122, %dma_wait3A_123] : memref<2x16x768xf32, #tpu.memory_space<vmem>> -> memref<1x16x768xf32, #tpu.memory_space<vmem>>
      %dma_wait3A_125 = tpu.memref_squeeze %dma_wait3A_124 : memref<1x16x768xf32, #tpu.memory_space<vmem>> -> memref<16x768xf32, #tpu.memory_space<vmem>>
      %dma_wait3A_126 = arith.constant 0 : i32
      %dma_wait3A_127 = tpu.memref_slice %arg3[%add3A_105, %dma_wait3A_126] : memref<8192x768xf32, #tpu.memory_space<hbm>> -> memref<16x768xf32, #tpu.memory_space<hbm>>
      %dma_wait3A_128 = arith.constant 0 : i32
      %dma_wait3A_129 = arith.constant 0 : i32
      %dma_wait3A_130 = tpu.memref_slice %arg6[%dma_wait3A_121, %dma_wait3A_128, %dma_wait3A_129] : memref<2x16x768xf32, #tpu.memory_space<vmem>> -> memref<1x16x768xf32, #tpu.memory_space<vmem>>
      %dma_wait3A_131 = tpu.memref_squeeze %dma_wait3A_130 : memref<1x16x768xf32, #tpu.memory_space<vmem>> -> memref<16x768xf32, #tpu.memory_space<vmem>>
      %dma_wait3A_132 = arith.constant 0 : i32
      %dma_wait3A_133 = tpu.memref_slice %arg3[%add3A_105, %dma_wait3A_132] : memref<8192x768xf32, #tpu.memory_space<hbm>> -> memref<16x768xf32, #tpu.memory_space<hbm>>
      tpu.wait_dma2 semaphore(%arg10 : memref<!tpu.dma_semaphore, #tpu.memory_space<semaphore_mem>>) src(%dma_wait3A_133 : memref<16x768xf32, #tpu.memory_space<hbm>>) dst(%dma_wait3A_131 : memref<16x768xf32, #tpu.memory_space<vmem>>)
      %ge3A = arith.constant 1 : i32
      %ge3A_134 = arith.cmpi sge, %scan3A_97, %ge3A : i32
      %convert_element_type3A = arith.extui %ge3A_134 : i1 to i32
      %cond3A = arith.constant 0 : i32
      %cond3A_135 = arith.cmpi ne, %convert_element_type3A, %cond3A : i32
      scf.if %cond3A_135 {
        %sub3A = arith.constant 2 : i32
        %sub3A_223 = arith.subi %add3A_102, %sub3A : i32
        %mul3A_224 = arith.constant 16 : i32
        %mul3A_225 = arith.muli %sub3A_223, %mul3A_224 : i32
        %add3A_226 = arith.addi %mul3A_2, %mul3A_225 : i32
        %dma_wait3A_227 = arith.constant 0 : i32
        %dma_wait3A_228 = arith.constant 0 : i32
        %dma_wait3A_229 = arith.constant 0 : i32
        %dma_wait3A_230 = tpu.memref_slice %arg7[%dma_wait3A_227, %dma_wait3A_228, %dma_wait3A_229] : memref<2x16x768xf32, #tpu.memory_space<vmem>> -> memref<1x16x768xf32, #tpu.memory_space<vmem>>
        %dma_wait3A_231 = tpu.memref_squeeze %dma_wait3A_230 : memref<1x16x768xf32, #tpu.memory_space<vmem>> -> memref<16x768xf32, #tpu.memory_space<vmem>>
        %dma_wait3A_232 = arith.constant 0 : i32
        %dma_wait3A_233 = tpu.memref_slice %arg4[%add3A_226, %dma_wait3A_232] : memref<8192x768xf32, #tpu.memory_space<hbm>> -> memref<16x768xf32, #tpu.memory_space<hbm>>
        %dma_wait3A_234 = arith.constant 0 : i32
        %dma_wait3A_235 = tpu.memref_slice %arg4[%add3A_226, %dma_wait3A_234] : memref<8192x768xf32, #tpu.memory_space<hbm>> -> memref<16x768xf32, #tpu.memory_space<hbm>>
        %dma_wait3A_236 = arith.constant 0 : i32
        %dma_wait3A_237 = arith.constant 0 : i32
        %dma_wait3A_238 = tpu.memref_slice %arg7[%dma_wait3A_227, %dma_wait3A_236, %dma_wait3A_237] : memref<2x16x768xf32, #tpu.memory_space<vmem>> -> memref<1x16x768xf32, #tpu.memory_space<vmem>>
        %dma_wait3A_239 = tpu.memref_squeeze %dma_wait3A_238 : memref<1x16x768xf32, #tpu.memory_space<vmem>> -> memref<16x768xf32, #tpu.memory_space<vmem>>
        tpu.wait_dma2 semaphore(%arg12 : memref<!tpu.dma_semaphore, #tpu.memory_space<semaphore_mem>>) src(%dma_wait3A_239 : memref<16x768xf32, #tpu.memory_space<vmem>>) dst(%dma_wait3A_235 : memref<16x768xf32, #tpu.memory_space<hbm>>)
      } else {
      }
      %parallel_loop3A = arith.constant 0 : i32
      %parallel_loop3A_136 = arith.constant 16 : i32
      %parallel_loop3A_137 = arith.constant 1 : i32
      scf.for %parallel_loop3A_223 = %parallel_loop3A to %parallel_loop3A_136 step %parallel_loop3A_137  : i32 {
        %parallel_loop3A_224 = arith.constant 0 : i32
        %parallel_loop3A_225 = arith.index_cast %parallel_loop3A_224 : i32 to index
        %parallel_loop3A_226 = arith.index_cast %parallel_loop3A_223 : i32 to index
        %parallel_loop3A_227 = arith.constant 0 : index
        %parallel_loop3A_228 = tpu.vector_load %arg5[%parallel_loop3A_225, %parallel_loop3A_226, %parallel_loop3A_227] {strides = array<i32>} : memref<2x16x768xf32, #tpu.memory_space<vmem>>, vector<1x1x16xf32>,
        %parallel_loop3A_229 = vector.shape_cast %parallel_loop3A_228 : vector<1x1x16xf32> to vector<16xf32>
        %parallel_loop3A_230 = arith.constant 0 : i32
        %parallel_loop3A_231 = arith.index_cast %parallel_loop3A_230 : i32 to index
        %parallel_loop3A_232 = arith.index_cast %parallel_loop3A_223 : i32 to index
        %parallel_loop3A_233 = arith.constant 0 : index
        %parallel_loop3A_234 = tpu.vector_load %arg6[%parallel_loop3A_231, %parallel_loop3A_232, %parallel_loop3A_233] {strides = array<i32>} : memref<2x16x768xf32, #tpu.memory_space<vmem>>, vector<1x1x16xf32>,
        %parallel_loop3A_235 = vector.shape_cast %parallel_loop3A_234 : vector<1x1x16xf32> to vector<16xf32>
        %parallel_loop3A_236 = arith.addf %parallel_loop3A_229, %parallel_loop3A_235 : vector<16xf32>
        %parallel_loop3A_237 = arith.constant 0 : i32
        %parallel_loop3A_238 = arith.index_cast %parallel_loop3A_237 : i32 to index
        %parallel_loop3A_239 = arith.index_cast %parallel_loop3A_223 : i32 to index
        %parallel_loop3A_240 = arith.constant 0 : index
        %parallel_loop3A_241 = tpu.vector_load %arg7[%parallel_loop3A_238, %parallel_loop3A_239, %parallel_loop3A_240] {strides = array<i32>} : memref<2x16x768xf32, #tpu.memory_space<vmem>>, vector<1x1x16xf32>,
        %parallel_loop3A_242 = vector.shape_cast %parallel_loop3A_241 : vector<1x1x16xf32> to vector<16xf32>
        %parallel_loop3A_243 = vector.shape_cast %parallel_loop3A_236 : vector<16xf32> to vector<1x1x16xf32>
        tpu.vector_store %arg7[%parallel_loop3A_238, %parallel_loop3A_239, %parallel_loop3A_240], %parallel_loop3A_243 {strides = array<i32>} : memref<2x16x768xf32, #tpu.memory_space<vmem>>, vector<1x1x16xf32>,
        %parallel_loop3A_244 = arith.constant 0 : i32
        %parallel_loop3A_245 = arith.index_cast %parallel_loop3A_244 : i32 to index
        %parallel_loop3A_246 = arith.index_cast %parallel_loop3A_223 : i32 to index
        %parallel_loop3A_247 = arith.constant 16 : index
        %parallel_loop3A_248 = tpu.vector_load %arg5[%parallel_loop3A_245, %parallel_loop3A_246, %parallel_loop3A_247] {strides = array<i32>} : memref<2x16x768xf32, #tpu.memory_space<vmem>>, vector<1x1x16xf32>,
        %parallel_loop3A_249 = vector.shape_cast %parallel_loop3A_248 : vector<1x1x16xf32> to vector<16xf32>
        %parallel_loop3A_250 = arith.constant 0 : i32
        %parallel_loop3A_251 = arith.index_cast %parallel_loop3A_250 : i32 to index
        %parallel_loop3A_252 = arith.index_cast %parallel_loop3A_223 : i32 to index
        %parallel_loop3A_253 = arith.constant 16 : index
        %parallel_loop3A_254 = tpu.vector_load %arg6[%parallel_loop3A_251, %parallel_loop3A_252, %parallel_loop3A_253] {strides = array<i32>} : memref<2x16x768xf32, #tpu.memory_space<vmem>>, vector<1x1x16xf32>,
        %parallel_loop3A_255 = vector.shape_cast %parallel_loop3A_254 : vector<1x1x16xf32> to vector<16xf32>
        %parallel_loop3A_256 = arith.addf %parallel_loop3A_249, %parallel_loop3A_255 : vector<16xf32>
        %parallel_loop3A_257 = arith.constant 0 : i32
        %parallel_loop3A_258 = arith.index_cast %parallel_loop3A_257 : i32 to index
        %parallel_loop3A_259 = arith.index_cast %parallel_loop3A_223 : i32 to index
        %parallel_loop3A_260 = arith.constant 16 : index
        %parallel_loop3A_261 = tpu.vector_load %arg7[%parallel_loop3A_258, %parallel_loop3A_259, %parallel_loop3A_260] {strides = array<i32>} : memref<2x16x768xf32, #tpu.memory_space<vmem>>, vector<1x1x16xf32>,
        %parallel_loop3A_262 = vector.shape_cast %parallel_loop3A_261 : vector<1x1x16xf32> to vector<16xf32>
        %parallel_loop3A_263 = vector.shape_cast %parallel_loop3A_256 : vector<16xf32> to vector<1x1x16xf32>
        tpu.vector_store %arg7[%parallel_loop3A_258, %parallel_loop3A_259, %parallel_loop3A_260], %parallel_loop3A_263 {strides = array<i32>} : memref<2x16x768xf32, #tpu.memory_space<vmem>>, vector<1x1x16xf32>,
        %parallel_loop3A_264 = arith.constant 0 : i32
        %parallel_loop3A_265 = arith.index_cast %parallel_loop3A_264 : i32 to index
        %parallel_loop3A_266 = arith.index_cast %parallel_loop3A_223 : i32 to index
        %parallel_loop3A_267 = arith.constant 32 : index
        %parallel_loop3A_268 = tpu.vector_load %arg5[%parallel_loop3A_265, %parallel_loop3A_266, %parallel_loop3A_267] {strides = array<i32>} : memref<2x16x768xf32, #tpu.memory_space<vmem>>, vector<1x1x16xf32>,
        %parallel_loop3A_269 = vector.shape_cast %parallel_loop3A_268 : vector<1x1x16xf32> to vector<16xf32>
        %parallel_loop3A_270 = arith.constant 0 : i32
        %parallel_loop3A_271 = arith.index_cast %parallel_loop3A_270 : i32 to index
        %parallel_loop3A_272 = arith.index_cast %parallel_loop3A_223 : i32 to index
        %parallel_loop3A_273 = arith.constant 32 : index
        %parallel_loop3A_274 = tpu.vector_load %arg6[%parallel_loop3A_271, %parallel_loop3A_272, %parallel_loop3A_273] {strides = array<i32>} : memref<2x16x768xf32, #tpu.memory_space<vmem>>, vector<1x1x16xf32>,
        %parallel_loop3A_275 = vector.shape_cast %parallel_loop3A_274 : vector<1x1x16xf32> to vector<16xf32>
        %parallel_loop3A_276 = arith.addf %parallel_loop3A_269, %parallel_loop3A_275 : vector<16xf32>
        %parallel_loop3A_277 = arith.constant 0 : i32
        %parallel_loop3A_278 = arith.index_cast %parallel_loop3A_277 : i32 to index
        %parallel_loop3A_279 = arith.index_cast %parallel_loop3A_223 : i32 to index
        %parallel_loop3A_280 = arith.constant 32 : index
        %parallel_loop3A_281 = tpu.vector_load %arg7[%parallel_loop3A_278, %parallel_loop3A_279, %parallel_loop3A_280] {strides = array<i32>} : memref<2x16x768xf32, #tpu.memory_space<vmem>>, vector<1x1x16xf32>,
        %parallel_loop3A_282 = vector.shape_cast %parallel_loop3A_281 : vector<1x1x16xf32> to vector<16xf32>
        %parallel_loop3A_283 = vector.shape_cast %parallel_loop3A_276 : vector<16xf32> to vector<1x1x16xf32>
        tpu.vector_store %arg7[%parallel_loop3A_278, %parallel_loop3A_279, %parallel_loop3A_280], %parallel_loop3A_283 {strides = array<i32>} : memref<2x16x768xf32, #tpu.memory_space<vmem>>, vector<1x1x16xf32>,
        %parallel_loop3A_284 = arith.constant 0 : i32
        %parallel_loop3A_285 = arith.index_cast %parallel_loop3A_284 : i32 to index
        %parallel_loop3A_286 = arith.index_cast %parallel_loop3A_223 : i32 to index
        %parallel_loop3A_287 = arith.constant 48 : index
        %parallel_loop3A_288 = tpu.vector_load %arg5[%parallel_loop3A_285, %parallel_loop3A_286, %parallel_loop3A_287] {strides = array<i32>} : memref<2x16x768xf32, #tpu.memory_space<vmem>>, vector<1x1x16xf32>,
        %parallel_loop3A_289 = vector.shape_cast %parallel_loop3A_288 : vector<1x1x16xf32> to vector<16xf32>
        %parallel_loop3A_290 = arith.constant 0 : i32
        %parallel_loop3A_291 = arith.index_cast %parallel_loop3A_290 : i32 to index
        %parallel_loop3A_292 = arith.index_cast %parallel_loop3A_223 : i32 to index
        %parallel_loop3A_293 = arith.constant 48 : index
        %parallel_loop3A_294 = tpu.vector_load %arg6[%parallel_loop3A_291, %parallel_loop3A_292, %parallel_loop3A_293] {strides = array<i32>} : memref<2x16x768xf32, #tpu.memory_space<vmem>>, vector<1x1x16xf32>,
        %parallel_loop3A_295 = vector.shape_cast %parallel_loop3A_294 : vector<1x1x16xf32> to vector<16xf32>
        %parallel_loop3A_296 = arith.addf %parallel_loop3A_289, %parallel_loop3A_295 : vector<16xf32>
        %parallel_loop3A_297 = arith.constant 0 : i32
        %parallel_loop3A_298 = arith.index_cast %parallel_loop3A_297 : i32 to index
        %parallel_loop3A_299 = arith.index_cast %parallel_loop3A_223 : i32 to index
        %parallel_loop3A_300 = arith.constant 48 : index
        %parallel_loop3A_301 = tpu.vector_load %arg7[%parallel_loop3A_298, %parallel_loop3A_299, %parallel_loop3A_300] {strides = array<i32>} : memref<2x16x768xf32, #tpu.memory_space<vmem>>, vector<1x1x16xf32>,
        %parallel_loop3A_302 = vector.shape_cast %parallel_loop3A_301 : vector<1x1x16xf32> to vector<16xf32>
        %parallel_loop3A_303 = vector.shape_cast %parallel_loop3A_296 : vector<16xf32> to vector<1x1x16xf32>
        tpu.vector_store %arg7[%parallel_loop3A_298, %parallel_loop3A_299, %parallel_loop3A_300], %parallel_loop3A_303 {strides = array<i32>} : memref<2x16x768xf32, #tpu.memory_space<vmem>>, vector<1x1x16xf32>,
        %parallel_loop3A_304 = arith.constant 0 : i32
        %parallel_loop3A_305 = arith.index_cast %parallel_loop3A_304 : i32 to index
        %parallel_loop3A_306 = arith.index_cast %parallel_loop3A_223 : i32 to index
        %parallel_loop3A_307 = arith.constant 64 : index
        %parallel_loop3A_308 = tpu.vector_load %arg5[%parallel_loop3A_305, %parallel_loop3A_306, %parallel_loop3A_307] {strides = array<i32>} : memref<2x16x768xf32, #tpu.memory_space<vmem>>, vector<1x1x16xf32>,
        %parallel_loop3A_309 = vector.shape_cast %parallel_loop3A_308 : vector<1x1x16xf32> to vector<16xf32>
        %parallel_loop3A_310 = arith.constant 0 : i32
        %parallel_loop3A_311 = arith.index_cast %parallel_loop3A_310 : i32 to index
        %parallel_loop3A_312 = arith.index_cast %parallel_loop3A_223 : i32 to index
        %parallel_loop3A_313 = arith.constant 64 : index
        %parallel_loop3A_314 = tpu.vector_load %arg6[%parallel_loop3A_311, %parallel_loop3A_312, %parallel_loop3A_313] {strides = array<i32>} : memref<2x16x768xf32, #tpu.memory_space<vmem>>, vector<1x1x16xf32>,
        %parallel_loop3A_315 = vector.shape_cast %parallel_loop3A_314 : vector<1x1x16xf32> to vector<16xf32>
        %parallel_loop3A_316 = arith.addf %parallel_loop3A_309, %parallel_loop3A_315 : vector<16xf32>
        %parallel_loop3A_317 = arith.constant 0 : i32
        %parallel_loop3A_318 = arith.index_cast %parallel_loop3A_317 : i32 to index
        %parallel_loop3A_319 = arith.index_cast %parallel_loop3A_223 : i32 to index
        %parallel_loop3A_320 = arith.constant 64 : index
        %parallel_loop3A_321 = tpu.vector_load %arg7[%parallel_loop3A_318, %parallel_loop3A_319, %parallel_loop3A_320] {strides = array<i32>} : memref<2x16x768xf32, #tpu.memory_space<vmem>>, vector<1x1x16xf32>,
        %parallel_loop3A_322 = vector.shape_cast %parallel_loop3A_321 : vector<1x1x16xf32> to vector<16xf32>
        %parallel_loop3A_323 = vector.shape_cast %parallel_loop3A_316 : vector<16xf32> to vector<1x1x16xf32>
        tpu.vector_store %arg7[%parallel_loop3A_318, %parallel_loop3A_319, %parallel_loop3A_320], %parallel_loop3A_323 {strides = array<i32>} : memref<2x16x768xf32, #tpu.memory_space<vmem>>, vector<1x1x16xf32>,
        %parallel_loop3A_324 = arith.constant 0 : i32
        %parallel_loop3A_325 = arith.index_cast %parallel_loop3A_324 : i32 to index
        %parallel_loop3A_326 = arith.index_cast %parallel_loop3A_223 : i32 to index
        %parallel_loop3A_327 = arith.constant 80 : index
        %parallel_loop3A_328 = tpu.vector_load %arg5[%parallel_loop3A_325, %parallel_loop3A_326, %parallel_loop3A_327] {strides = array<i32>} : memref<2x16x768xf32, #tpu.memory_space<vmem>>, vector<1x1x16xf32>,
        %parallel_loop3A_329 = vector.shape_cast %parallel_loop3A_328 : vector<1x1x16xf32> to vector<16xf32>
        %parallel_loop3A_330 = arith.constant 0 : i32
        %parallel_loop3A_331 = arith.index_cast %parallel_loop3A_330 : i32 to index
        %parallel_loop3A_332 = arith.index_cast %parallel_loop3A_223 : i32 to index
        %parallel_loop3A_333 = arith.constant 80 : index
        %parallel_loop3A_334 = tpu.vector_load %arg6[%parallel_loop3A_331, %parallel_loop3A_332, %parallel_loop3A_333] {strides = array<i32>} : memref<2x16x768xf32, #tpu.memory_space<vmem>>, vector<1x1x16xf32>,
        %parallel_loop3A_335 = vector.shape_cast %parallel_loop3A_334 : vector<1x1x16xf32> to vector<16xf32>
        %parallel_loop3A_336 = arith.addf %parallel_loop3A_329, %parallel_loop3A_335 : vector<16xf32>
        %parallel_loop3A_337 = arith.constant 0 : i32
        %parallel_loop3A_338 = arith.index_cast %parallel_loop3A_337 : i32 to index
        %parallel_loop3A_339 = arith.index_cast %parallel_loop3A_223 : i32 to index
        %parallel_loop3A_340 = arith.constant 80 : index
        %parallel_loop3A_341 = tpu.vector_load %arg7[%parallel_loop3A_338, %parallel_loop3A_339, %parallel_loop3A_340] {strides = array<i32>} : memref<2x16x768xf32, #tpu.memory_space<vmem>>, vector<1x1x16xf32>,
        %parallel_loop3A_342 = vector.shape_cast %parallel_loop3A_341 : vector<1x1x16xf32> to vector<16xf32>
        %parallel_loop3A_343 = vector.shape_cast %parallel_loop3A_336 : vector<16xf32> to vector<1x1x16xf32>
        tpu.vector_store %arg7[%parallel_loop3A_338, %parallel_loop3A_339, %parallel_loop3A_340], %parallel_loop3A_343 {strides = array<i32>} : memref<2x16x768xf32, #tpu.memory_space<vmem>>, vector<1x1x16xf32>,
        %parallel_loop3A_344 = arith.constant 0 : i32
        %parallel_loop3A_345 = arith.index_cast %parallel_loop3A_344 : i32 to index
        %parallel_loop3A_346 = arith.index_cast %parallel_loop3A_223 : i32 to index
        %parallel_loop3A_347 = arith.constant 96 : index
        %parallel_loop3A_348 = tpu.vector_load %arg5[%parallel_loop3A_345, %parallel_loop3A_346, %parallel_loop3A_347] {strides = array<i32>} : memref<2x16x768xf32, #tpu.memory_space<vmem>>, vector<1x1x16xf32>,
        %parallel_loop3A_349 = vector.shape_cast %parallel_loop3A_348 : vector<1x1x16xf32> to vector<16xf32>
        %parallel_loop3A_350 = arith.constant 0 : i32
        %parallel_loop3A_351 = arith.index_cast %parallel_loop3A_350 : i32 to index
        %parallel_loop3A_352 = arith.index_cast %parallel_loop3A_223 : i32 to index
        %parallel_loop3A_353 = arith.constant 96 : index
        %parallel_loop3A_354 = tpu.vector_load %arg6[%parallel_loop3A_351, %parallel_loop3A_352, %parallel_loop3A_353] {strides = array<i32>} : memref<2x16x768xf32, #tpu.memory_space<vmem>>, vector<1x1x16xf32>,
        %parallel_loop3A_355 = vector.shape_cast %parallel_loop3A_354 : vector<1x1x16xf32> to vector<16xf32>
        %parallel_loop3A_356 = arith.addf %parallel_loop3A_349, %parallel_loop3A_355 : vector<16xf32>
        %parallel_loop3A_357 = arith.constant 0 : i32
        %parallel_loop3A_358 = arith.index_cast %parallel_loop3A_357 : i32 to index
        %parallel_loop3A_359 = arith.index_cast %parallel_loop3A_223 : i32 to index
        %parallel_loop3A_360 = arith.constant 96 : index
        %parallel_loop3A_361 = tpu.vector_load %arg7[%parallel_loop3A_358, %parallel_loop3A_359, %parallel_loop3A_360] {strides = array<i32>} : memref<2x16x768xf32, #tpu.memory_space<vmem>>, vector<1x1x16xf32>,
        %parallel_loop3A_362 = vector.shape_cast %parallel_loop3A_361 : vector<1x1x16xf32> to vector<16xf32>
        %parallel_loop3A_363 = vector.shape_cast %parallel_loop3A_356 : vector<16xf32> to vector<1x1x16xf32>
        tpu.vector_store %arg7[%parallel_loop3A_358, %parallel_loop3A_359, %parallel_loop3A_360], %parallel_loop3A_363 {strides = array<i32>} : memref<2x16x768xf32, #tpu.memory_space<vmem>>, vector<1x1x16xf32>,
        %parallel_loop3A_364 = arith.constant 0 : i32
        %parallel_loop3A_365 = arith.index_cast %parallel_loop3A_364 : i32 to index
        %parallel_loop3A_366 = arith.index_cast %parallel_loop3A_223 : i32 to index
        %parallel_loop3A_367 = arith.constant 112 : index
        %parallel_loop3A_368 = tpu.vector_load %arg5[%parallel_loop3A_365, %parallel_loop3A_366, %parallel_loop3A_367] {strides = array<i32>} : memref<2x16x768xf32, #tpu.memory_space<vmem>>, vector<1x1x16xf32>,
        %parallel_loop3A_369 = vector.shape_cast %parallel_loop3A_368 : vector<1x1x16xf32> to vector<16xf32>
        %parallel_loop3A_370 = arith.constant 0 : i32
        %parallel_loop3A_371 = arith.index_cast %parallel_loop3A_370 : i32 to index
        %parallel_loop3A_372 = arith.index_cast %parallel_loop3A_223 : i32 to index
        %parallel_loop3A_373 = arith.constant 112 : index
        %parallel_loop3A_374 = tpu.vector_load %arg6[%parallel_loop3A_371, %parallel_loop3A_372, %parallel_loop3A_373] {strides = array<i32>} : memref<2x16x768xf32, #tpu.memory_space<vmem>>, vector<1x1x16xf32>,
        %parallel_loop3A_375 = vector.shape_cast %parallel_loop3A_374 : vector<1x1x16xf32> to vector<16xf32>
        %parallel_loop3A_376 = arith.addf %parallel_loop3A_369, %parallel_loop3A_375 : vector<16xf32>
        %parallel_loop3A_377 = arith.constant 0 : i32
        %parallel_loop3A_378 = arith.index_cast %parallel_loop3A_377 : i32 to index
        %parallel_loop3A_379 = arith.index_cast %parallel_loop3A_223 : i32 to index
        %parallel_loop3A_380 = arith.constant 112 : index
        %parallel_loop3A_381 = tpu.vector_load %arg7[%parallel_loop3A_378, %parallel_loop3A_379, %parallel_loop3A_380] {strides = array<i32>} : memref<2x16x768xf32, #tpu.memory_space<vmem>>, vector<1x1x16xf32>,
        %parallel_loop3A_382 = vector.shape_cast %parallel_loop3A_381 : vector<1x1x16xf32> to vector<16xf32>
        %parallel_loop3A_383 = vector.shape_cast %parallel_loop3A_376 : vector<16xf32> to vector<1x1x16xf32>
        tpu.vector_store %arg7[%parallel_loop3A_378, %parallel_loop3A_379, %parallel_loop3A_380], %parallel_loop3A_383 {strides = array<i32>} : memref<2x16x768xf32, #tpu.memory_space<vmem>>, vector<1x1x16xf32>,
        %parallel_loop3A_384 = arith.constant 0 : i32
        %parallel_loop3A_385 = arith.index_cast %parallel_loop3A_384 : i32 to index
        %parallel_loop3A_386 = arith.index_cast %parallel_loop3A_223 : i32 to index
        %parallel_loop3A_387 = arith.constant 128 : index
        %parallel_loop3A_388 = tpu.vector_load %arg5[%parallel_loop3A_385, %parallel_loop3A_386, %parallel_loop3A_387] {strides = array<i32>} : memref<2x16x768xf32, #tpu.memory_space<vmem>>, vector<1x1x16xf32>,
        %parallel_loop3A_389 = vector.shape_cast %parallel_loop3A_388 : vector<1x1x16xf32> to vector<16xf32>
        %parallel_loop3A_390 = arith.constant 0 : i32
        %parallel_loop3A_391 = arith.index_cast %parallel_loop3A_390 : i32 to index
        %parallel_loop3A_392 = arith.index_cast %parallel_loop3A_223 : i32 to index
        %parallel_loop3A_393 = arith.constant 128 : index
        %parallel_loop3A_394 = tpu.vector_load %arg6[%parallel_loop3A_391, %parallel_loop3A_392, %parallel_loop3A_393] {strides = array<i32>} : memref<2x16x768xf32, #tpu.memory_space<vmem>>, vector<1x1x16xf32>,
        %parallel_loop3A_395 = vector.shape_cast %parallel_loop3A_394 : vector<1x1x16xf32> to vector<16xf32>
        %parallel_loop3A_396 = arith.addf %parallel_loop3A_389, %parallel_loop3A_395 : vector<16xf32>
        %parallel_loop3A_397 = arith.constant 0 : i32
        %parallel_loop3A_398 = arith.index_cast %parallel_loop3A_397 : i32 to index
        %parallel_loop3A_399 = arith.index_cast %parallel_loop3A_223 : i32 to index
        %parallel_loop3A_400 = arith.constant 128 : index
        %parallel_loop3A_401 = tpu.vector_load %arg7[%parallel_loop3A_398, %parallel_loop3A_399, %parallel_loop3A_400] {strides = array<i32>} : memref<2x16x768xf32, #tpu.memory_space<vmem>>, vector<1x1x16xf32>,
        %parallel_loop3A_402 = vector.shape_cast %parallel_loop3A_401 : vector<1x1x16xf32> to vector<16xf32>
        %parallel_loop3A_403 = vector.shape_cast %parallel_loop3A_396 : vector<16xf32> to vector<1x1x16xf32>
        tpu.vector_store %arg7[%parallel_loop3A_398, %parallel_loop3A_399, %parallel_loop3A_400], %parallel_loop3A_403 {strides = array<i32>} : memref<2x16x768xf32, #tpu.memory_space<vmem>>, vector<1x1x16xf32>,
        %parallel_loop3A_404 = arith.constant 0 : i32
        %parallel_loop3A_405 = arith.index_cast %parallel_loop3A_404 : i32 to index
        %parallel_loop3A_406 = arith.index_cast %parallel_loop3A_223 : i32 to index
        %parallel_loop3A_407 = arith.constant 144 : index
        %parallel_loop3A_408 = tpu.vector_load %arg5[%parallel_loop3A_405, %parallel_loop3A_406, %parallel_loop3A_407] {strides = array<i32>} : memref<2x16x768xf32, #tpu.memory_space<vmem>>, vector<1x1x16xf32>,
        %parallel_loop3A_409 = vector.shape_cast %parallel_loop3A_408 : vector<1x1x16xf32> to vector<16xf32>
        %parallel_loop3A_410 = arith.constant 0 : i32
        %parallel_loop3A_411 = arith.index_cast %parallel_loop3A_410 : i32 to index
        %parallel_loop3A_412 = arith.index_cast %parallel_loop3A_223 : i32 to index
        %parallel_loop3A_413 = arith.constant 144 : index
        %parallel_loop3A_414 = tpu.vector_load %arg6[%parallel_loop3A_411, %parallel_loop3A_412, %parallel_loop3A_413] {strides = array<i32>} : memref<2x16x768xf32, #tpu.memory_space<vmem>>, vector<1x1x16xf32>,
        %parallel_loop3A_415 = vector.shape_cast %parallel_loop3A_414 : vector<1x1x16xf32> to vector<16xf32>
        %parallel_loop3A_416 = arith.addf %parallel_loop3A_409, %parallel_loop3A_415 : vector<16xf32>
        %parallel_loop3A_417 = arith.constant 0 : i32
        %parallel_loop3A_418 = arith.index_cast %parallel_loop3A_417 : i32 to index
        %parallel_loop3A_419 = arith.index_cast %parallel_loop3A_223 : i32 to index
        %parallel_loop3A_420 = arith.constant 144 : index
        %parallel_loop3A_421 = tpu.vector_load %arg7[%parallel_loop3A_418, %parallel_loop3A_419, %parallel_loop3A_420] {strides = array<i32>} : memref<2x16x768xf32, #tpu.memory_space<vmem>>, vector<1x1x16xf32>,
        %parallel_loop3A_422 = vector.shape_cast %parallel_loop3A_421 : vector<1x1x16xf32> to vector<16xf32>
        %parallel_loop3A_423 = vector.shape_cast %parallel_loop3A_416 : vector<16xf32> to vector<1x1x16xf32>
        tpu.vector_store %arg7[%parallel_loop3A_418, %parallel_loop3A_419, %parallel_loop3A_420], %parallel_loop3A_423 {strides = array<i32>} : memref<2x16x768xf32, #tpu.memory_space<vmem>>, vector<1x1x16xf32>,
        %parallel_loop3A_424 = arith.constant 0 : i32
        %parallel_loop3A_425 = arith.index_cast %parallel_loop3A_424 : i32 to index
        %parallel_loop3A_426 = arith.index_cast %parallel_loop3A_223 : i32 to index
        %parallel_loop3A_427 = arith.constant 160 : index
        %parallel_loop3A_428 = tpu.vector_load %arg5[%parallel_loop3A_425, %parallel_loop3A_426, %parallel_loop3A_427] {strides = array<i32>} : memref<2x16x768xf32, #tpu.memory_space<vmem>>, vector<1x1x16xf32>,
        %parallel_loop3A_429 = vector.shape_cast %parallel_loop3A_428 : vector<1x1x16xf32> to vector<16xf32>
        %parallel_loop3A_430 = arith.constant 0 : i32
        %parallel_loop3A_431 = arith.index_cast %parallel_loop3A_430 : i32 to index
        %parallel_loop3A_432 = arith.index_cast %parallel_loop3A_223 : i32 to index
        %parallel_loop3A_433 = arith.constant 160 : index
        %parallel_loop3A_434 = tpu.vector_load %arg6[%parallel_loop3A_431, %parallel_loop3A_432, %parallel_loop3A_433] {strides = array<i32>} : memref<2x16x768xf32, #tpu.memory_space<vmem>>, vector<1x1x16xf32>,
        %parallel_loop3A_435 = vector.shape_cast %parallel_loop3A_434 : vector<1x1x16xf32> to vector<16xf32>
        %parallel_loop3A_436 = arith.addf %parallel_loop3A_429, %parallel_loop3A_435 : vector<16xf32>
        %parallel_loop3A_437 = arith.constant 0 : i32
        %parallel_loop3A_438 = arith.index_cast %parallel_loop3A_437 : i32 to index
        %parallel_loop3A_439 = arith.index_cast %parallel_loop3A_223 : i32 to index
        %parallel_loop3A_440 = arith.constant 160 : index
        %parallel_loop3A_441 = tpu.vector_load %arg7[%parallel_loop3A_438, %parallel_loop3A_439, %parallel_loop3A_440] {strides = array<i32>} : memref<2x16x768xf32, #tpu.memory_space<vmem>>, vector<1x1x16xf32>,
        %parallel_loop3A_442 = vector.shape_cast %parallel_loop3A_441 : vector<1x1x16xf32> to vector<16xf32>
        %parallel_loop3A_443 = vector.shape_cast %parallel_loop3A_436 : vector<16xf32> to vector<1x1x16xf32>
        tpu.vector_store %arg7[%parallel_loop3A_438, %parallel_loop3A_439, %parallel_loop3A_440], %parallel_loop3A_443 {strides = array<i32>} : memref<2x16x768xf32, #tpu.memory_space<vmem>>, vector<1x1x16xf32>,
        %parallel_loop3A_444 = arith.constant 0 : i32
        %parallel_loop3A_445 = arith.index_cast %parallel_loop3A_444 : i32 to index
        %parallel_loop3A_446 = arith.index_cast %parallel_loop3A_223 : i32 to index
        %parallel_loop3A_447 = arith.constant 176 : index
        %parallel_loop3A_448 = tpu.vector_load %arg5[%parallel_loop3A_445, %parallel_loop3A_446, %parallel_loop3A_447] {strides = array<i32>} : memref<2x16x768xf32, #tpu.memory_space<vmem>>, vector<1x1x16xf32>,
        %parallel_loop3A_449 = vector.shape_cast %parallel_loop3A_448 : vector<1x1x16xf32> to vector<16xf32>
        %parallel_loop3A_450 = arith.constant 0 : i32
        %parallel_loop3A_451 = arith.index_cast %parallel_loop3A_450 : i32 to index
        %parallel_loop3A_452 = arith.index_cast %parallel_loop3A_223 : i32 to index
        %parallel_loop3A_453 = arith.constant 176 : index
        %parallel_loop3A_454 = tpu.vector_load %arg6[%parallel_loop3A_451, %parallel_loop3A_452, %parallel_loop3A_453] {strides = array<i32>} : memref<2x16x768xf32, #tpu.memory_space<vmem>>, vector<1x1x16xf32>,
        %parallel_loop3A_455 = vector.shape_cast %parallel_loop3A_454 : vector<1x1x16xf32> to vector<16xf32>
        %parallel_loop3A_456 = arith.addf %parallel_loop3A_449, %parallel_loop3A_455 : vector<16xf32>
        %parallel_loop3A_457 = arith.constant 0 : i32
        %parallel_loop3A_458 = arith.index_cast %parallel_loop3A_457 : i32 to index
        %parallel_loop3A_459 = arith.index_cast %parallel_loop3A_223 : i32 to index
        %parallel_loop3A_460 = arith.constant 176 : index
        %parallel_loop3A_461 = tpu.vector_load %arg7[%parallel_loop3A_458, %parallel_loop3A_459, %parallel_loop3A_460] {strides = array<i32>} : memref<2x16x768xf32, #tpu.memory_space<vmem>>, vector<1x1x16xf32>,
        %parallel_loop3A_462 = vector.shape_cast %parallel_loop3A_461 : vector<1x1x16xf32> to vector<16xf32>
        %parallel_loop3A_463 = vector.shape_cast %parallel_loop3A_456 : vector<16xf32> to vector<1x1x16xf32>
        tpu.vector_store %arg7[%parallel_loop3A_458, %parallel_loop3A_459, %parallel_loop3A_460], %parallel_loop3A_463 {strides = array<i32>} : memref<2x16x768xf32, #tpu.memory_space<vmem>>, vector<1x1x16xf32>,
        %parallel_loop3A_464 = arith.constant 0 : i32
        %parallel_loop3A_465 = arith.index_cast %parallel_loop3A_464 : i32 to index
        %parallel_loop3A_466 = arith.index_cast %parallel_loop3A_223 : i32 to index
        %parallel_loop3A_467 = arith.constant 192 : index
        %parallel_loop3A_468 = tpu.vector_load %arg5[%parallel_loop3A_465, %parallel_loop3A_466, %parallel_loop3A_467] {strides = array<i32>} : memref<2x16x768xf32, #tpu.memory_space<vmem>>, vector<1x1x16xf32>,
        %parallel_loop3A_469 = vector.shape_cast %parallel_loop3A_468 : vector<1x1x16xf32> to vector<16xf32>
        %parallel_loop3A_470 = arith.constant 0 : i32
        %parallel_loop3A_471 = arith.index_cast %parallel_loop3A_470 : i32 to index
        %parallel_loop3A_472 = arith.index_cast %parallel_loop3A_223 : i32 to index
        %parallel_loop3A_473 = arith.constant 192 : index
        %parallel_loop3A_474 = tpu.vector_load %arg6[%parallel_loop3A_471, %parallel_loop3A_472, %parallel_loop3A_473] {strides = array<i32>} : memref<2x16x768xf32, #tpu.memory_space<vmem>>, vector<1x1x16xf32>,
        %parallel_loop3A_475 = vector.shape_cast %parallel_loop3A_474 : vector<1x1x16xf32> to vector<16xf32>
        %parallel_loop3A_476 = arith.addf %parallel_loop3A_469, %parallel_loop3A_475 : vector<16xf32>
        %parallel_loop3A_477 = arith.constant 0 : i32
        %parallel_loop3A_478 = arith.index_cast %parallel_loop3A_477 : i32 to index
        %parallel_loop3A_479 = arith.index_cast %parallel_loop3A_223 : i32 to index
        %parallel_loop3A_480 = arith.constant 192 : index
        %parallel_loop3A_481 = tpu.vector_load %arg7[%parallel_loop3A_478, %parallel_loop3A_479, %parallel_loop3A_480] {strides = array<i32>} : memref<2x16x768xf32, #tpu.memory_space<vmem>>, vector<1x1x16xf32>,
        %parallel_loop3A_482 = vector.shape_cast %parallel_loop3A_481 : vector<1x1x16xf32> to vector<16xf32>
        %parallel_loop3A_483 = vector.shape_cast %parallel_loop3A_476 : vector<16xf32> to vector<1x1x16xf32>
        tpu.vector_store %arg7[%parallel_loop3A_478, %parallel_loop3A_479, %parallel_loop3A_480], %parallel_loop3A_483 {strides = array<i32>} : memref<2x16x768xf32, #tpu.memory_space<vmem>>, vector<1x1x16xf32>,
        %parallel_loop3A_484 = arith.constant 0 : i32
        %parallel_loop3A_485 = arith.index_cast %parallel_loop3A_484 : i32 to index
        %parallel_loop3A_486 = arith.index_cast %parallel_loop3A_223 : i32 to index
        %parallel_loop3A_487 = arith.constant 208 : index
        %parallel_loop3A_488 = tpu.vector_load %arg5[%parallel_loop3A_485, %parallel_loop3A_486, %parallel_loop3A_487] {strides = array<i32>} : memref<2x16x768xf32, #tpu.memory_space<vmem>>, vector<1x1x16xf32>,
        %parallel_loop3A_489 = vector.shape_cast %parallel_loop3A_488 : vector<1x1x16xf32> to vector<16xf32>
        %parallel_loop3A_490 = arith.constant 0 : i32
        %parallel_loop3A_491 = arith.index_cast %parallel_loop3A_490 : i32 to index
        %parallel_loop3A_492 = arith.index_cast %parallel_loop3A_223 : i32 to index
        %parallel_loop3A_493 = arith.constant 208 : index
        %parallel_loop3A_494 = tpu.vector_load %arg6[%parallel_loop3A_491, %parallel_loop3A_492, %parallel_loop3A_493] {strides = array<i32>} : memref<2x16x768xf32, #tpu.memory_space<vmem>>, vector<1x1x16xf32>,
        %parallel_loop3A_495 = vector.shape_cast %parallel_loop3A_494 : vector<1x1x16xf32> to vector<16xf32>
        %parallel_loop3A_496 = arith.addf %parallel_loop3A_489, %parallel_loop3A_495 : vector<16xf32>
        %parallel_loop3A_497 = arith.constant 0 : i32
        %parallel_loop3A_498 = arith.index_cast %parallel_loop3A_497 : i32 to index
        %parallel_loop3A_499 = arith.index_cast %parallel_loop3A_223 : i32 to index
        %parallel_loop3A_500 = arith.constant 208 : index
        %parallel_loop3A_501 = tpu.vector_load %arg7[%parallel_loop3A_498, %parallel_loop3A_499, %parallel_loop3A_500] {strides = array<i32>} : memref<2x16x768xf32, #tpu.memory_space<vmem>>, vector<1x1x16xf32>,
        %parallel_loop3A_502 = vector.shape_cast %parallel_loop3A_501 : vector<1x1x16xf32> to vector<16xf32>
        %parallel_loop3A_503 = vector.shape_cast %parallel_loop3A_496 : vector<16xf32> to vector<1x1x16xf32>
        tpu.vector_store %arg7[%parallel_loop3A_498, %parallel_loop3A_499, %parallel_loop3A_500], %parallel_loop3A_503 {strides = array<i32>} : memref<2x16x768xf32, #tpu.memory_space<vmem>>, vector<1x1x16xf32>,
        %parallel_loop3A_504 = arith.constant 0 : i32
        %parallel_loop3A_505 = arith.index_cast %parallel_loop3A_504 : i32 to index
        %parallel_loop3A_506 = arith.index_cast %parallel_loop3A_223 : i32 to index
        %parallel_loop3A_507 = arith.constant 224 : index
        %parallel_loop3A_508 = tpu.vector_load %arg5[%parallel_loop3A_505, %parallel_loop3A_506, %parallel_loop3A_507] {strides = array<i32>} : memref<2x16x768xf32, #tpu.memory_space<vmem>>, vector<1x1x16xf32>,
        %parallel_loop3A_509 = vector.shape_cast %parallel_loop3A_508 : vector<1x1x16xf32> to vector<16xf32>
        %parallel_loop3A_510 = arith.constant 0 : i32
        %parallel_loop3A_511 = arith.index_cast %parallel_loop3A_510 : i32 to index
        %parallel_loop3A_512 = arith.index_cast %parallel_loop3A_223 : i32 to index
        %parallel_loop3A_513 = arith.constant 224 : index
        %parallel_loop3A_514 = tpu.vector_load %arg6[%parallel_loop3A_511, %parallel_loop3A_512, %parallel_loop3A_513] {strides = array<i32>} : memref<2x16x768xf32, #tpu.memory_space<vmem>>, vector<1x1x16xf32>,
        %parallel_loop3A_515 = vector.shape_cast %parallel_loop3A_514 : vector<1x1x16xf32> to vector<16xf32>
        %parallel_loop3A_516 = arith.addf %parallel_loop3A_509, %parallel_loop3A_515 : vector<16xf32>
        %parallel_loop3A_517 = arith.constant 0 : i32
        %parallel_loop3A_518 = arith.index_cast %parallel_loop3A_517 : i32 to index
        %parallel_loop3A_519 = arith.index_cast %parallel_loop3A_223 : i32 to index
        %parallel_loop3A_520 = arith.constant 224 : index
        %parallel_loop3A_521 = tpu.vector_load %arg7[%parallel_loop3A_518, %parallel_loop3A_519, %parallel_loop3A_520] {strides = array<i32>} : memref<2x16x768xf32, #tpu.memory_space<vmem>>, vector<1x1x16xf32>,
        %parallel_loop3A_522 = vector.shape_cast %parallel_loop3A_521 : vector<1x1x16xf32> to vector<16xf32>
        %parallel_loop3A_523 = vector.shape_cast %parallel_loop3A_516 : vector<16xf32> to vector<1x1x16xf32>
        tpu.vector_store %arg7[%parallel_loop3A_518, %parallel_loop3A_519, %parallel_loop3A_520], %parallel_loop3A_523 {strides = array<i32>} : memref<2x16x768xf32, #tpu.memory_space<vmem>>, vector<1x1x16xf32>,
        %parallel_loop3A_524 = arith.constant 0 : i32
        %parallel_loop3A_525 = arith.index_cast %parallel_loop3A_524 : i32 to index
        %parallel_loop3A_526 = arith.index_cast %parallel_loop3A_223 : i32 to index
        %parallel_loop3A_527 = arith.constant 240 : index
        %parallel_loop3A_528 = tpu.vector_load %arg5[%parallel_loop3A_525, %parallel_loop3A_526, %parallel_loop3A_527] {strides = array<i32>} : memref<2x16x768xf32, #tpu.memory_space<vmem>>, vector<1x1x16xf32>,
        %parallel_loop3A_529 = vector.shape_cast %parallel_loop3A_528 : vector<1x1x16xf32> to vector<16xf32>
        %parallel_loop3A_530 = arith.constant 0 : i32
        %parallel_loop3A_531 = arith.index_cast %parallel_loop3A_530 : i32 to index
        %parallel_loop3A_532 = arith.index_cast %parallel_loop3A_223 : i32 to index
        %parallel_loop3A_533 = arith.constant 240 : index
        %parallel_loop3A_534 = tpu.vector_load %arg6[%parallel_loop3A_531, %parallel_loop3A_532, %parallel_loop3A_533] {strides = array<i32>} : memref<2x16x768xf32, #tpu.memory_space<vmem>>, vector<1x1x16xf32>,
        %parallel_loop3A_535 = vector.shape_cast %parallel_loop3A_534 : vector<1x1x16xf32> to vector<16xf32>
        %parallel_loop3A_536 = arith.addf %parallel_loop3A_529, %parallel_loop3A_535 : vector<16xf32>
        %parallel_loop3A_537 = arith.constant 0 : i32
        %parallel_loop3A_538 = arith.index_cast %parallel_loop3A_537 : i32 to index
        %parallel_loop3A_539 = arith.index_cast %parallel_loop3A_223 : i32 to index
        %parallel_loop3A_540 = arith.constant 240 : index
        %parallel_loop3A_541 = tpu.vector_load %arg7[%parallel_loop3A_538, %parallel_loop3A_539, %parallel_loop3A_540] {strides = array<i32>} : memref<2x16x768xf32, #tpu.memory_space<vmem>>, vector<1x1x16xf32>,
        %parallel_loop3A_542 = vector.shape_cast %parallel_loop3A_541 : vector<1x1x16xf32> to vector<16xf32>
        %parallel_loop3A_543 = vector.shape_cast %parallel_loop3A_536 : vector<16xf32> to vector<1x1x16xf32>
        tpu.vector_store %arg7[%parallel_loop3A_538, %parallel_loop3A_539, %parallel_loop3A_540], %parallel_loop3A_543 {strides = array<i32>} : memref<2x16x768xf32, #tpu.memory_space<vmem>>, vector<1x1x16xf32>,
        %parallel_loop3A_544 = arith.constant 0 : i32
        %parallel_loop3A_545 = arith.index_cast %parallel_loop3A_544 : i32 to index
        %parallel_loop3A_546 = arith.index_cast %parallel_loop3A_223 : i32 to index
        %parallel_loop3A_547 = arith.constant 256 : index
        %parallel_loop3A_548 = tpu.vector_load %arg5[%parallel_loop3A_545, %parallel_loop3A_546, %parallel_loop3A_547] {strides = array<i32>} : memref<2x16x768xf32, #tpu.memory_space<vmem>>, vector<1x1x16xf32>,
        %parallel_loop3A_549 = vector.shape_cast %parallel_loop3A_548 : vector<1x1x16xf32> to vector<16xf32>
        %parallel_loop3A_550 = arith.constant 0 : i32
        %parallel_loop3A_551 = arith.index_cast %parallel_loop3A_550 : i32 to index
        %parallel_loop3A_552 = arith.index_cast %parallel_loop3A_223 : i32 to index
        %parallel_loop3A_553 = arith.constant 256 : index
        %parallel_loop3A_554 = tpu.vector_load %arg6[%parallel_loop3A_551, %parallel_loop3A_552, %parallel_loop3A_553] {strides = array<i32>} : memref<2x16x768xf32, #tpu.memory_space<vmem>>, vector<1x1x16xf32>,
        %parallel_loop3A_555 = vector.shape_cast %parallel_loop3A_554 : vector<1x1x16xf32> to vector<16xf32>
        %parallel_loop3A_556 = arith.addf %parallel_loop3A_549, %parallel_loop3A_555 : vector<16xf32>
        %parallel_loop3A_557 = arith.constant 0 : i32
        %parallel_loop3A_558 = arith.index_cast %parallel_loop3A_557 : i32 to index
        %parallel_loop3A_559 = arith.index_cast %parallel_loop3A_223 : i32 to index
        %parallel_loop3A_560 = arith.constant 256 : index
        %parallel_loop3A_561 = tpu.vector_load %arg7[%parallel_loop3A_558, %parallel_loop3A_559, %parallel_loop3A_560] {strides = array<i32>} : memref<2x16x768xf32, #tpu.memory_space<vmem>>, vector<1x1x16xf32>,
        %parallel_loop3A_562 = vector.shape_cast %parallel_loop3A_561 : vector<1x1x16xf32> to vector<16xf32>
        %parallel_loop3A_563 = vector.shape_cast %parallel_loop3A_556 : vector<16xf32> to vector<1x1x16xf32>
        tpu.vector_store %arg7[%parallel_loop3A_558, %parallel_loop3A_559, %parallel_loop3A_560], %parallel_loop3A_563 {strides = array<i32>} : memref<2x16x768xf32, #tpu.memory_space<vmem>>, vector<1x1x16xf32>,
        %parallel_loop3A_564 = arith.constant 0 : i32
        %parallel_loop3A_565 = arith.index_cast %parallel_loop3A_564 : i32 to index
        %parallel_loop3A_566 = arith.index_cast %parallel_loop3A_223 : i32 to index
        %parallel_loop3A_567 = arith.constant 272 : index
        %parallel_loop3A_568 = tpu.vector_load %arg5[%parallel_loop3A_565, %parallel_loop3A_566, %parallel_loop3A_567] {strides = array<i32>} : memref<2x16x768xf32, #tpu.memory_space<vmem>>, vector<1x1x16xf32>,
        %parallel_loop3A_569 = vector.shape_cast %parallel_loop3A_568 : vector<1x1x16xf32> to vector<16xf32>
        %parallel_loop3A_570 = arith.constant 0 : i32
        %parallel_loop3A_571 = arith.index_cast %parallel_loop3A_570 : i32 to index
        %parallel_loop3A_572 = arith.index_cast %parallel_loop3A_223 : i32 to index
        %parallel_loop3A_573 = arith.constant 272 : index
        %parallel_loop3A_574 = tpu.vector_load %arg6[%parallel_loop3A_571, %parallel_loop3A_572, %parallel_loop3A_573] {strides = array<i32>} : memref<2x16x768xf32, #tpu.memory_space<vmem>>, vector<1x1x16xf32>,
        %parallel_loop3A_575 = vector.shape_cast %parallel_loop3A_574 : vector<1x1x16xf32> to vector<16xf32>
        %parallel_loop3A_576 = arith.addf %parallel_loop3A_569, %parallel_loop3A_575 : vector<16xf32>
        %parallel_loop3A_577 = arith.constant 0 : i32
        %parallel_loop3A_578 = arith.index_cast %parallel_loop3A_577 : i32 to index
        %parallel_loop3A_579 = arith.index_cast %parallel_loop3A_223 : i32 to index
        %parallel_loop3A_580 = arith.constant 272 : index
        %parallel_loop3A_581 = tpu.vector_load %arg7[%parallel_loop3A_578, %parallel_loop3A_579, %parallel_loop3A_580] {strides = array<i32>} : memref<2x16x768xf32, #tpu.memory_space<vmem>>, vector<1x1x16xf32>,
        %parallel_loop3A_582 = vector.shape_cast %parallel_loop3A_581 : vector<1x1x16xf32> to vector<16xf32>
        %parallel_loop3A_583 = vector.shape_cast %parallel_loop3A_576 : vector<16xf32> to vector<1x1x16xf32>
        tpu.vector_store %arg7[%parallel_loop3A_578, %parallel_loop3A_579, %parallel_loop3A_580], %parallel_loop3A_583 {strides = array<i32>} : memref<2x16x768xf32, #tpu.memory_space<vmem>>, vector<1x1x16xf32>,
        %parallel_loop3A_584 = arith.constant 0 : i32
        %parallel_loop3A_585 = arith.index_cast %parallel_loop3A_584 : i32 to index
        %parallel_loop3A_586 = arith.index_cast %parallel_loop3A_223 : i32 to index
        %parallel_loop3A_587 = arith.constant 288 : index
        %parallel_loop3A_588 = tpu.vector_load %arg5[%parallel_loop3A_585, %parallel_loop3A_586, %parallel_loop3A_587] {strides = array<i32>} : memref<2x16x768xf32, #tpu.memory_space<vmem>>, vector<1x1x16xf32>,
        %parallel_loop3A_589 = vector.shape_cast %parallel_loop3A_588 : vector<1x1x16xf32> to vector<16xf32>
        %parallel_loop3A_590 = arith.constant 0 : i32
        %parallel_loop3A_591 = arith.index_cast %parallel_loop3A_590 : i32 to index
        %parallel_loop3A_592 = arith.index_cast %parallel_loop3A_223 : i32 to index
        %parallel_loop3A_593 = arith.constant 288 : index
        %parallel_loop3A_594 = tpu.vector_load %arg6[%parallel_loop3A_591, %parallel_loop3A_592, %parallel_loop3A_593] {strides = array<i32>} : memref<2x16x768xf32, #tpu.memory_space<vmem>>, vector<1x1x16xf32>,
        %parallel_loop3A_595 = vector.shape_cast %parallel_loop3A_594 : vector<1x1x16xf32> to vector<16xf32>
        %parallel_loop3A_596 = arith.addf %parallel_loop3A_589, %parallel_loop3A_595 : vector<16xf32>
        %parallel_loop3A_597 = arith.constant 0 : i32
        %parallel_loop3A_598 = arith.index_cast %parallel_loop3A_597 : i32 to index
        %parallel_loop3A_599 = arith.index_cast %parallel_loop3A_223 : i32 to index
        %parallel_loop3A_600 = arith.constant 288 : index
        %parallel_loop3A_601 = tpu.vector_load %arg7[%parallel_loop3A_598, %parallel_loop3A_599, %parallel_loop3A_600] {strides = array<i32>} : memref<2x16x768xf32, #tpu.memory_space<vmem>>, vector<1x1x16xf32>,
        %parallel_loop3A_602 = vector.shape_cast %parallel_loop3A_601 : vector<1x1x16xf32> to vector<16xf32>
        %parallel_loop3A_603 = vector.shape_cast %parallel_loop3A_596 : vector<16xf32> to vector<1x1x16xf32>
        tpu.vector_store %arg7[%parallel_loop3A_598, %parallel_loop3A_599, %parallel_loop3A_600], %parallel_loop3A_603 {strides = array<i32>} : memref<2x16x768xf32, #tpu.memory_space<vmem>>, vector<1x1x16xf32>,
        %parallel_loop3A_604 = arith.constant 0 : i32
        %parallel_loop3A_605 = arith.index_cast %parallel_loop3A_604 : i32 to index
        %parallel_loop3A_606 = arith.index_cast %parallel_loop3A_223 : i32 to index
        %parallel_loop3A_607 = arith.constant 304 : index
        %parallel_loop3A_608 = tpu.vector_load %arg5[%parallel_loop3A_605, %parallel_loop3A_606, %parallel_loop3A_607] {strides = array<i32>} : memref<2x16x768xf32, #tpu.memory_space<vmem>>, vector<1x1x16xf32>,
        %parallel_loop3A_609 = vector.shape_cast %parallel_loop3A_608 : vector<1x1x16xf32> to vector<16xf32>
        %parallel_loop3A_610 = arith.constant 0 : i32
        %parallel_loop3A_611 = arith.index_cast %parallel_loop3A_610 : i32 to index
        %parallel_loop3A_612 = arith.index_cast %parallel_loop3A_223 : i32 to index
        %parallel_loop3A_613 = arith.constant 304 : index
        %parallel_loop3A_614 = tpu.vector_load %arg6[%parallel_loop3A_611, %parallel_loop3A_612, %parallel_loop3A_613] {strides = array<i32>} : memref<2x16x768xf32, #tpu.memory_space<vmem>>, vector<1x1x16xf32>,
        %parallel_loop3A_615 = vector.shape_cast %parallel_loop3A_614 : vector<1x1x16xf32> to vector<16xf32>
        %parallel_loop3A_616 = arith.addf %parallel_loop3A_609, %parallel_loop3A_615 : vector<16xf32>
        %parallel_loop3A_617 = arith.constant 0 : i32
        %parallel_loop3A_618 = arith.index_cast %parallel_loop3A_617 : i32 to index
        %parallel_loop3A_619 = arith.index_cast %parallel_loop3A_223 : i32 to index
        %parallel_loop3A_620 = arith.constant 304 : index
        %parallel_loop3A_621 = tpu.vector_load %arg7[%parallel_loop3A_618, %parallel_loop3A_619, %parallel_loop3A_620] {strides = array<i32>} : memref<2x16x768xf32, #tpu.memory_space<vmem>>, vector<1x1x16xf32>,
        %parallel_loop3A_622 = vector.shape_cast %parallel_loop3A_621 : vector<1x1x16xf32> to vector<16xf32>
        %parallel_loop3A_623 = vector.shape_cast %parallel_loop3A_616 : vector<16xf32> to vector<1x1x16xf32>
        tpu.vector_store %arg7[%parallel_loop3A_618, %parallel_loop3A_619, %parallel_loop3A_620], %parallel_loop3A_623 {strides = array<i32>} : memref<2x16x768xf32, #tpu.memory_space<vmem>>, vector<1x1x16xf32>,
        %parallel_loop3A_624 = arith.constant 0 : i32
        %parallel_loop3A_625 = arith.index_cast %parallel_loop3A_624 : i32 to index
        %parallel_loop3A_626 = arith.index_cast %parallel_loop3A_223 : i32 to index
        %parallel_loop3A_627 = arith.constant 320 : index
        %parallel_loop3A_628 = tpu.vector_load %arg5[%parallel_loop3A_625, %parallel_loop3A_626, %parallel_loop3A_627] {strides = array<i32>} : memref<2x16x768xf32, #tpu.memory_space<vmem>>, vector<1x1x16xf32>,
        %parallel_loop3A_629 = vector.shape_cast %parallel_loop3A_628 : vector<1x1x16xf32> to vector<16xf32>
        %parallel_loop3A_630 = arith.constant 0 : i32
        %parallel_loop3A_631 = arith.index_cast %parallel_loop3A_630 : i32 to index
        %parallel_loop3A_632 = arith.index_cast %parallel_loop3A_223 : i32 to index
        %parallel_loop3A_633 = arith.constant 320 : index
        %parallel_loop3A_634 = tpu.vector_load %arg6[%parallel_loop3A_631, %parallel_loop3A_632, %parallel_loop3A_633] {strides = array<i32>} : memref<2x16x768xf32, #tpu.memory_space<vmem>>, vector<1x1x16xf32>,
        %parallel_loop3A_635 = vector.shape_cast %parallel_loop3A_634 : vector<1x1x16xf32> to vector<16xf32>
        %parallel_loop3A_636 = arith.addf %parallel_loop3A_629, %parallel_loop3A_635 : vector<16xf32>
        %parallel_loop3A_637 = arith.constant 0 : i32
        %parallel_loop3A_638 = arith.index_cast %parallel_loop3A_637 : i32 to index
        %parallel_loop3A_639 = arith.index_cast %parallel_loop3A_223 : i32 to index
        %parallel_loop3A_640 = arith.constant 320 : index
        %parallel_loop3A_641 = tpu.vector_load %arg7[%parallel_loop3A_638, %parallel_loop3A_639, %parallel_loop3A_640] {strides = array<i32>} : memref<2x16x768xf32, #tpu.memory_space<vmem>>, vector<1x1x16xf32>,
        %parallel_loop3A_642 = vector.shape_cast %parallel_loop3A_641 : vector<1x1x16xf32> to vector<16xf32>
        %parallel_loop3A_643 = vector.shape_cast %parallel_loop3A_636 : vector<16xf32> to vector<1x1x16xf32>
        tpu.vector_store %arg7[%parallel_loop3A_638, %parallel_loop3A_639, %parallel_loop3A_640], %parallel_loop3A_643 {strides = array<i32>} : memref<2x16x768xf32, #tpu.memory_space<vmem>>, vector<1x1x16xf32>,
        %parallel_loop3A_644 = arith.constant 0 : i32
        %parallel_loop3A_645 = arith.index_cast %parallel_loop3A_644 : i32 to index
        %parallel_loop3A_646 = arith.index_cast %parallel_loop3A_223 : i32 to index
        %parallel_loop3A_647 = arith.constant 336 : index
        %parallel_loop3A_648 = tpu.vector_load %arg5[%parallel_loop3A_645, %parallel_loop3A_646, %parallel_loop3A_647] {strides = array<i32>} : memref<2x16x768xf32, #tpu.memory_space<vmem>>, vector<1x1x16xf32>,
        %parallel_loop3A_649 = vector.shape_cast %parallel_loop3A_648 : vector<1x1x16xf32> to vector<16xf32>
        %parallel_loop3A_650 = arith.constant 0 : i32
        %parallel_loop3A_651 = arith.index_cast %parallel_loop3A_650 : i32 to index
        %parallel_loop3A_652 = arith.index_cast %parallel_loop3A_223 : i32 to index
        %parallel_loop3A_653 = arith.constant 336 : index
        %parallel_loop3A_654 = tpu.vector_load %arg6[%parallel_loop3A_651, %parallel_loop3A_652, %parallel_loop3A_653] {strides = array<i32>} : memref<2x16x768xf32, #tpu.memory_space<vmem>>, vector<1x1x16xf32>,
        %parallel_loop3A_655 = vector.shape_cast %parallel_loop3A_654 : vector<1x1x16xf32> to vector<16xf32>
        %parallel_loop3A_656 = arith.addf %parallel_loop3A_649, %parallel_loop3A_655 : vector<16xf32>
        %parallel_loop3A_657 = arith.constant 0 : i32
        %parallel_loop3A_658 = arith.index_cast %parallel_loop3A_657 : i32 to index
        %parallel_loop3A_659 = arith.index_cast %parallel_loop3A_223 : i32 to index
        %parallel_loop3A_660 = arith.constant 336 : index
        %parallel_loop3A_661 = tpu.vector_load %arg7[%parallel_loop3A_658, %parallel_loop3A_659, %parallel_loop3A_660] {strides = array<i32>} : memref<2x16x768xf32, #tpu.memory_space<vmem>>, vector<1x1x16xf32>,
        %parallel_loop3A_662 = vector.shape_cast %parallel_loop3A_661 : vector<1x1x16xf32> to vector<16xf32>
        %parallel_loop3A_663 = vector.shape_cast %parallel_loop3A_656 : vector<16xf32> to vector<1x1x16xf32>
        tpu.vector_store %arg7[%parallel_loop3A_658, %parallel_loop3A_659, %parallel_loop3A_660], %parallel_loop3A_663 {strides = array<i32>} : memref<2x16x768xf32, #tpu.memory_space<vmem>>, vector<1x1x16xf32>,
        %parallel_loop3A_664 = arith.constant 0 : i32
        %parallel_loop3A_665 = arith.index_cast %parallel_loop3A_664 : i32 to index
        %parallel_loop3A_666 = arith.index_cast %parallel_loop3A_223 : i32 to index
        %parallel_loop3A_667 = arith.constant 352 : index
        %parallel_loop3A_668 = tpu.vector_load %arg5[%parallel_loop3A_665, %parallel_loop3A_666, %parallel_loop3A_667] {strides = array<i32>} : memref<2x16x768xf32, #tpu.memory_space<vmem>>, vector<1x1x16xf32>,
        %parallel_loop3A_669 = vector.shape_cast %parallel_loop3A_668 : vector<1x1x16xf32> to vector<16xf32>
        %parallel_loop3A_670 = arith.constant 0 : i32
        %parallel_loop3A_671 = arith.index_cast %parallel_loop3A_670 : i32 to index
        %parallel_loop3A_672 = arith.index_cast %parallel_loop3A_223 : i32 to index
        %parallel_loop3A_673 = arith.constant 352 : index
        %parallel_loop3A_674 = tpu.vector_load %arg6[%parallel_loop3A_671, %parallel_loop3A_672, %parallel_loop3A_673] {strides = array<i32>} : memref<2x16x768xf32, #tpu.memory_space<vmem>>, vector<1x1x16xf32>,
        %parallel_loop3A_675 = vector.shape_cast %parallel_loop3A_674 : vector<1x1x16xf32> to vector<16xf32>
        %parallel_loop3A_676 = arith.addf %parallel_loop3A_669, %parallel_loop3A_675 : vector<16xf32>
        %parallel_loop3A_677 = arith.constant 0 : i32
        %parallel_loop3A_678 = arith.index_cast %parallel_loop3A_677 : i32 to index
        %parallel_loop3A_679 = arith.index_cast %parallel_loop3A_223 : i32 to index
        %parallel_loop3A_680 = arith.constant 352 : index
        %parallel_loop3A_681 = tpu.vector_load %arg7[%parallel_loop3A_678, %parallel_loop3A_679, %parallel_loop3A_680] {strides = array<i32>} : memref<2x16x768xf32, #tpu.memory_space<vmem>>, vector<1x1x16xf32>,
        %parallel_loop3A_682 = vector.shape_cast %parallel_loop3A_681 : vector<1x1x16xf32> to vector<16xf32>
        %parallel_loop3A_683 = vector.shape_cast %parallel_loop3A_676 : vector<16xf32> to vector<1x1x16xf32>
        tpu.vector_store %arg7[%parallel_loop3A_678, %parallel_loop3A_679, %parallel_loop3A_680], %parallel_loop3A_683 {strides = array<i32>} : memref<2x16x768xf32, #tpu.memory_space<vmem>>, vector<1x1x16xf32>,
        %parallel_loop3A_684 = arith.constant 0 : i32
        %parallel_loop3A_685 = arith.index_cast %parallel_loop3A_684 : i32 to index
        %parallel_loop3A_686 = arith.index_cast %parallel_loop3A_223 : i32 to index
        %parallel_loop3A_687 = arith.constant 368 : index
        %parallel_loop3A_688 = tpu.vector_load %arg5[%parallel_loop3A_685, %parallel_loop3A_686, %parallel_loop3A_687] {strides = array<i32>} : memref<2x16x768xf32, #tpu.memory_space<vmem>>, vector<1x1x16xf32>,
        %parallel_loop3A_689 = vector.shape_cast %parallel_loop3A_688 : vector<1x1x16xf32> to vector<16xf32>
        %parallel_loop3A_690 = arith.constant 0 : i32
        %parallel_loop3A_691 = arith.index_cast %parallel_loop3A_690 : i32 to index
        %parallel_loop3A_692 = arith.index_cast %parallel_loop3A_223 : i32 to index
        %parallel_loop3A_693 = arith.constant 368 : index
        %parallel_loop3A_694 = tpu.vector_load %arg6[%parallel_loop3A_691, %parallel_loop3A_692, %parallel_loop3A_693] {strides = array<i32>} : memref<2x16x768xf32, #tpu.memory_space<vmem>>, vector<1x1x16xf32>,
        %parallel_loop3A_695 = vector.shape_cast %parallel_loop3A_694 : vector<1x1x16xf32> to vector<16xf32>
        %parallel_loop3A_696 = arith.addf %parallel_loop3A_689, %parallel_loop3A_695 : vector<16xf32>
        %parallel_loop3A_697 = arith.constant 0 : i32
        %parallel_loop3A_698 = arith.index_cast %parallel_loop3A_697 : i32 to index
        %parallel_loop3A_699 = arith.index_cast %parallel_loop3A_223 : i32 to index
        %parallel_loop3A_700 = arith.constant 368 : index
        %parallel_loop3A_701 = tpu.vector_load %arg7[%parallel_loop3A_698, %parallel_loop3A_699, %parallel_loop3A_700] {strides = array<i32>} : memref<2x16x768xf32, #tpu.memory_space<vmem>>, vector<1x1x16xf32>,
        %parallel_loop3A_702 = vector.shape_cast %parallel_loop3A_701 : vector<1x1x16xf32> to vector<16xf32>
        %parallel_loop3A_703 = vector.shape_cast %parallel_loop3A_696 : vector<16xf32> to vector<1x1x16xf32>
        tpu.vector_store %arg7[%parallel_loop3A_698, %parallel_loop3A_699, %parallel_loop3A_700], %parallel_loop3A_703 {strides = array<i32>} : memref<2x16x768xf32, #tpu.memory_space<vmem>>, vector<1x1x16xf32>,
        %parallel_loop3A_704 = arith.constant 0 : i32
        %parallel_loop3A_705 = arith.index_cast %parallel_loop3A_704 : i32 to index
        %parallel_loop3A_706 = arith.index_cast %parallel_loop3A_223 : i32 to index
        %parallel_loop3A_707 = arith.constant 384 : index
        %parallel_loop3A_708 = tpu.vector_load %arg5[%parallel_loop3A_705, %parallel_loop3A_706, %parallel_loop3A_707] {strides = array<i32>} : memref<2x16x768xf32, #tpu.memory_space<vmem>>, vector<1x1x16xf32>,
        %parallel_loop3A_709 = vector.shape_cast %parallel_loop3A_708 : vector<1x1x16xf32> to vector<16xf32>
        %parallel_loop3A_710 = arith.constant 0 : i32
        %parallel_loop3A_711 = arith.index_cast %parallel_loop3A_710 : i32 to index
        %parallel_loop3A_712 = arith.index_cast %parallel_loop3A_223 : i32 to index
        %parallel_loop3A_713 = arith.constant 384 : index
        %parallel_loop3A_714 = tpu.vector_load %arg6[%parallel_loop3A_711, %parallel_loop3A_712, %parallel_loop3A_713] {strides = array<i32>} : memref<2x16x768xf32, #tpu.memory_space<vmem>>, vector<1x1x16xf32>,
        %parallel_loop3A_715 = vector.shape_cast %parallel_loop3A_714 : vector<1x1x16xf32> to vector<16xf32>
        %parallel_loop3A_716 = arith.addf %parallel_loop3A_709, %parallel_loop3A_715 : vector<16xf32>
        %parallel_loop3A_717 = arith.constant 0 : i32
        %parallel_loop3A_718 = arith.index_cast %parallel_loop3A_717 : i32 to index
        %parallel_loop3A_719 = arith.index_cast %parallel_loop3A_223 : i32 to index
        %parallel_loop3A_720 = arith.constant 384 : index
        %parallel_loop3A_721 = tpu.vector_load %arg7[%parallel_loop3A_718, %parallel_loop3A_719, %parallel_loop3A_720] {strides = array<i32>} : memref<2x16x768xf32, #tpu.memory_space<vmem>>, vector<1x1x16xf32>,
        %parallel_loop3A_722 = vector.shape_cast %parallel_loop3A_721 : vector<1x1x16xf32> to vector<16xf32>
        %parallel_loop3A_723 = vector.shape_cast %parallel_loop3A_716 : vector<16xf32> to vector<1x1x16xf32>
        tpu.vector_store %arg7[%parallel_loop3A_718, %parallel_loop3A_719, %parallel_loop3A_720], %parallel_loop3A_723 {strides = array<i32>} : memref<2x16x768xf32, #tpu.memory_space<vmem>>, vector<1x1x16xf32>,
        %parallel_loop3A_724 = arith.constant 0 : i32
        %parallel_loop3A_725 = arith.index_cast %parallel_loop3A_724 : i32 to index
        %parallel_loop3A_726 = arith.index_cast %parallel_loop3A_223 : i32 to index
        %parallel_loop3A_727 = arith.constant 400 : index
        %parallel_loop3A_728 = tpu.vector_load %arg5[%parallel_loop3A_725, %parallel_loop3A_726, %parallel_loop3A_727] {strides = array<i32>} : memref<2x16x768xf32, #tpu.memory_space<vmem>>, vector<1x1x16xf32>,
        %parallel_loop3A_729 = vector.shape_cast %parallel_loop3A_728 : vector<1x1x16xf32> to vector<16xf32>
        %parallel_loop3A_730 = arith.constant 0 : i32
        %parallel_loop3A_731 = arith.index_cast %parallel_loop3A_730 : i32 to index
        %parallel_loop3A_732 = arith.index_cast %parallel_loop3A_223 : i32 to index
        %parallel_loop3A_733 = arith.constant 400 : index
        %parallel_loop3A_734 = tpu.vector_load %arg6[%parallel_loop3A_731, %parallel_loop3A_732, %parallel_loop3A_733] {strides = array<i32>} : memref<2x16x768xf32, #tpu.memory_space<vmem>>, vector<1x1x16xf32>,
        %parallel_loop3A_735 = vector.shape_cast %parallel_loop3A_734 : vector<1x1x16xf32> to vector<16xf32>
        %parallel_loop3A_736 = arith.addf %parallel_loop3A_729, %parallel_loop3A_735 : vector<16xf32>
        %parallel_loop3A_737 = arith.constant 0 : i32
        %parallel_loop3A_738 = arith.index_cast %parallel_loop3A_737 : i32 to index
        %parallel_loop3A_739 = arith.index_cast %parallel_loop3A_223 : i32 to index
        %parallel_loop3A_740 = arith.constant 400 : index
        %parallel_loop3A_741 = tpu.vector_load %arg7[%parallel_loop3A_738, %parallel_loop3A_739, %parallel_loop3A_740] {strides = array<i32>} : memref<2x16x768xf32, #tpu.memory_space<vmem>>, vector<1x1x16xf32>,
        %parallel_loop3A_742 = vector.shape_cast %parallel_loop3A_741 : vector<1x1x16xf32> to vector<16xf32>
        %parallel_loop3A_743 = vector.shape_cast %parallel_loop3A_736 : vector<16xf32> to vector<1x1x16xf32>
        tpu.vector_store %arg7[%parallel_loop3A_738, %parallel_loop3A_739, %parallel_loop3A_740], %parallel_loop3A_743 {strides = array<i32>} : memref<2x16x768xf32, #tpu.memory_space<vmem>>, vector<1x1x16xf32>,
        %parallel_loop3A_744 = arith.constant 0 : i32
        %parallel_loop3A_745 = arith.index_cast %parallel_loop3A_744 : i32 to index
        %parallel_loop3A_746 = arith.index_cast %parallel_loop3A_223 : i32 to index
        %parallel_loop3A_747 = arith.constant 416 : index
        %parallel_loop3A_748 = tpu.vector_load %arg5[%parallel_loop3A_745, %parallel_loop3A_746, %parallel_loop3A_747] {strides = array<i32>} : memref<2x16x768xf32, #tpu.memory_space<vmem>>, vector<1x1x16xf32>,
        %parallel_loop3A_749 = vector.shape_cast %parallel_loop3A_748 : vector<1x1x16xf32> to vector<16xf32>
        %parallel_loop3A_750 = arith.constant 0 : i32
        %parallel_loop3A_751 = arith.index_cast %parallel_loop3A_750 : i32 to index
        %parallel_loop3A_752 = arith.index_cast %parallel_loop3A_223 : i32 to index
        %parallel_loop3A_753 = arith.constant 416 : index
        %parallel_loop3A_754 = tpu.vector_load %arg6[%parallel_loop3A_751, %parallel_loop3A_752, %parallel_loop3A_753] {strides = array<i32>} : memref<2x16x768xf32, #tpu.memory_space<vmem>>, vector<1x1x16xf32>,
        %parallel_loop3A_755 = vector.shape_cast %parallel_loop3A_754 : vector<1x1x16xf32> to vector<16xf32>
        %parallel_loop3A_756 = arith.addf %parallel_loop3A_749, %parallel_loop3A_755 : vector<16xf32>
        %parallel_loop3A_757 = arith.constant 0 : i32
        %parallel_loop3A_758 = arith.index_cast %parallel_loop3A_757 : i32 to index
        %parallel_loop3A_759 = arith.index_cast %parallel_loop3A_223 : i32 to index
        %parallel_loop3A_760 = arith.constant 416 : index
        %parallel_loop3A_761 = tpu.vector_load %arg7[%parallel_loop3A_758, %parallel_loop3A_759, %parallel_loop3A_760] {strides = array<i32>} : memref<2x16x768xf32, #tpu.memory_space<vmem>>, vector<1x1x16xf32>,
        %parallel_loop3A_762 = vector.shape_cast %parallel_loop3A_761 : vector<1x1x16xf32> to vector<16xf32>
        %parallel_loop3A_763 = vector.shape_cast %parallel_loop3A_756 : vector<16xf32> to vector<1x1x16xf32>
        tpu.vector_store %arg7[%parallel_loop3A_758, %parallel_loop3A_759, %parallel_loop3A_760], %parallel_loop3A_763 {strides = array<i32>} : memref<2x16x768xf32, #tpu.memory_space<vmem>>, vector<1x1x16xf32>,
        %parallel_loop3A_764 = arith.constant 0 : i32
        %parallel_loop3A_765 = arith.index_cast %parallel_loop3A_764 : i32 to index
        %parallel_loop3A_766 = arith.index_cast %parallel_loop3A_223 : i32 to index
        %parallel_loop3A_767 = arith.constant 432 : index
        %parallel_loop3A_768 = tpu.vector_load %arg5[%parallel_loop3A_765, %parallel_loop3A_766, %parallel_loop3A_767] {strides = array<i32>} : memref<2x16x768xf32, #tpu.memory_space<vmem>>, vector<1x1x16xf32>,
        %parallel_loop3A_769 = vector.shape_cast %parallel_loop3A_768 : vector<1x1x16xf32> to vector<16xf32>
        %parallel_loop3A_770 = arith.constant 0 : i32
        %parallel_loop3A_771 = arith.index_cast %parallel_loop3A_770 : i32 to index
        %parallel_loop3A_772 = arith.index_cast %parallel_loop3A_223 : i32 to index
        %parallel_loop3A_773 = arith.constant 432 : index
        %parallel_loop3A_774 = tpu.vector_load %arg6[%parallel_loop3A_771, %parallel_loop3A_772, %parallel_loop3A_773] {strides = array<i32>} : memref<2x16x768xf32, #tpu.memory_space<vmem>>, vector<1x1x16xf32>,
        %parallel_loop3A_775 = vector.shape_cast %parallel_loop3A_774 : vector<1x1x16xf32> to vector<16xf32>
        %parallel_loop3A_776 = arith.addf %parallel_loop3A_769, %parallel_loop3A_775 : vector<16xf32>
        %parallel_loop3A_777 = arith.constant 0 : i32
        %parallel_loop3A_778 = arith.index_cast %parallel_loop3A_777 : i32 to index
        %parallel_loop3A_779 = arith.index_cast %parallel_loop3A_223 : i32 to index
        %parallel_loop3A_780 = arith.constant 432 : index
        %parallel_loop3A_781 = tpu.vector_load %arg7[%parallel_loop3A_778, %parallel_loop3A_779, %parallel_loop3A_780] {strides = array<i32>} : memref<2x16x768xf32, #tpu.memory_space<vmem>>, vector<1x1x16xf32>,
        %parallel_loop3A_782 = vector.shape_cast %parallel_loop3A_781 : vector<1x1x16xf32> to vector<16xf32>
        %parallel_loop3A_783 = vector.shape_cast %parallel_loop3A_776 : vector<16xf32> to vector<1x1x16xf32>
        tpu.vector_store %arg7[%parallel_loop3A_778, %parallel_loop3A_779, %parallel_loop3A_780], %parallel_loop3A_783 {strides = array<i32>} : memref<2x16x768xf32, #tpu.memory_space<vmem>>, vector<1x1x16xf32>,
        %parallel_loop3A_784 = arith.constant 0 : i32
        %parallel_loop3A_785 = arith.index_cast %parallel_loop3A_784 : i32 to index
        %parallel_loop3A_786 = arith.index_cast %parallel_loop3A_223 : i32 to index
        %parallel_loop3A_787 = arith.constant 448 : index
        %parallel_loop3A_788 = tpu.vector_load %arg5[%parallel_loop3A_785, %parallel_loop3A_786, %parallel_loop3A_787] {strides = array<i32>} : memref<2x16x768xf32, #tpu.memory_space<vmem>>, vector<1x1x16xf32>,
        %parallel_loop3A_789 = vector.shape_cast %parallel_loop3A_788 : vector<1x1x16xf32> to vector<16xf32>
        %parallel_loop3A_790 = arith.constant 0 : i32
        %parallel_loop3A_791 = arith.index_cast %parallel_loop3A_790 : i32 to index
        %parallel_loop3A_792 = arith.index_cast %parallel_loop3A_223 : i32 to index
        %parallel_loop3A_793 = arith.constant 448 : index
        %parallel_loop3A_794 = tpu.vector_load %arg6[%parallel_loop3A_791, %parallel_loop3A_792, %parallel_loop3A_793] {strides = array<i32>} : memref<2x16x768xf32, #tpu.memory_space<vmem>>, vector<1x1x16xf32>,
        %parallel_loop3A_795 = vector.shape_cast %parallel_loop3A_794 : vector<1x1x16xf32> to vector<16xf32>
        %parallel_loop3A_796 = arith.addf %parallel_loop3A_789, %parallel_loop3A_795 : vector<16xf32>
        %parallel_loop3A_797 = arith.constant 0 : i32
        %parallel_loop3A_798 = arith.index_cast %parallel_loop3A_797 : i32 to index
        %parallel_loop3A_799 = arith.index_cast %parallel_loop3A_223 : i32 to index
        %parallel_loop3A_800 = arith.constant 448 : index
        %parallel_loop3A_801 = tpu.vector_load %arg7[%parallel_loop3A_798, %parallel_loop3A_799, %parallel_loop3A_800] {strides = array<i32>} : memref<2x16x768xf32, #tpu.memory_space<vmem>>, vector<1x1x16xf32>,
        %parallel_loop3A_802 = vector.shape_cast %parallel_loop3A_801 : vector<1x1x16xf32> to vector<16xf32>
        %parallel_loop3A_803 = vector.shape_cast %parallel_loop3A_796 : vector<16xf32> to vector<1x1x16xf32>
        tpu.vector_store %arg7[%parallel_loop3A_798, %parallel_loop3A_799, %parallel_loop3A_800], %parallel_loop3A_803 {strides = array<i32>} : memref<2x16x768xf32, #tpu.memory_space<vmem>>, vector<1x1x16xf32>,
        %parallel_loop3A_804 = arith.constant 0 : i32
        %parallel_loop3A_805 = arith.index_cast %parallel_loop3A_804 : i32 to index
        %parallel_loop3A_806 = arith.index_cast %parallel_loop3A_223 : i32 to index
        %parallel_loop3A_807 = arith.constant 464 : index
        %parallel_loop3A_808 = tpu.vector_load %arg5[%parallel_loop3A_805, %parallel_loop3A_806, %parallel_loop3A_807] {strides = array<i32>} : memref<2x16x768xf32, #tpu.memory_space<vmem>>, vector<1x1x16xf32>,
        %parallel_loop3A_809 = vector.shape_cast %parallel_loop3A_808 : vector<1x1x16xf32> to vector<16xf32>
        %parallel_loop3A_810 = arith.constant 0 : i32
        %parallel_loop3A_811 = arith.index_cast %parallel_loop3A_810 : i32 to index
        %parallel_loop3A_812 = arith.index_cast %parallel_loop3A_223 : i32 to index
        %parallel_loop3A_813 = arith.constant 464 : index
        %parallel_loop3A_814 = tpu.vector_load %arg6[%parallel_loop3A_811, %parallel_loop3A_812, %parallel_loop3A_813] {strides = array<i32>} : memref<2x16x768xf32, #tpu.memory_space<vmem>>, vector<1x1x16xf32>,
        %parallel_loop3A_815 = vector.shape_cast %parallel_loop3A_814 : vector<1x1x16xf32> to vector<16xf32>
        %parallel_loop3A_816 = arith.addf %parallel_loop3A_809, %parallel_loop3A_815 : vector<16xf32>
        %parallel_loop3A_817 = arith.constant 0 : i32
        %parallel_loop3A_818 = arith.index_cast %parallel_loop3A_817 : i32 to index
        %parallel_loop3A_819 = arith.index_cast %parallel_loop3A_223 : i32 to index
        %parallel_loop3A_820 = arith.constant 464 : index
        %parallel_loop3A_821 = tpu.vector_load %arg7[%parallel_loop3A_818, %parallel_loop3A_819, %parallel_loop3A_820] {strides = array<i32>} : memref<2x16x768xf32, #tpu.memory_space<vmem>>, vector<1x1x16xf32>,
        %parallel_loop3A_822 = vector.shape_cast %parallel_loop3A_821 : vector<1x1x16xf32> to vector<16xf32>
        %parallel_loop3A_823 = vector.shape_cast %parallel_loop3A_816 : vector<16xf32> to vector<1x1x16xf32>
        tpu.vector_store %arg7[%parallel_loop3A_818, %parallel_loop3A_819, %parallel_loop3A_820], %parallel_loop3A_823 {strides = array<i32>} : memref<2x16x768xf32, #tpu.memory_space<vmem>>, vector<1x1x16xf32>,
        %parallel_loop3A_824 = arith.constant 0 : i32
        %parallel_loop3A_825 = arith.index_cast %parallel_loop3A_824 : i32 to index
        %parallel_loop3A_826 = arith.index_cast %parallel_loop3A_223 : i32 to index
        %parallel_loop3A_827 = arith.constant 480 : index
        %parallel_loop3A_828 = tpu.vector_load %arg5[%parallel_loop3A_825, %parallel_loop3A_826, %parallel_loop3A_827] {strides = array<i32>} : memref<2x16x768xf32, #tpu.memory_space<vmem>>, vector<1x1x16xf32>,
        %parallel_loop3A_829 = vector.shape_cast %parallel_loop3A_828 : vector<1x1x16xf32> to vector<16xf32>
        %parallel_loop3A_830 = arith.constant 0 : i32
        %parallel_loop3A_831 = arith.index_cast %parallel_loop3A_830 : i32 to index
        %parallel_loop3A_832 = arith.index_cast %parallel_loop3A_223 : i32 to index
        %parallel_loop3A_833 = arith.constant 480 : index
        %parallel_loop3A_834 = tpu.vector_load %arg6[%parallel_loop3A_831, %parallel_loop3A_832, %parallel_loop3A_833] {strides = array<i32>} : memref<2x16x768xf32, #tpu.memory_space<vmem>>, vector<1x1x16xf32>,
        %parallel_loop3A_835 = vector.shape_cast %parallel_loop3A_834 : vector<1x1x16xf32> to vector<16xf32>
        %parallel_loop3A_836 = arith.addf %parallel_loop3A_829, %parallel_loop3A_835 : vector<16xf32>
        %parallel_loop3A_837 = arith.constant 0 : i32
        %parallel_loop3A_838 = arith.index_cast %parallel_loop3A_837 : i32 to index
        %parallel_loop3A_839 = arith.index_cast %parallel_loop3A_223 : i32 to index
        %parallel_loop3A_840 = arith.constant 480 : index
        %parallel_loop3A_841 = tpu.vector_load %arg7[%parallel_loop3A_838, %parallel_loop3A_839, %parallel_loop3A_840] {strides = array<i32>} : memref<2x16x768xf32, #tpu.memory_space<vmem>>, vector<1x1x16xf32>,
        %parallel_loop3A_842 = vector.shape_cast %parallel_loop3A_841 : vector<1x1x16xf32> to vector<16xf32>
        %parallel_loop3A_843 = vector.shape_cast %parallel_loop3A_836 : vector<16xf32> to vector<1x1x16xf32>
        tpu.vector_store %arg7[%parallel_loop3A_838, %parallel_loop3A_839, %parallel_loop3A_840], %parallel_loop3A_843 {strides = array<i32>} : memref<2x16x768xf32, #tpu.memory_space<vmem>>, vector<1x1x16xf32>,
        %parallel_loop3A_844 = arith.constant 0 : i32
        %parallel_loop3A_845 = arith.index_cast %parallel_loop3A_844 : i32 to index
        %parallel_loop3A_846 = arith.index_cast %parallel_loop3A_223 : i32 to index
        %parallel_loop3A_847 = arith.constant 496 : index
        %parallel_loop3A_848 = tpu.vector_load %arg5[%parallel_loop3A_845, %parallel_loop3A_846, %parallel_loop3A_847] {strides = array<i32>} : memref<2x16x768xf32, #tpu.memory_space<vmem>>, vector<1x1x16xf32>,
        %parallel_loop3A_849 = vector.shape_cast %parallel_loop3A_848 : vector<1x1x16xf32> to vector<16xf32>
        %parallel_loop3A_850 = arith.constant 0 : i32
        %parallel_loop3A_851 = arith.index_cast %parallel_loop3A_850 : i32 to index
        %parallel_loop3A_852 = arith.index_cast %parallel_loop3A_223 : i32 to index
        %parallel_loop3A_853 = arith.constant 496 : index
        %parallel_loop3A_854 = tpu.vector_load %arg6[%parallel_loop3A_851, %parallel_loop3A_852, %parallel_loop3A_853] {strides = array<i32>} : memref<2x16x768xf32, #tpu.memory_space<vmem>>, vector<1x1x16xf32>,
        %parallel_loop3A_855 = vector.shape_cast %parallel_loop3A_854 : vector<1x1x16xf32> to vector<16xf32>
        %parallel_loop3A_856 = arith.addf %parallel_loop3A_849, %parallel_loop3A_855 : vector<16xf32>
        %parallel_loop3A_857 = arith.constant 0 : i32
        %parallel_loop3A_858 = arith.index_cast %parallel_loop3A_857 : i32 to index
        %parallel_loop3A_859 = arith.index_cast %parallel_loop3A_223 : i32 to index
        %parallel_loop3A_860 = arith.constant 496 : index
        %parallel_loop3A_861 = tpu.vector_load %arg7[%parallel_loop3A_858, %parallel_loop3A_859, %parallel_loop3A_860] {strides = array<i32>} : memref<2x16x768xf32, #tpu.memory_space<vmem>>, vector<1x1x16xf32>,
        %parallel_loop3A_862 = vector.shape_cast %parallel_loop3A_861 : vector<1x1x16xf32> to vector<16xf32>
        %parallel_loop3A_863 = vector.shape_cast %parallel_loop3A_856 : vector<16xf32> to vector<1x1x16xf32>
        tpu.vector_store %arg7[%parallel_loop3A_858, %parallel_loop3A_859, %parallel_loop3A_860], %parallel_loop3A_863 {strides = array<i32>} : memref<2x16x768xf32, #tpu.memory_space<vmem>>, vector<1x1x16xf32>,
        %parallel_loop3A_864 = arith.constant 0 : i32
        %parallel_loop3A_865 = arith.index_cast %parallel_loop3A_864 : i32 to index
        %parallel_loop3A_866 = arith.index_cast %parallel_loop3A_223 : i32 to index
        %parallel_loop3A_867 = arith.constant 512 : index
        %parallel_loop3A_868 = tpu.vector_load %arg5[%parallel_loop3A_865, %parallel_loop3A_866, %parallel_loop3A_867] {strides = array<i32>} : memref<2x16x768xf32, #tpu.memory_space<vmem>>, vector<1x1x16xf32>,
        %parallel_loop3A_869 = vector.shape_cast %parallel_loop3A_868 : vector<1x1x16xf32> to vector<16xf32>
        %parallel_loop3A_870 = arith.constant 0 : i32
        %parallel_loop3A_871 = arith.index_cast %parallel_loop3A_870 : i32 to index
        %parallel_loop3A_872 = arith.index_cast %parallel_loop3A_223 : i32 to index
        %parallel_loop3A_873 = arith.constant 512 : index
        %parallel_loop3A_874 = tpu.vector_load %arg6[%parallel_loop3A_871, %parallel_loop3A_872, %parallel_loop3A_873] {strides = array<i32>} : memref<2x16x768xf32, #tpu.memory_space<vmem>>, vector<1x1x16xf32>,
        %parallel_loop3A_875 = vector.shape_cast %parallel_loop3A_874 : vector<1x1x16xf32> to vector<16xf32>
        %parallel_loop3A_876 = arith.addf %parallel_loop3A_869, %parallel_loop3A_875 : vector<16xf32>
        %parallel_loop3A_877 = arith.constant 0 : i32
        %parallel_loop3A_878 = arith.index_cast %parallel_loop3A_877 : i32 to index
        %parallel_loop3A_879 = arith.index_cast %parallel_loop3A_223 : i32 to index
        %parallel_loop3A_880 = arith.constant 512 : index
        %parallel_loop3A_881 = tpu.vector_load %arg7[%parallel_loop3A_878, %parallel_loop3A_879, %parallel_loop3A_880] {strides = array<i32>} : memref<2x16x768xf32, #tpu.memory_space<vmem>>, vector<1x1x16xf32>,
        %parallel_loop3A_882 = vector.shape_cast %parallel_loop3A_881 : vector<1x1x16xf32> to vector<16xf32>
        %parallel_loop3A_883 = vector.shape_cast %parallel_loop3A_876 : vector<16xf32> to vector<1x1x16xf32>
        tpu.vector_store %arg7[%parallel_loop3A_878, %parallel_loop3A_879, %parallel_loop3A_880], %parallel_loop3A_883 {strides = array<i32>} : memref<2x16x768xf32, #tpu.memory_space<vmem>>, vector<1x1x16xf32>,
        %parallel_loop3A_884 = arith.constant 0 : i32
        %parallel_loop3A_885 = arith.index_cast %parallel_loop3A_884 : i32 to index
        %parallel_loop3A_886 = arith.index_cast %parallel_loop3A_223 : i32 to index
        %parallel_loop3A_887 = arith.constant 528 : index
        %parallel_loop3A_888 = tpu.vector_load %arg5[%parallel_loop3A_885, %parallel_loop3A_886, %parallel_loop3A_887] {strides = array<i32>} : memref<2x16x768xf32, #tpu.memory_space<vmem>>, vector<1x1x16xf32>,
        %parallel_loop3A_889 = vector.shape_cast %parallel_loop3A_888 : vector<1x1x16xf32> to vector<16xf32>
        %parallel_loop3A_890 = arith.constant 0 : i32
        %parallel_loop3A_891 = arith.index_cast %parallel_loop3A_890 : i32 to index
        %parallel_loop3A_892 = arith.index_cast %parallel_loop3A_223 : i32 to index
        %parallel_loop3A_893 = arith.constant 528 : index
        %parallel_loop3A_894 = tpu.vector_load %arg6[%parallel_loop3A_891, %parallel_loop3A_892, %parallel_loop3A_893] {strides = array<i32>} : memref<2x16x768xf32, #tpu.memory_space<vmem>>, vector<1x1x16xf32>,
        %parallel_loop3A_895 = vector.shape_cast %parallel_loop3A_894 : vector<1x1x16xf32> to vector<16xf32>
        %parallel_loop3A_896 = arith.addf %parallel_loop3A_889, %parallel_loop3A_895 : vector<16xf32>
        %parallel_loop3A_897 = arith.constant 0 : i32
        %parallel_loop3A_898 = arith.index_cast %parallel_loop3A_897 : i32 to index
        %parallel_loop3A_899 = arith.index_cast %parallel_loop3A_223 : i32 to index
        %parallel_loop3A_900 = arith.constant 528 : index
        %parallel_loop3A_901 = tpu.vector_load %arg7[%parallel_loop3A_898, %parallel_loop3A_899, %parallel_loop3A_900] {strides = array<i32>} : memref<2x16x768xf32, #tpu.memory_space<vmem>>, vector<1x1x16xf32>,
        %parallel_loop3A_902 = vector.shape_cast %parallel_loop3A_901 : vector<1x1x16xf32> to vector<16xf32>
        %parallel_loop3A_903 = vector.shape_cast %parallel_loop3A_896 : vector<16xf32> to vector<1x1x16xf32>
        tpu.vector_store %arg7[%parallel_loop3A_898, %parallel_loop3A_899, %parallel_loop3A_900], %parallel_loop3A_903 {strides = array<i32>} : memref<2x16x768xf32, #tpu.memory_space<vmem>>, vector<1x1x16xf32>,
        %parallel_loop3A_904 = arith.constant 0 : i32
        %parallel_loop3A_905 = arith.index_cast %parallel_loop3A_904 : i32 to index
        %parallel_loop3A_906 = arith.index_cast %parallel_loop3A_223 : i32 to index
        %parallel_loop3A_907 = arith.constant 544 : index
        %parallel_loop3A_908 = tpu.vector_load %arg5[%parallel_loop3A_905, %parallel_loop3A_906, %parallel_loop3A_907] {strides = array<i32>} : memref<2x16x768xf32, #tpu.memory_space<vmem>>, vector<1x1x16xf32>,
        %parallel_loop3A_909 = vector.shape_cast %parallel_loop3A_908 : vector<1x1x16xf32> to vector<16xf32>
        %parallel_loop3A_910 = arith.constant 0 : i32
        %parallel_loop3A_911 = arith.index_cast %parallel_loop3A_910 : i32 to index
        %parallel_loop3A_912 = arith.index_cast %parallel_loop3A_223 : i32 to index
        %parallel_loop3A_913 = arith.constant 544 : index
        %parallel_loop3A_914 = tpu.vector_load %arg6[%parallel_loop3A_911, %parallel_loop3A_912, %parallel_loop3A_913] {strides = array<i32>} : memref<2x16x768xf32, #tpu.memory_space<vmem>>, vector<1x1x16xf32>,
        %parallel_loop3A_915 = vector.shape_cast %parallel_loop3A_914 : vector<1x1x16xf32> to vector<16xf32>
        %parallel_loop3A_916 = arith.addf %parallel_loop3A_909, %parallel_loop3A_915 : vector<16xf32>
        %parallel_loop3A_917 = arith.constant 0 : i32
        %parallel_loop3A_918 = arith.index_cast %parallel_loop3A_917 : i32 to index
        %parallel_loop3A_919 = arith.index_cast %parallel_loop3A_223 : i32 to index
        %parallel_loop3A_920 = arith.constant 544 : index
        %parallel_loop3A_921 = tpu.vector_load %arg7[%parallel_loop3A_918, %parallel_loop3A_919, %parallel_loop3A_920] {strides = array<i32>} : memref<2x16x768xf32, #tpu.memory_space<vmem>>, vector<1x1x16xf32>,
        %parallel_loop3A_922 = vector.shape_cast %parallel_loop3A_921 : vector<1x1x16xf32> to vector<16xf32>
        %parallel_loop3A_923 = vector.shape_cast %parallel_loop3A_916 : vector<16xf32> to vector<1x1x16xf32>
        tpu.vector_store %arg7[%parallel_loop3A_918, %parallel_loop3A_919, %parallel_loop3A_920], %parallel_loop3A_923 {strides = array<i32>} : memref<2x16x768xf32, #tpu.memory_space<vmem>>, vector<1x1x16xf32>,
        %parallel_loop3A_924 = arith.constant 0 : i32
        %parallel_loop3A_925 = arith.index_cast %parallel_loop3A_924 : i32 to index
        %parallel_loop3A_926 = arith.index_cast %parallel_loop3A_223 : i32 to index
        %parallel_loop3A_927 = arith.constant 560 : index
        %parallel_loop3A_928 = tpu.vector_load %arg5[%parallel_loop3A_925, %parallel_loop3A_926, %parallel_loop3A_927] {strides = array<i32>} : memref<2x16x768xf32, #tpu.memory_space<vmem>>, vector<1x1x16xf32>,
        %parallel_loop3A_929 = vector.shape_cast %parallel_loop3A_928 : vector<1x1x16xf32> to vector<16xf32>
        %parallel_loop3A_930 = arith.constant 0 : i32
        %parallel_loop3A_931 = arith.index_cast %parallel_loop3A_930 : i32 to index
        %parallel_loop3A_932 = arith.index_cast %parallel_loop3A_223 : i32 to index
        %parallel_loop3A_933 = arith.constant 560 : index
        %parallel_loop3A_934 = tpu.vector_load %arg6[%parallel_loop3A_931, %parallel_loop3A_932, %parallel_loop3A_933] {strides = array<i32>} : memref<2x16x768xf32, #tpu.memory_space<vmem>>, vector<1x1x16xf32>,
        %parallel_loop3A_935 = vector.shape_cast %parallel_loop3A_934 : vector<1x1x16xf32> to vector<16xf32>
        %parallel_loop3A_936 = arith.addf %parallel_loop3A_929, %parallel_loop3A_935 : vector<16xf32>
        %parallel_loop3A_937 = arith.constant 0 : i32
        %parallel_loop3A_938 = arith.index_cast %parallel_loop3A_937 : i32 to index
        %parallel_loop3A_939 = arith.index_cast %parallel_loop3A_223 : i32 to index
        %parallel_loop3A_940 = arith.constant 560 : index
        %parallel_loop3A_941 = tpu.vector_load %arg7[%parallel_loop3A_938, %parallel_loop3A_939, %parallel_loop3A_940] {strides = array<i32>} : memref<2x16x768xf32, #tpu.memory_space<vmem>>, vector<1x1x16xf32>,
        %parallel_loop3A_942 = vector.shape_cast %parallel_loop3A_941 : vector<1x1x16xf32> to vector<16xf32>
        %parallel_loop3A_943 = vector.shape_cast %parallel_loop3A_936 : vector<16xf32> to vector<1x1x16xf32>
        tpu.vector_store %arg7[%parallel_loop3A_938, %parallel_loop3A_939, %parallel_loop3A_940], %parallel_loop3A_943 {strides = array<i32>} : memref<2x16x768xf32, #tpu.memory_space<vmem>>, vector<1x1x16xf32>,
        %parallel_loop3A_944 = arith.constant 0 : i32
        %parallel_loop3A_945 = arith.index_cast %parallel_loop3A_944 : i32 to index
        %parallel_loop3A_946 = arith.index_cast %parallel_loop3A_223 : i32 to index
        %parallel_loop3A_947 = arith.constant 576 : index
        %parallel_loop3A_948 = tpu.vector_load %arg5[%parallel_loop3A_945, %parallel_loop3A_946, %parallel_loop3A_947] {strides = array<i32>} : memref<2x16x768xf32, #tpu.memory_space<vmem>>, vector<1x1x16xf32>,
        %parallel_loop3A_949 = vector.shape_cast %parallel_loop3A_948 : vector<1x1x16xf32> to vector<16xf32>
        %parallel_loop3A_950 = arith.constant 0 : i32
        %parallel_loop3A_951 = arith.index_cast %parallel_loop3A_950 : i32 to index
        %parallel_loop3A_952 = arith.index_cast %parallel_loop3A_223 : i32 to index
        %parallel_loop3A_953 = arith.constant 576 : index
        %parallel_loop3A_954 = tpu.vector_load %arg6[%parallel_loop3A_951, %parallel_loop3A_952, %parallel_loop3A_953] {strides = array<i32>} : memref<2x16x768xf32, #tpu.memory_space<vmem>>, vector<1x1x16xf32>,
        %parallel_loop3A_955 = vector.shape_cast %parallel_loop3A_954 : vector<1x1x16xf32> to vector<16xf32>
        %parallel_loop3A_956 = arith.addf %parallel_loop3A_949, %parallel_loop3A_955 : vector<16xf32>
        %parallel_loop3A_957 = arith.constant 0 : i32
        %parallel_loop3A_958 = arith.index_cast %parallel_loop3A_957 : i32 to index
        %parallel_loop3A_959 = arith.index_cast %parallel_loop3A_223 : i32 to index
        %parallel_loop3A_960 = arith.constant 576 : index
        %parallel_loop3A_961 = tpu.vector_load %arg7[%parallel_loop3A_958, %parallel_loop3A_959, %parallel_loop3A_960] {strides = array<i32>} : memref<2x16x768xf32, #tpu.memory_space<vmem>>, vector<1x1x16xf32>,
        %parallel_loop3A_962 = vector.shape_cast %parallel_loop3A_961 : vector<1x1x16xf32> to vector<16xf32>
        %parallel_loop3A_963 = vector.shape_cast %parallel_loop3A_956 : vector<16xf32> to vector<1x1x16xf32>
        tpu.vector_store %arg7[%parallel_loop3A_958, %parallel_loop3A_959, %parallel_loop3A_960], %parallel_loop3A_963 {strides = array<i32>} : memref<2x16x768xf32, #tpu.memory_space<vmem>>, vector<1x1x16xf32>,
        %parallel_loop3A_964 = arith.constant 0 : i32
        %parallel_loop3A_965 = arith.index_cast %parallel_loop3A_964 : i32 to index
        %parallel_loop3A_966 = arith.index_cast %parallel_loop3A_223 : i32 to index
        %parallel_loop3A_967 = arith.constant 592 : index
        %parallel_loop3A_968 = tpu.vector_load %arg5[%parallel_loop3A_965, %parallel_loop3A_966, %parallel_loop3A_967] {strides = array<i32>} : memref<2x16x768xf32, #tpu.memory_space<vmem>>, vector<1x1x16xf32>,
        %parallel_loop3A_969 = vector.shape_cast %parallel_loop3A_968 : vector<1x1x16xf32> to vector<16xf32>
        %parallel_loop3A_970 = arith.constant 0 : i32
        %parallel_loop3A_971 = arith.index_cast %parallel_loop3A_970 : i32 to index
        %parallel_loop3A_972 = arith.index_cast %parallel_loop3A_223 : i32 to index
        %parallel_loop3A_973 = arith.constant 592 : index
        %parallel_loop3A_974 = tpu.vector_load %arg6[%parallel_loop3A_971, %parallel_loop3A_972, %parallel_loop3A_973] {strides = array<i32>} : memref<2x16x768xf32, #tpu.memory_space<vmem>>, vector<1x1x16xf32>,
        %parallel_loop3A_975 = vector.shape_cast %parallel_loop3A_974 : vector<1x1x16xf32> to vector<16xf32>
        %parallel_loop3A_976 = arith.addf %parallel_loop3A_969, %parallel_loop3A_975 : vector<16xf32>
        %parallel_loop3A_977 = arith.constant 0 : i32
        %parallel_loop3A_978 = arith.index_cast %parallel_loop3A_977 : i32 to index
        %parallel_loop3A_979 = arith.index_cast %parallel_loop3A_223 : i32 to index
        %parallel_loop3A_980 = arith.constant 592 : index
        %parallel_loop3A_981 = tpu.vector_load %arg7[%parallel_loop3A_978, %parallel_loop3A_979, %parallel_loop3A_980] {strides = array<i32>} : memref<2x16x768xf32, #tpu.memory_space<vmem>>, vector<1x1x16xf32>,
        %parallel_loop3A_982 = vector.shape_cast %parallel_loop3A_981 : vector<1x1x16xf32> to vector<16xf32>
        %parallel_loop3A_983 = vector.shape_cast %parallel_loop3A_976 : vector<16xf32> to vector<1x1x16xf32>
        tpu.vector_store %arg7[%parallel_loop3A_978, %parallel_loop3A_979, %parallel_loop3A_980], %parallel_loop3A_983 {strides = array<i32>} : memref<2x16x768xf32, #tpu.memory_space<vmem>>, vector<1x1x16xf32>,
        %parallel_loop3A_984 = arith.constant 0 : i32
        %parallel_loop3A_985 = arith.index_cast %parallel_loop3A_984 : i32 to index
        %parallel_loop3A_986 = arith.index_cast %parallel_loop3A_223 : i32 to index
        %parallel_loop3A_987 = arith.constant 608 : index
        %parallel_loop3A_988 = tpu.vector_load %arg5[%parallel_loop3A_985, %parallel_loop3A_986, %parallel_loop3A_987] {strides = array<i32>} : memref<2x16x768xf32, #tpu.memory_space<vmem>>, vector<1x1x16xf32>,
        %parallel_loop3A_989 = vector.shape_cast %parallel_loop3A_988 : vector<1x1x16xf32> to vector<16xf32>
        %parallel_loop3A_990 = arith.constant 0 : i32
        %parallel_loop3A_991 = arith.index_cast %parallel_loop3A_990 : i32 to index
        %parallel_loop3A_992 = arith.index_cast %parallel_loop3A_223 : i32 to index
        %parallel_loop3A_993 = arith.constant 608 : index
        %parallel_loop3A_994 = tpu.vector_load %arg6[%parallel_loop3A_991, %parallel_loop3A_992, %parallel_loop3A_993] {strides = array<i32>} : memref<2x16x768xf32, #tpu.memory_space<vmem>>, vector<1x1x16xf32>,
        %parallel_loop3A_995 = vector.shape_cast %parallel_loop3A_994 : vector<1x1x16xf32> to vector<16xf32>
        %parallel_loop3A_996 = arith.addf %parallel_loop3A_989, %parallel_loop3A_995 : vector<16xf32>
        %parallel_loop3A_997 = arith.constant 0 : i32
        %parallel_loop3A_998 = arith.index_cast %parallel_loop3A_997 : i32 to index
        %parallel_loop3A_999 = arith.index_cast %parallel_loop3A_223 : i32 to index
        %parallel_loop3A_1000 = arith.constant 608 : index
        %parallel_loop3A_1001 = tpu.vector_load %arg7[%parallel_loop3A_998, %parallel_loop3A_999, %parallel_loop3A_1000] {strides = array<i32>} : memref<2x16x768xf32, #tpu.memory_space<vmem>>, vector<1x1x16xf32>,
        %parallel_loop3A_1002 = vector.shape_cast %parallel_loop3A_1001 : vector<1x1x16xf32> to vector<16xf32>
        %parallel_loop3A_1003 = vector.shape_cast %parallel_loop3A_996 : vector<16xf32> to vector<1x1x16xf32>
        tpu.vector_store %arg7[%parallel_loop3A_998, %parallel_loop3A_999, %parallel_loop3A_1000], %parallel_loop3A_1003 {strides = array<i32>} : memref<2x16x768xf32, #tpu.memory_space<vmem>>, vector<1x1x16xf32>,
        %parallel_loop3A_1004 = arith.constant 0 : i32
        %parallel_loop3A_1005 = arith.index_cast %parallel_loop3A_1004 : i32 to index
        %parallel_loop3A_1006 = arith.index_cast %parallel_loop3A_223 : i32 to index
        %parallel_loop3A_1007 = arith.constant 624 : index
        %parallel_loop3A_1008 = tpu.vector_load %arg5[%parallel_loop3A_1005, %parallel_loop3A_1006, %parallel_loop3A_1007] {strides = array<i32>} : memref<2x16x768xf32, #tpu.memory_space<vmem>>, vector<1x1x16xf32>,
        %parallel_loop3A_1009 = vector.shape_cast %parallel_loop3A_1008 : vector<1x1x16xf32> to vector<16xf32>
        %parallel_loop3A_1010 = arith.constant 0 : i32
        %parallel_loop3A_1011 = arith.index_cast %parallel_loop3A_1010 : i32 to index
        %parallel_loop3A_1012 = arith.index_cast %parallel_loop3A_223 : i32 to index
        %parallel_loop3A_1013 = arith.constant 624 : index
        %parallel_loop3A_1014 = tpu.vector_load %arg6[%parallel_loop3A_1011, %parallel_loop3A_1012, %parallel_loop3A_1013] {strides = array<i32>} : memref<2x16x768xf32, #tpu.memory_space<vmem>>, vector<1x1x16xf32>,
        %parallel_loop3A_1015 = vector.shape_cast %parallel_loop3A_1014 : vector<1x1x16xf32> to vector<16xf32>
        %parallel_loop3A_1016 = arith.addf %parallel_loop3A_1009, %parallel_loop3A_1015 : vector<16xf32>
        %parallel_loop3A_1017 = arith.constant 0 : i32
        %parallel_loop3A_1018 = arith.index_cast %parallel_loop3A_1017 : i32 to index
        %parallel_loop3A_1019 = arith.index_cast %parallel_loop3A_223 : i32 to index
        %parallel_loop3A_1020 = arith.constant 624 : index
        %parallel_loop3A_1021 = tpu.vector_load %arg7[%parallel_loop3A_1018, %parallel_loop3A_1019, %parallel_loop3A_1020] {strides = array<i32>} : memref<2x16x768xf32, #tpu.memory_space<vmem>>, vector<1x1x16xf32>,
        %parallel_loop3A_1022 = vector.shape_cast %parallel_loop3A_1021 : vector<1x1x16xf32> to vector<16xf32>
        %parallel_loop3A_1023 = vector.shape_cast %parallel_loop3A_1016 : vector<16xf32> to vector<1x1x16xf32>
        tpu.vector_store %arg7[%parallel_loop3A_1018, %parallel_loop3A_1019, %parallel_loop3A_1020], %parallel_loop3A_1023 {strides = array<i32>} : memref<2x16x768xf32, #tpu.memory_space<vmem>>, vector<1x1x16xf32>,
        %parallel_loop3A_1024 = arith.constant 0 : i32
        %parallel_loop3A_1025 = arith.index_cast %parallel_loop3A_1024 : i32 to index
        %parallel_loop3A_1026 = arith.index_cast %parallel_loop3A_223 : i32 to index
        %parallel_loop3A_1027 = arith.constant 640 : index
        %parallel_loop3A_1028 = tpu.vector_load %arg5[%parallel_loop3A_1025, %parallel_loop3A_1026, %parallel_loop3A_1027] {strides = array<i32>} : memref<2x16x768xf32, #tpu.memory_space<vmem>>, vector<1x1x16xf32>,
        %parallel_loop3A_1029 = vector.shape_cast %parallel_loop3A_1028 : vector<1x1x16xf32> to vector<16xf32>
        %parallel_loop3A_1030 = arith.constant 0 : i32
        %parallel_loop3A_1031 = arith.index_cast %parallel_loop3A_1030 : i32 to index
        %parallel_loop3A_1032 = arith.index_cast %parallel_loop3A_223 : i32 to index
        %parallel_loop3A_1033 = arith.constant 640 : index
        %parallel_loop3A_1034 = tpu.vector_load %arg6[%parallel_loop3A_1031, %parallel_loop3A_1032, %parallel_loop3A_1033] {strides = array<i32>} : memref<2x16x768xf32, #tpu.memory_space<vmem>>, vector<1x1x16xf32>,
        %parallel_loop3A_1035 = vector.shape_cast %parallel_loop3A_1034 : vector<1x1x16xf32> to vector<16xf32>
        %parallel_loop3A_1036 = arith.addf %parallel_loop3A_1029, %parallel_loop3A_1035 : vector<16xf32>
        %parallel_loop3A_1037 = arith.constant 0 : i32
        %parallel_loop3A_1038 = arith.index_cast %parallel_loop3A_1037 : i32 to index
        %parallel_loop3A_1039 = arith.index_cast %parallel_loop3A_223 : i32 to index
        %parallel_loop3A_1040 = arith.constant 640 : index
        %parallel_loop3A_1041 = tpu.vector_load %arg7[%parallel_loop3A_1038, %parallel_loop3A_1039, %parallel_loop3A_1040] {strides = array<i32>} : memref<2x16x768xf32, #tpu.memory_space<vmem>>, vector<1x1x16xf32>,
        %parallel_loop3A_1042 = vector.shape_cast %parallel_loop3A_1041 : vector<1x1x16xf32> to vector<16xf32>
        %parallel_loop3A_1043 = vector.shape_cast %parallel_loop3A_1036 : vector<16xf32> to vector<1x1x16xf32>
        tpu.vector_store %arg7[%parallel_loop3A_1038, %parallel_loop3A_1039, %parallel_loop3A_1040], %parallel_loop3A_1043 {strides = array<i32>} : memref<2x16x768xf32, #tpu.memory_space<vmem>>, vector<1x1x16xf32>,
        %parallel_loop3A_1044 = arith.constant 0 : i32
        %parallel_loop3A_1045 = arith.index_cast %parallel_loop3A_1044 : i32 to index
        %parallel_loop3A_1046 = arith.index_cast %parallel_loop3A_223 : i32 to index
        %parallel_loop3A_1047 = arith.constant 656 : index
        %parallel_loop3A_1048 = tpu.vector_load %arg5[%parallel_loop3A_1045, %parallel_loop3A_1046, %parallel_loop3A_1047] {strides = array<i32>} : memref<2x16x768xf32, #tpu.memory_space<vmem>>, vector<1x1x16xf32>,
        %parallel_loop3A_1049 = vector.shape_cast %parallel_loop3A_1048 : vector<1x1x16xf32> to vector<16xf32>
        %parallel_loop3A_1050 = arith.constant 0 : i32
        %parallel_loop3A_1051 = arith.index_cast %parallel_loop3A_1050 : i32 to index
        %parallel_loop3A_1052 = arith.index_cast %parallel_loop3A_223 : i32 to index
        %parallel_loop3A_1053 = arith.constant 656 : index
        %parallel_loop3A_1054 = tpu.vector_load %arg6[%parallel_loop3A_1051, %parallel_loop3A_1052, %parallel_loop3A_1053] {strides = array<i32>} : memref<2x16x768xf32, #tpu.memory_space<vmem>>, vector<1x1x16xf32>,
        %parallel_loop3A_1055 = vector.shape_cast %parallel_loop3A_1054 : vector<1x1x16xf32> to vector<16xf32>
        %parallel_loop3A_1056 = arith.addf %parallel_loop3A_1049, %parallel_loop3A_1055 : vector<16xf32>
        %parallel_loop3A_1057 = arith.constant 0 : i32
        %parallel_loop3A_1058 = arith.index_cast %parallel_loop3A_1057 : i32 to index
        %parallel_loop3A_1059 = arith.index_cast %parallel_loop3A_223 : i32 to index
        %parallel_loop3A_1060 = arith.constant 656 : index
        %parallel_loop3A_1061 = tpu.vector_load %arg7[%parallel_loop3A_1058, %parallel_loop3A_1059, %parallel_loop3A_1060] {strides = array<i32>} : memref<2x16x768xf32, #tpu.memory_space<vmem>>, vector<1x1x16xf32>,
        %parallel_loop3A_1062 = vector.shape_cast %parallel_loop3A_1061 : vector<1x1x16xf32> to vector<16xf32>
        %parallel_loop3A_1063 = vector.shape_cast %parallel_loop3A_1056 : vector<16xf32> to vector<1x1x16xf32>
        tpu.vector_store %arg7[%parallel_loop3A_1058, %parallel_loop3A_1059, %parallel_loop3A_1060], %parallel_loop3A_1063 {strides = array<i32>} : memref<2x16x768xf32, #tpu.memory_space<vmem>>, vector<1x1x16xf32>,
        %parallel_loop3A_1064 = arith.constant 0 : i32
        %parallel_loop3A_1065 = arith.index_cast %parallel_loop3A_1064 : i32 to index
        %parallel_loop3A_1066 = arith.index_cast %parallel_loop3A_223 : i32 to index
        %parallel_loop3A_1067 = arith.constant 672 : index
        %parallel_loop3A_1068 = tpu.vector_load %arg5[%parallel_loop3A_1065, %parallel_loop3A_1066, %parallel_loop3A_1067] {strides = array<i32>} : memref<2x16x768xf32, #tpu.memory_space<vmem>>, vector<1x1x16xf32>,
        %parallel_loop3A_1069 = vector.shape_cast %parallel_loop3A_1068 : vector<1x1x16xf32> to vector<16xf32>
        %parallel_loop3A_1070 = arith.constant 0 : i32
        %parallel_loop3A_1071 = arith.index_cast %parallel_loop3A_1070 : i32 to index
        %parallel_loop3A_1072 = arith.index_cast %parallel_loop3A_223 : i32 to index
        %parallel_loop3A_1073 = arith.constant 672 : index
        %parallel_loop3A_1074 = tpu.vector_load %arg6[%parallel_loop3A_1071, %parallel_loop3A_1072, %parallel_loop3A_1073] {strides = array<i32>} : memref<2x16x768xf32, #tpu.memory_space<vmem>>, vector<1x1x16xf32>,
        %parallel_loop3A_1075 = vector.shape_cast %parallel_loop3A_1074 : vector<1x1x16xf32> to vector<16xf32>
        %parallel_loop3A_1076 = arith.addf %parallel_loop3A_1069, %parallel_loop3A_1075 : vector<16xf32>
        %parallel_loop3A_1077 = arith.constant 0 : i32
        %parallel_loop3A_1078 = arith.index_cast %parallel_loop3A_1077 : i32 to index
        %parallel_loop3A_1079 = arith.index_cast %parallel_loop3A_223 : i32 to index
        %parallel_loop3A_1080 = arith.constant 672 : index
        %parallel_loop3A_1081 = tpu.vector_load %arg7[%parallel_loop3A_1078, %parallel_loop3A_1079, %parallel_loop3A_1080] {strides = array<i32>} : memref<2x16x768xf32, #tpu.memory_space<vmem>>, vector<1x1x16xf32>,
        %parallel_loop3A_1082 = vector.shape_cast %parallel_loop3A_1081 : vector<1x1x16xf32> to vector<16xf32>
        %parallel_loop3A_1083 = vector.shape_cast %parallel_loop3A_1076 : vector<16xf32> to vector<1x1x16xf32>
        tpu.vector_store %arg7[%parallel_loop3A_1078, %parallel_loop3A_1079, %parallel_loop3A_1080], %parallel_loop3A_1083 {strides = array<i32>} : memref<2x16x768xf32, #tpu.memory_space<vmem>>, vector<1x1x16xf32>,
        %parallel_loop3A_1084 = arith.constant 0 : i32
        %parallel_loop3A_1085 = arith.index_cast %parallel_loop3A_1084 : i32 to index
        %parallel_loop3A_1086 = arith.index_cast %parallel_loop3A_223 : i32 to index
        %parallel_loop3A_1087 = arith.constant 688 : index
        %parallel_loop3A_1088 = tpu.vector_load %arg5[%parallel_loop3A_1085, %parallel_loop3A_1086, %parallel_loop3A_1087] {strides = array<i32>} : memref<2x16x768xf32, #tpu.memory_space<vmem>>, vector<1x1x16xf32>,
        %parallel_loop3A_1089 = vector.shape_cast %parallel_loop3A_1088 : vector<1x1x16xf32> to vector<16xf32>
        %parallel_loop3A_1090 = arith.constant 0 : i32
        %parallel_loop3A_1091 = arith.index_cast %parallel_loop3A_1090 : i32 to index
        %parallel_loop3A_1092 = arith.index_cast %parallel_loop3A_223 : i32 to index
        %parallel_loop3A_1093 = arith.constant 688 : index
        %parallel_loop3A_1094 = tpu.vector_load %arg6[%parallel_loop3A_1091, %parallel_loop3A_1092, %parallel_loop3A_1093] {strides = array<i32>} : memref<2x16x768xf32, #tpu.memory_space<vmem>>, vector<1x1x16xf32>,
        %parallel_loop3A_1095 = vector.shape_cast %parallel_loop3A_1094 : vector<1x1x16xf32> to vector<16xf32>
        %parallel_loop3A_1096 = arith.addf %parallel_loop3A_1089, %parallel_loop3A_1095 : vector<16xf32>
        %parallel_loop3A_1097 = arith.constant 0 : i32
        %parallel_loop3A_1098 = arith.index_cast %parallel_loop3A_1097 : i32 to index
        %parallel_loop3A_1099 = arith.index_cast %parallel_loop3A_223 : i32 to index
        %parallel_loop3A_1100 = arith.constant 688 : index
        %parallel_loop3A_1101 = tpu.vector_load %arg7[%parallel_loop3A_1098, %parallel_loop3A_1099, %parallel_loop3A_1100] {strides = array<i32>} : memref<2x16x768xf32, #tpu.memory_space<vmem>>, vector<1x1x16xf32>,
        %parallel_loop3A_1102 = vector.shape_cast %parallel_loop3A_1101 : vector<1x1x16xf32> to vector<16xf32>
        %parallel_loop3A_1103 = vector.shape_cast %parallel_loop3A_1096 : vector<16xf32> to vector<1x1x16xf32>
        tpu.vector_store %arg7[%parallel_loop3A_1098, %parallel_loop3A_1099, %parallel_loop3A_1100], %parallel_loop3A_1103 {strides = array<i32>} : memref<2x16x768xf32, #tpu.memory_space<vmem>>, vector<1x1x16xf32>,
        %parallel_loop3A_1104 = arith.constant 0 : i32
        %parallel_loop3A_1105 = arith.index_cast %parallel_loop3A_1104 : i32 to index
        %parallel_loop3A_1106 = arith.index_cast %parallel_loop3A_223 : i32 to index
        %parallel_loop3A_1107 = arith.constant 704 : index
        %parallel_loop3A_1108 = tpu.vector_load %arg5[%parallel_loop3A_1105, %parallel_loop3A_1106, %parallel_loop3A_1107] {strides = array<i32>} : memref<2x16x768xf32, #tpu.memory_space<vmem>>, vector<1x1x16xf32>,
        %parallel_loop3A_1109 = vector.shape_cast %parallel_loop3A_1108 : vector<1x1x16xf32> to vector<16xf32>
        %parallel_loop3A_1110 = arith.constant 0 : i32
        %parallel_loop3A_1111 = arith.index_cast %parallel_loop3A_1110 : i32 to index
        %parallel_loop3A_1112 = arith.index_cast %parallel_loop3A_223 : i32 to index
        %parallel_loop3A_1113 = arith.constant 704 : index
        %parallel_loop3A_1114 = tpu.vector_load %arg6[%parallel_loop3A_1111, %parallel_loop3A_1112, %parallel_loop3A_1113] {strides = array<i32>} : memref<2x16x768xf32, #tpu.memory_space<vmem>>, vector<1x1x16xf32>,
        %parallel_loop3A_1115 = vector.shape_cast %parallel_loop3A_1114 : vector<1x1x16xf32> to vector<16xf32>
        %parallel_loop3A_1116 = arith.addf %parallel_loop3A_1109, %parallel_loop3A_1115 : vector<16xf32>
        %parallel_loop3A_1117 = arith.constant 0 : i32
        %parallel_loop3A_1118 = arith.index_cast %parallel_loop3A_1117 : i32 to index
        %parallel_loop3A_1119 = arith.index_cast %parallel_loop3A_223 : i32 to index
        %parallel_loop3A_1120 = arith.constant 704 : index
        %parallel_loop3A_1121 = tpu.vector_load %arg7[%parallel_loop3A_1118, %parallel_loop3A_1119, %parallel_loop3A_1120] {strides = array<i32>} : memref<2x16x768xf32, #tpu.memory_space<vmem>>, vector<1x1x16xf32>,
        %parallel_loop3A_1122 = vector.shape_cast %parallel_loop3A_1121 : vector<1x1x16xf32> to vector<16xf32>
        %parallel_loop3A_1123 = vector.shape_cast %parallel_loop3A_1116 : vector<16xf32> to vector<1x1x16xf32>
        tpu.vector_store %arg7[%parallel_loop3A_1118, %parallel_loop3A_1119, %parallel_loop3A_1120], %parallel_loop3A_1123 {strides = array<i32>} : memref<2x16x768xf32, #tpu.memory_space<vmem>>, vector<1x1x16xf32>,
        %parallel_loop3A_1124 = arith.constant 0 : i32
        %parallel_loop3A_1125 = arith.index_cast %parallel_loop3A_1124 : i32 to index
        %parallel_loop3A_1126 = arith.index_cast %parallel_loop3A_223 : i32 to index
        %parallel_loop3A_1127 = arith.constant 720 : index
        %parallel_loop3A_1128 = tpu.vector_load %arg5[%parallel_loop3A_1125, %parallel_loop3A_1126, %parallel_loop3A_1127] {strides = array<i32>} : memref<2x16x768xf32, #tpu.memory_space<vmem>>, vector<1x1x16xf32>,
        %parallel_loop3A_1129 = vector.shape_cast %parallel_loop3A_1128 : vector<1x1x16xf32> to vector<16xf32>
        %parallel_loop3A_1130 = arith.constant 0 : i32
        %parallel_loop3A_1131 = arith.index_cast %parallel_loop3A_1130 : i32 to index
        %parallel_loop3A_1132 = arith.index_cast %parallel_loop3A_223 : i32 to index
        %parallel_loop3A_1133 = arith.constant 720 : index
        %parallel_loop3A_1134 = tpu.vector_load %arg6[%parallel_loop3A_1131, %parallel_loop3A_1132, %parallel_loop3A_1133] {strides = array<i32>} : memref<2x16x768xf32, #tpu.memory_space<vmem>>, vector<1x1x16xf32>,
        %parallel_loop3A_1135 = vector.shape_cast %parallel_loop3A_1134 : vector<1x1x16xf32> to vector<16xf32>
        %parallel_loop3A_1136 = arith.addf %parallel_loop3A_1129, %parallel_loop3A_1135 : vector<16xf32>
        %parallel_loop3A_1137 = arith.constant 0 : i32
        %parallel_loop3A_1138 = arith.index_cast %parallel_loop3A_1137 : i32 to index
        %parallel_loop3A_1139 = arith.index_cast %parallel_loop3A_223 : i32 to index
        %parallel_loop3A_1140 = arith.constant 720 : index
        %parallel_loop3A_1141 = tpu.vector_load %arg7[%parallel_loop3A_1138, %parallel_loop3A_1139, %parallel_loop3A_1140] {strides = array<i32>} : memref<2x16x768xf32, #tpu.memory_space<vmem>>, vector<1x1x16xf32>,
        %parallel_loop3A_1142 = vector.shape_cast %parallel_loop3A_1141 : vector<1x1x16xf32> to vector<16xf32>
        %parallel_loop3A_1143 = vector.shape_cast %parallel_loop3A_1136 : vector<16xf32> to vector<1x1x16xf32>
        tpu.vector_store %arg7[%parallel_loop3A_1138, %parallel_loop3A_1139, %parallel_loop3A_1140], %parallel_loop3A_1143 {strides = array<i32>} : memref<2x16x768xf32, #tpu.memory_space<vmem>>, vector<1x1x16xf32>,
        %parallel_loop3A_1144 = arith.constant 0 : i32
        %parallel_loop3A_1145 = arith.index_cast %parallel_loop3A_1144 : i32 to index
        %parallel_loop3A_1146 = arith.index_cast %parallel_loop3A_223 : i32 to index
        %parallel_loop3A_1147 = arith.constant 736 : index
        %parallel_loop3A_1148 = tpu.vector_load %arg5[%parallel_loop3A_1145, %parallel_loop3A_1146, %parallel_loop3A_1147] {strides = array<i32>} : memref<2x16x768xf32, #tpu.memory_space<vmem>>, vector<1x1x16xf32>,
        %parallel_loop3A_1149 = vector.shape_cast %parallel_loop3A_1148 : vector<1x1x16xf32> to vector<16xf32>
        %parallel_loop3A_1150 = arith.constant 0 : i32
        %parallel_loop3A_1151 = arith.index_cast %parallel_loop3A_1150 : i32 to index
        %parallel_loop3A_1152 = arith.index_cast %parallel_loop3A_223 : i32 to index
        %parallel_loop3A_1153 = arith.constant 736 : index
        %parallel_loop3A_1154 = tpu.vector_load %arg6[%parallel_loop3A_1151, %parallel_loop3A_1152, %parallel_loop3A_1153] {strides = array<i32>} : memref<2x16x768xf32, #tpu.memory_space<vmem>>, vector<1x1x16xf32>,
        %parallel_loop3A_1155 = vector.shape_cast %parallel_loop3A_1154 : vector<1x1x16xf32> to vector<16xf32>
        %parallel_loop3A_1156 = arith.addf %parallel_loop3A_1149, %parallel_loop3A_1155 : vector<16xf32>
        %parallel_loop3A_1157 = arith.constant 0 : i32
        %parallel_loop3A_1158 = arith.index_cast %parallel_loop3A_1157 : i32 to index
        %parallel_loop3A_1159 = arith.index_cast %parallel_loop3A_223 : i32 to index
        %parallel_loop3A_1160 = arith.constant 736 : index
        %parallel_loop3A_1161 = tpu.vector_load %arg7[%parallel_loop3A_1158, %parallel_loop3A_1159, %parallel_loop3A_1160] {strides = array<i32>} : memref<2x16x768xf32, #tpu.memory_space<vmem>>, vector<1x1x16xf32>,
        %parallel_loop3A_1162 = vector.shape_cast %parallel_loop3A_1161 : vector<1x1x16xf32> to vector<16xf32>
        %parallel_loop3A_1163 = vector.shape_cast %parallel_loop3A_1156 : vector<16xf32> to vector<1x1x16xf32>
        tpu.vector_store %arg7[%parallel_loop3A_1158, %parallel_loop3A_1159, %parallel_loop3A_1160], %parallel_loop3A_1163 {strides = array<i32>} : memref<2x16x768xf32, #tpu.memory_space<vmem>>, vector<1x1x16xf32>,
        %parallel_loop3A_1164 = arith.constant 0 : i32
        %parallel_loop3A_1165 = arith.index_cast %parallel_loop3A_1164 : i32 to index
        %parallel_loop3A_1166 = arith.index_cast %parallel_loop3A_223 : i32 to index
        %parallel_loop3A_1167 = arith.constant 752 : index
        %parallel_loop3A_1168 = tpu.vector_load %arg5[%parallel_loop3A_1165, %parallel_loop3A_1166, %parallel_loop3A_1167] {strides = array<i32>} : memref<2x16x768xf32, #tpu.memory_space<vmem>>, vector<1x1x16xf32>,
        %parallel_loop3A_1169 = vector.shape_cast %parallel_loop3A_1168 : vector<1x1x16xf32> to vector<16xf32>
        %parallel_loop3A_1170 = arith.constant 0 : i32
        %parallel_loop3A_1171 = arith.index_cast %parallel_loop3A_1170 : i32 to index
        %parallel_loop3A_1172 = arith.index_cast %parallel_loop3A_223 : i32 to index
        %parallel_loop3A_1173 = arith.constant 752 : index
        %parallel_loop3A_1174 = tpu.vector_load %arg6[%parallel_loop3A_1171, %parallel_loop3A_1172, %parallel_loop3A_1173] {strides = array<i32>} : memref<2x16x768xf32, #tpu.memory_space<vmem>>, vector<1x1x16xf32>,
        %parallel_loop3A_1175 = vector.shape_cast %parallel_loop3A_1174 : vector<1x1x16xf32> to vector<16xf32>
        %parallel_loop3A_1176 = arith.addf %parallel_loop3A_1169, %parallel_loop3A_1175 : vector<16xf32>
        %parallel_loop3A_1177 = arith.constant 0 : i32
        %parallel_loop3A_1178 = arith.index_cast %parallel_loop3A_1177 : i32 to index
        %parallel_loop3A_1179 = arith.index_cast %parallel_loop3A_223 : i32 to index
        %parallel_loop3A_1180 = arith.constant 752 : index
        %parallel_loop3A_1181 = tpu.vector_load %arg7[%parallel_loop3A_1178, %parallel_loop3A_1179, %parallel_loop3A_1180] {strides = array<i32>} : memref<2x16x768xf32, #tpu.memory_space<vmem>>, vector<1x1x16xf32>,
        %parallel_loop3A_1182 = vector.shape_cast %parallel_loop3A_1181 : vector<1x1x16xf32> to vector<16xf32>
        %parallel_loop3A_1183 = vector.shape_cast %parallel_loop3A_1176 : vector<16xf32> to vector<1x1x16xf32>
        tpu.vector_store %arg7[%parallel_loop3A_1178, %parallel_loop3A_1179, %parallel_loop3A_1180], %parallel_loop3A_1183 {strides = array<i32>} : memref<2x16x768xf32, #tpu.memory_space<vmem>>, vector<1x1x16xf32>,
      } {sc.loop_unroll_factor = 1 : i64, sc.parallel_access}
      %mul3A_138 = arith.constant 16 : i32
      %mul3A_139 = arith.muli %add3A_102, %mul3A_138 : i32
      %add3A_140 = arith.addi %mul3A_2, %mul3A_139 : i32
      %dma_start3A_141 = arith.constant 0 : i32
      %dma_start3A_142 = arith.constant 0 : i32
      %dma_start3A_143 = arith.constant 0 : i32
      %dma_start3A_144 = tpu.memref_slice %arg7[%dma_start3A_141, %dma_start3A_142, %dma_start3A_143] : memref<2x16x768xf32, #tpu.memory_space<vmem>> -> memref<1x16x768xf32, #tpu.memory_space<vmem>>
      %dma_start3A_145 = tpu.memref_squeeze %dma_start3A_144 : memref<1x16x768xf32, #tpu.memory_space<vmem>> -> memref<16x768xf32, #tpu.memory_space<vmem>>
      %dma_start3A_146 = arith.constant 0 : i32
      %dma_start3A_147 = tpu.memref_slice %arg4[%add3A_140, %dma_start3A_146] : memref<8192x768xf32, #tpu.memory_space<hbm>> -> memref<16x768xf32, #tpu.memory_space<hbm>>
      %dma_start3A_148 = arith.constant 0 : i32
      %dma_start3A_149 = tpu.memref_slice %arg4[%add3A_140, %dma_start3A_148] : memref<8192x768xf32, #tpu.memory_space<hbm>> -> memref<16x768xf32, #tpu.memory_space<hbm>>
      %dma_start3A_150 = arith.constant 0 : i32
      %dma_start3A_151 = arith.constant 0 : i32
      %dma_start3A_152 = tpu.memref_slice %arg7[%dma_start3A_141, %dma_start3A_150, %dma_start3A_151] : memref<2x16x768xf32, #tpu.memory_space<vmem>> -> memref<1x16x768xf32, #tpu.memory_space<vmem>>
      %dma_start3A_153 = tpu.memref_squeeze %dma_start3A_152 : memref<1x16x768xf32, #tpu.memory_space<vmem>> -> memref<16x768xf32, #tpu.memory_space<vmem>>
      tpu.enqueue_dma source(%dma_start3A_153 : memref<16x768xf32, #tpu.memory_space<vmem>>) target(%dma_start3A_149 : memref<16x768xf32, #tpu.memory_space<hbm>>) target_semaphore(%arg12 : memref<!tpu.dma_semaphore, #tpu.memory_space<semaphore_mem>>)
      %lt3A = arith.constant 7 : i32
      %lt3A_154 = arith.cmpi slt, %scan3A_97, %lt3A : i32
      %convert_element_type3A_155 = arith.extui %lt3A_154 : i1 to i32
      %cond3A_156 = arith.constant 0 : i32
      %cond3A_157 = arith.cmpi ne, %convert_element_type3A_155, %cond3A_156 : i32
      scf.if %cond3A_157 {
        %add3A_223 = arith.constant 2 : i32
        %add3A_224 = arith.addi %add3A_102, %add3A_223 : i32
        %mul3A_225 = arith.constant 16 : i32
        %mul3A_226 = arith.muli %add3A_224, %mul3A_225 : i32
        %add3A_227 = arith.addi %mul3A_2, %mul3A_226 : i32
        %add3A_228 = arith.constant 24576 : i32
        %add3A_229 = arith.addi %add3A_228, %add3A_227 : i32
        %dma_start3A_230 = arith.constant 0 : i32
        %dma_start3A_231 = arith.constant 0 : i32
        %dma_start3A_232 = arith.constant 0 : i32
        %dma_start3A_233 = tpu.memref_slice %arg5[%dma_start3A_230, %dma_start3A_231, %dma_start3A_232] : memref<2x16x768xf32, #tpu.memory_space<vmem>> -> memref<1x16x768xf32, #tpu.memory_space<vmem>>
        %dma_start3A_234 = tpu.memref_squeeze %dma_start3A_233 : memref<1x16x768xf32, #tpu.memory_space<vmem>> -> memref<16x768xf32, #tpu.memory_space<vmem>>
        %dma_start3A_235 = arith.constant 0 : i32
        %dma_start3A_236 = tpu.memref_slice %arg2[%add3A_229, %dma_start3A_235] : memref<32768x768xf32, #tpu.memory_space<hbm>> -> memref<16x768xf32, #tpu.memory_space<hbm>>
        %dma_start3A_237 = arith.constant 0 : i32
        %dma_start3A_238 = arith.constant 0 : i32
        %dma_start3A_239 = tpu.memref_slice %arg5[%dma_start3A_230, %dma_start3A_237, %dma_start3A_238] : memref<2x16x768xf32, #tpu.memory_space<vmem>> -> memref<1x16x768xf32, #tpu.memory_space<vmem>>
        %dma_start3A_240 = tpu.memref_squeeze %dma_start3A_239 : memref<1x16x768xf32, #tpu.memory_space<vmem>> -> memref<16x768xf32, #tpu.memory_space<vmem>>
        %dma_start3A_241 = arith.constant 0 : i32
        %dma_start3A_242 = tpu.memref_slice %arg2[%add3A_229, %dma_start3A_241] : memref<32768x768xf32, #tpu.memory_space<hbm>> -> memref<16x768xf32, #tpu.memory_space<hbm>>
        tpu.enqueue_dma source(%dma_start3A_242 : memref<16x768xf32, #tpu.memory_space<hbm>>) target(%dma_start3A_240 : memref<16x768xf32, #tpu.memory_space<vmem>>) target_semaphore(%arg8 : memref<!tpu.dma_semaphore, #tpu.memory_space<semaphore_mem>>)
        %dma_start3A_243 = arith.constant 0 : i32
        %dma_start3A_244 = arith.constant 0 : i32
        %dma_start3A_245 = arith.constant 0 : i32
        %dma_start3A_246 = tpu.memref_slice %arg6[%dma_start3A_243, %dma_start3A_244, %dma_start3A_245] : memref<2x16x768xf32, #tpu.memory_space<vmem>> -> memref<1x16x768xf32, #tpu.memory_space<vmem>>
        %dma_start3A_247 = tpu.memref_squeeze %dma_start3A_246 : memref<1x16x768xf32, #tpu.memory_space<vmem>> -> memref<16x768xf32, #tpu.memory_space<vmem>>
        %dma_start3A_248 = arith.constant 0 : i32
        %dma_start3A_249 = tpu.memref_slice %arg3[%add3A_227, %dma_start3A_248] : memref<8192x768xf32, #tpu.memory_space<hbm>> -> memref<16x768xf32, #tpu.memory_space<hbm>>
        %dma_start3A_250 = arith.constant 0 : i32
        %dma_start3A_251 = arith.constant 0 : i32
        %dma_start3A_252 = tpu.memref_slice %arg6[%dma_start3A_243, %dma_start3A_250, %dma_start3A_251] : memref<2x16x768xf32, #tpu.memory_space<vmem>> -> memref<1x16x768xf32, #tpu.memory_space<vmem>>
        %dma_start3A_253 = tpu.memref_squeeze %dma_start3A_252 : memref<1x16x768xf32, #tpu.memory_space<vmem>> -> memref<16x768xf32, #tpu.memory_space<vmem>>
        %dma_start3A_254 = arith.constant 0 : i32
        %dma_start3A_255 = tpu.memref_slice %arg3[%add3A_227, %dma_start3A_254] : memref<8192x768xf32, #tpu.memory_space<hbm>> -> memref<16x768xf32, #tpu.memory_space<hbm>>
        tpu.enqueue_dma source(%dma_start3A_255 : memref<16x768xf32, #tpu.memory_space<hbm>>) target(%dma_start3A_253 : memref<16x768xf32, #tpu.memory_space<vmem>>) target_semaphore(%arg10 : memref<!tpu.dma_semaphore, #tpu.memory_space<semaphore_mem>>)
      } else {
      }
      %mul3A_158 = arith.constant 2 : i32
      %mul3A_159 = arith.muli %mul3A_158, %scan3A_97 : i32
      %add3A_160 = arith.constant 1 : i32
      %add3A_161 = arith.addi %mul3A_159, %add3A_160 : i32
      %mul3A_162 = arith.constant 16 : i32
      %mul3A_163 = arith.muli %add3A_161, %mul3A_162 : i32
      %add3A_164 = arith.addi %mul3A_2, %mul3A_163 : i32
      %add3A_165 = arith.constant 24576 : i32
      %add3A_166 = arith.addi %add3A_165, %add3A_164 : i32
      %dma_wait3A_167 = arith.constant 1 : i32
      %dma_wait3A_168 = arith.constant 0 : i32
      %dma_wait3A_169 = arith.constant 0 : i32
      %dma_wait3A_170 = tpu.memref_slice %arg5[%dma_wait3A_167, %dma_wait3A_168, %dma_wait3A_169] : memref<2x16x768xf32, #tpu.memory_space<vmem>> -> memref<1x16x768xf32, #tpu.memory_space<vmem>>
      %dma_wait3A_171 = tpu.memref_squeeze %dma_wait3A_170 : memref<1x16x768xf32, #tpu.memory_space<vmem>> -> memref<16x768xf32, #tpu.memory_space<vmem>>
      %dma_wait3A_172 = arith.constant 0 : i32
      %dma_wait3A_173 = tpu.memref_slice %arg2[%add3A_166, %dma_wait3A_172] : memref<32768x768xf32, #tpu.memory_space<hbm>> -> memref<16x768xf32, #tpu.memory_space<hbm>>
      %dma_wait3A_174 = arith.constant 0 : i32
      %dma_wait3A_175 = arith.constant 0 : i32
      %dma_wait3A_176 = tpu.memref_slice %arg5[%dma_wait3A_167, %dma_wait3A_174, %dma_wait3A_175] : memref<2x16x768xf32, #tpu.memory_space<vmem>> -> memref<1x16x768xf32, #tpu.memory_space<vmem>>
      %dma_wait3A_177 = tpu.memref_squeeze %dma_wait3A_176 : memref<1x16x768xf32, #tpu.memory_space<vmem>> -> memref<16x768xf32, #tpu.memory_space<vmem>>
      %dma_wait3A_178 = arith.constant 0 : i32
      %dma_wait3A_179 = tpu.memref_slice %arg2[%add3A_166, %dma_wait3A_178] : memref<32768x768xf32, #tpu.memory_space<hbm>> -> memref<16x768xf32, #tpu.memory_space<hbm>>
      tpu.wait_dma2 semaphore(%arg9 : memref<!tpu.dma_semaphore, #tpu.memory_space<semaphore_mem>>) src(%dma_wait3A_179 : memref<16x768xf32, #tpu.memory_space<hbm>>) dst(%dma_wait3A_177 : memref<16x768xf32, #tpu.memory_space<vmem>>)
      %dma_wait3A_180 = arith.constant 1 : i32
      %dma_wait3A_181 = arith.constant 0 : i32
      %dma_wait3A_182 = arith.constant 0 : i32
      %dma_wait3A_183 = tpu.memref_slice %arg6[%dma_wait3A_180, %dma_wait3A_181, %dma_wait3A_182] : memref<2x16x768xf32, #tpu.memory_space<vmem>> -> memref<1x16x768xf32, #tpu.memory_space<vmem>>
      %dma_wait3A_184 = tpu.memref_squeeze %dma_wait3A_183 : memref<1x16x768xf32, #tpu.memory_space<vmem>> -> memref<16x768xf32, #tpu.memory_space<vmem>>
      %dma_wait3A_185 = arith.constant 0 : i32
      %dma_wait3A_186 = tpu.memref_slice %arg3[%add3A_164, %dma_wait3A_185] : memref<8192x768xf32, #tpu.memory_space<hbm>> -> memref<16x768xf32, #tpu.memory_space<hbm>>
      %dma_wait3A_187 = arith.constant 0 : i32
      %dma_wait3A_188 = arith.constant 0 : i32
      %dma_wait3A_189 = tpu.memref_slice %arg6[%dma_wait3A_180, %dma_wait3A_187, %dma_wait3A_188] : memref<2x16x768xf32, #tpu.memory_space<vmem>> -> memref<1x16x768xf32, #tpu.memory_space<vmem>>
      %dma_wait3A_190 = tpu.memref_squeeze %dma_wait3A_189 : memref<1x16x768xf32, #tpu.memory_space<vmem>> -> memref<16x768xf32, #tpu.memory_space<vmem>>
      %dma_wait3A_191 = arith.constant 0 : i32
      %dma_wait3A_192 = tpu.memref_slice %arg3[%add3A_164, %dma_wait3A_191] : memref<8192x768xf32, #tpu.memory_space<hbm>> -> memref<16x768xf32, #tpu.memory_space<hbm>>
      tpu.wait_dma2 semaphore(%arg11 : memref<!tpu.dma_semaphore, #tpu.memory_space<semaphore_mem>>) src(%dma_wait3A_192 : memref<16x768xf32, #tpu.memory_space<hbm>>) dst(%dma_wait3A_190 : memref<16x768xf32, #tpu.memory_space<vmem>>)
      %ge3A_193 = arith.constant 1 : i32
      %ge3A_194 = arith.cmpi sge, %scan3A_97, %ge3A_193 : i32
      %convert_element_type3A_195 = arith.extui %ge3A_194 : i1 to i32
      %cond3A_196 = arith.constant 0 : i32
      %cond3A_197 = arith.cmpi ne, %convert_element_type3A_195, %cond3A_196 : i32
      scf.if %cond3A_197 {
        %sub3A = arith.constant 2 : i32
        %sub3A_223 = arith.subi %add3A_161, %sub3A : i32
        %mul3A_224 = arith.constant 16 : i32
        %mul3A_225 = arith.muli %sub3A_223, %mul3A_224 : i32
        %add3A_226 = arith.addi %mul3A_2, %mul3A_225 : i32
        %dma_wait3A_227 = arith.constant 1 : i32
        %dma_wait3A_228 = arith.constant 0 : i32
        %dma_wait3A_229 = arith.constant 0 : i32
        %dma_wait3A_230 = tpu.memref_slice %arg7[%dma_wait3A_227, %dma_wait3A_228, %dma_wait3A_229] : memref<2x16x768xf32, #tpu.memory_space<vmem>> -> memref<1x16x768xf32, #tpu.memory_space<vmem>>
        %dma_wait3A_231 = tpu.memref_squeeze %dma_wait3A_230 : memref<1x16x768xf32, #tpu.memory_space<vmem>> -> memref<16x768xf32, #tpu.memory_space<vmem>>
        %dma_wait3A_232 = arith.constant 0 : i32
        %dma_wait3A_233 = tpu.memref_slice %arg4[%add3A_226, %dma_wait3A_232] : memref<8192x768xf32, #tpu.memory_space<hbm>> -> memref<16x768xf32, #tpu.memory_space<hbm>>
        %dma_wait3A_234 = arith.constant 0 : i32
        %dma_wait3A_235 = tpu.memref_slice %arg4[%add3A_226, %dma_wait3A_234] : memref<8192x768xf32, #tpu.memory_space<hbm>> -> memref<16x768xf32, #tpu.memory_space<hbm>>
        %dma_wait3A_236 = arith.constant 0 : i32
        %dma_wait3A_237 = arith.constant 0 : i32
        %dma_wait3A_238 = tpu.memref_slice %arg7[%dma_wait3A_227, %dma_wait3A_236, %dma_wait3A_237] : memref<2x16x768xf32, #tpu.memory_space<vmem>> -> memref<1x16x768xf32, #tpu.memory_space<vmem>>
        %dma_wait3A_239 = tpu.memref_squeeze %dma_wait3A_238 : memref<1x16x768xf32, #tpu.memory_space<vmem>> -> memref<16x768xf32, #tpu.memory_space<vmem>>
        tpu.wait_dma2 semaphore(%arg13 : memref<!tpu.dma_semaphore, #tpu.memory_space<semaphore_mem>>) src(%dma_wait3A_239 : memref<16x768xf32, #tpu.memory_space<vmem>>) dst(%dma_wait3A_235 : memref<16x768xf32, #tpu.memory_space<hbm>>)
      } else {
      }
      %parallel_loop3A_198 = arith.constant 0 : i32
      %parallel_loop3A_199 = arith.constant 16 : i32
      %parallel_loop3A_200 = arith.constant 1 : i32
      scf.for %parallel_loop3A_223 = %parallel_loop3A_198 to %parallel_loop3A_199 step %parallel_loop3A_200  : i32 {
        %parallel_loop3A_224 = arith.constant 1 : i32
        %parallel_loop3A_225 = arith.index_cast %parallel_loop3A_224 : i32 to index
        %parallel_loop3A_226 = arith.index_cast %parallel_loop3A_223 : i32 to index
        %parallel_loop3A_227 = arith.constant 0 : index
        %parallel_loop3A_228 = tpu.vector_load %arg5[%parallel_loop3A_225, %parallel_loop3A_226, %parallel_loop3A_227] {strides = array<i32>} : memref<2x16x768xf32, #tpu.memory_space<vmem>>, vector<1x1x16xf32>,
        %parallel_loop3A_229 = vector.shape_cast %parallel_loop3A_228 : vector<1x1x16xf32> to vector<16xf32>
        %parallel_loop3A_230 = arith.constant 1 : i32
        %parallel_loop3A_231 = arith.index_cast %parallel_loop3A_230 : i32 to index
        %parallel_loop3A_232 = arith.index_cast %parallel_loop3A_223 : i32 to index
        %parallel_loop3A_233 = arith.constant 0 : index
        %parallel_loop3A_234 = tpu.vector_load %arg6[%parallel_loop3A_231, %parallel_loop3A_232, %parallel_loop3A_233] {strides = array<i32>} : memref<2x16x768xf32, #tpu.memory_space<vmem>>, vector<1x1x16xf32>,
        %parallel_loop3A_235 = vector.shape_cast %parallel_loop3A_234 : vector<1x1x16xf32> to vector<16xf32>
        %parallel_loop3A_236 = arith.addf %parallel_loop3A_229, %parallel_loop3A_235 : vector<16xf32>
        %parallel_loop3A_237 = arith.constant 1 : i32
        %parallel_loop3A_238 = arith.index_cast %parallel_loop3A_237 : i32 to index
        %parallel_loop3A_239 = arith.index_cast %parallel_loop3A_223 : i32 to index
        %parallel_loop3A_240 = arith.constant 0 : index
        %parallel_loop3A_241 = tpu.vector_load %arg7[%parallel_loop3A_238, %parallel_loop3A_239, %parallel_loop3A_240] {strides = array<i32>} : memref<2x16x768xf32, #tpu.memory_space<vmem>>, vector<1x1x16xf32>,
        %parallel_loop3A_242 = vector.shape_cast %parallel_loop3A_241 : vector<1x1x16xf32> to vector<16xf32>
        %parallel_loop3A_243 = vector.shape_cast %parallel_loop3A_236 : vector<16xf32> to vector<1x1x16xf32>
        tpu.vector_store %arg7[%parallel_loop3A_238, %parallel_loop3A_239, %parallel_loop3A_240], %parallel_loop3A_243 {strides = array<i32>} : memref<2x16x768xf32, #tpu.memory_space<vmem>>, vector<1x1x16xf32>,
        %parallel_loop3A_244 = arith.constant 1 : i32
        %parallel_loop3A_245 = arith.index_cast %parallel_loop3A_244 : i32 to index
        %parallel_loop3A_246 = arith.index_cast %parallel_loop3A_223 : i32 to index
        %parallel_loop3A_247 = arith.constant 16 : index
        %parallel_loop3A_248 = tpu.vector_load %arg5[%parallel_loop3A_245, %parallel_loop3A_246, %parallel_loop3A_247] {strides = array<i32>} : memref<2x16x768xf32, #tpu.memory_space<vmem>>, vector<1x1x16xf32>,
        %parallel_loop3A_249 = vector.shape_cast %parallel_loop3A_248 : vector<1x1x16xf32> to vector<16xf32>
        %parallel_loop3A_250 = arith.constant 1 : i32
        %parallel_loop3A_251 = arith.index_cast %parallel_loop3A_250 : i32 to index
        %parallel_loop3A_252 = arith.index_cast %parallel_loop3A_223 : i32 to index
        %parallel_loop3A_253 = arith.constant 16 : index
        %parallel_loop3A_254 = tpu.vector_load %arg6[%parallel_loop3A_251, %parallel_loop3A_252, %parallel_loop3A_253] {strides = array<i32>} : memref<2x16x768xf32, #tpu.memory_space<vmem>>, vector<1x1x16xf32>,
        %parallel_loop3A_255 = vector.shape_cast %parallel_loop3A_254 : vector<1x1x16xf32> to vector<16xf32>
        %parallel_loop3A_256 = arith.addf %parallel_loop3A_249, %parallel_loop3A_255 : vector<16xf32>
        %parallel_loop3A_257 = arith.constant 1 : i32
        %parallel_loop3A_258 = arith.index_cast %parallel_loop3A_257 : i32 to index
        %parallel_loop3A_259 = arith.index_cast %parallel_loop3A_223 : i32 to index
        %parallel_loop3A_260 = arith.constant 16 : index
        %parallel_loop3A_261 = tpu.vector_load %arg7[%parallel_loop3A_258, %parallel_loop3A_259, %parallel_loop3A_260] {strides = array<i32>} : memref<2x16x768xf32, #tpu.memory_space<vmem>>, vector<1x1x16xf32>,
        %parallel_loop3A_262 = vector.shape_cast %parallel_loop3A_261 : vector<1x1x16xf32> to vector<16xf32>
        %parallel_loop3A_263 = vector.shape_cast %parallel_loop3A_256 : vector<16xf32> to vector<1x1x16xf32>
        tpu.vector_store %arg7[%parallel_loop3A_258, %parallel_loop3A_259, %parallel_loop3A_260], %parallel_loop3A_263 {strides = array<i32>} : memref<2x16x768xf32, #tpu.memory_space<vmem>>, vector<1x1x16xf32>,
        %parallel_loop3A_264 = arith.constant 1 : i32
        %parallel_loop3A_265 = arith.index_cast %parallel_loop3A_264 : i32 to index
        %parallel_loop3A_266 = arith.index_cast %parallel_loop3A_223 : i32 to index
        %parallel_loop3A_267 = arith.constant 32 : index
        %parallel_loop3A_268 = tpu.vector_load %arg5[%parallel_loop3A_265, %parallel_loop3A_266, %parallel_loop3A_267] {strides = array<i32>} : memref<2x16x768xf32, #tpu.memory_space<vmem>>, vector<1x1x16xf32>,
        %parallel_loop3A_269 = vector.shape_cast %parallel_loop3A_268 : vector<1x1x16xf32> to vector<16xf32>
        %parallel_loop3A_270 = arith.constant 1 : i32
        %parallel_loop3A_271 = arith.index_cast %parallel_loop3A_270 : i32 to index
        %parallel_loop3A_272 = arith.index_cast %parallel_loop3A_223 : i32 to index
        %parallel_loop3A_273 = arith.constant 32 : index
        %parallel_loop3A_274 = tpu.vector_load %arg6[%parallel_loop3A_271, %parallel_loop3A_272, %parallel_loop3A_273] {strides = array<i32>} : memref<2x16x768xf32, #tpu.memory_space<vmem>>, vector<1x1x16xf32>,
        %parallel_loop3A_275 = vector.shape_cast %parallel_loop3A_274 : vector<1x1x16xf32> to vector<16xf32>
        %parallel_loop3A_276 = arith.addf %parallel_loop3A_269, %parallel_loop3A_275 : vector<16xf32>
        %parallel_loop3A_277 = arith.constant 1 : i32
        %parallel_loop3A_278 = arith.index_cast %parallel_loop3A_277 : i32 to index
        %parallel_loop3A_279 = arith.index_cast %parallel_loop3A_223 : i32 to index
        %parallel_loop3A_280 = arith.constant 32 : index
        %parallel_loop3A_281 = tpu.vector_load %arg7[%parallel_loop3A_278, %parallel_loop3A_279, %parallel_loop3A_280] {strides = array<i32>} : memref<2x16x768xf32, #tpu.memory_space<vmem>>, vector<1x1x16xf32>,
        %parallel_loop3A_282 = vector.shape_cast %parallel_loop3A_281 : vector<1x1x16xf32> to vector<16xf32>
        %parallel_loop3A_283 = vector.shape_cast %parallel_loop3A_276 : vector<16xf32> to vector<1x1x16xf32>
        tpu.vector_store %arg7[%parallel_loop3A_278, %parallel_loop3A_279, %parallel_loop3A_280], %parallel_loop3A_283 {strides = array<i32>} : memref<2x16x768xf32, #tpu.memory_space<vmem>>, vector<1x1x16xf32>,
        %parallel_loop3A_284 = arith.constant 1 : i32
        %parallel_loop3A_285 = arith.index_cast %parallel_loop3A_284 : i32 to index
        %parallel_loop3A_286 = arith.index_cast %parallel_loop3A_223 : i32 to index
        %parallel_loop3A_287 = arith.constant 48 : index
        %parallel_loop3A_288 = tpu.vector_load %arg5[%parallel_loop3A_285, %parallel_loop3A_286, %parallel_loop3A_287] {strides = array<i32>} : memref<2x16x768xf32, #tpu.memory_space<vmem>>, vector<1x1x16xf32>,
        %parallel_loop3A_289 = vector.shape_cast %parallel_loop3A_288 : vector<1x1x16xf32> to vector<16xf32>
        %parallel_loop3A_290 = arith.constant 1 : i32
        %parallel_loop3A_291 = arith.index_cast %parallel_loop3A_290 : i32 to index
        %parallel_loop3A_292 = arith.index_cast %parallel_loop3A_223 : i32 to index
        %parallel_loop3A_293 = arith.constant 48 : index
        %parallel_loop3A_294 = tpu.vector_load %arg6[%parallel_loop3A_291, %parallel_loop3A_292, %parallel_loop3A_293] {strides = array<i32>} : memref<2x16x768xf32, #tpu.memory_space<vmem>>, vector<1x1x16xf32>,
        %parallel_loop3A_295 = vector.shape_cast %parallel_loop3A_294 : vector<1x1x16xf32> to vector<16xf32>
        %parallel_loop3A_296 = arith.addf %parallel_loop3A_289, %parallel_loop3A_295 : vector<16xf32>
        %parallel_loop3A_297 = arith.constant 1 : i32
        %parallel_loop3A_298 = arith.index_cast %parallel_loop3A_297 : i32 to index
        %parallel_loop3A_299 = arith.index_cast %parallel_loop3A_223 : i32 to index
        %parallel_loop3A_300 = arith.constant 48 : index
        %parallel_loop3A_301 = tpu.vector_load %arg7[%parallel_loop3A_298, %parallel_loop3A_299, %parallel_loop3A_300] {strides = array<i32>} : memref<2x16x768xf32, #tpu.memory_space<vmem>>, vector<1x1x16xf32>,
        %parallel_loop3A_302 = vector.shape_cast %parallel_loop3A_301 : vector<1x1x16xf32> to vector<16xf32>
        %parallel_loop3A_303 = vector.shape_cast %parallel_loop3A_296 : vector<16xf32> to vector<1x1x16xf32>
        tpu.vector_store %arg7[%parallel_loop3A_298, %parallel_loop3A_299, %parallel_loop3A_300], %parallel_loop3A_303 {strides = array<i32>} : memref<2x16x768xf32, #tpu.memory_space<vmem>>, vector<1x1x16xf32>,
        %parallel_loop3A_304 = arith.constant 1 : i32
        %parallel_loop3A_305 = arith.index_cast %parallel_loop3A_304 : i32 to index
        %parallel_loop3A_306 = arith.index_cast %parallel_loop3A_223 : i32 to index
        %parallel_loop3A_307 = arith.constant 64 : index
        %parallel_loop3A_308 = tpu.vector_load %arg5[%parallel_loop3A_305, %parallel_loop3A_306, %parallel_loop3A_307] {strides = array<i32>} : memref<2x16x768xf32, #tpu.memory_space<vmem>>, vector<1x1x16xf32>,
        %parallel_loop3A_309 = vector.shape_cast %parallel_loop3A_308 : vector<1x1x16xf32> to vector<16xf32>
        %parallel_loop3A_310 = arith.constant 1 : i32
        %parallel_loop3A_311 = arith.index_cast %parallel_loop3A_310 : i32 to index
        %parallel_loop3A_312 = arith.index_cast %parallel_loop3A_223 : i32 to index
        %parallel_loop3A_313 = arith.constant 64 : index
        %parallel_loop3A_314 = tpu.vector_load %arg6[%parallel_loop3A_311, %parallel_loop3A_312, %parallel_loop3A_313] {strides = array<i32>} : memref<2x16x768xf32, #tpu.memory_space<vmem>>, vector<1x1x16xf32>,
        %parallel_loop3A_315 = vector.shape_cast %parallel_loop3A_314 : vector<1x1x16xf32> to vector<16xf32>
        %parallel_loop3A_316 = arith.addf %parallel_loop3A_309, %parallel_loop3A_315 : vector<16xf32>
        %parallel_loop3A_317 = arith.constant 1 : i32
        %parallel_loop3A_318 = arith.index_cast %parallel_loop3A_317 : i32 to index
        %parallel_loop3A_319 = arith.index_cast %parallel_loop3A_223 : i32 to index
        %parallel_loop3A_320 = arith.constant 64 : index
        %parallel_loop3A_321 = tpu.vector_load %arg7[%parallel_loop3A_318, %parallel_loop3A_319, %parallel_loop3A_320] {strides = array<i32>} : memref<2x16x768xf32, #tpu.memory_space<vmem>>, vector<1x1x16xf32>,
        %parallel_loop3A_322 = vector.shape_cast %parallel_loop3A_321 : vector<1x1x16xf32> to vector<16xf32>
        %parallel_loop3A_323 = vector.shape_cast %parallel_loop3A_316 : vector<16xf32> to vector<1x1x16xf32>
        tpu.vector_store %arg7[%parallel_loop3A_318, %parallel_loop3A_319, %parallel_loop3A_320], %parallel_loop3A_323 {strides = array<i32>} : memref<2x16x768xf32, #tpu.memory_space<vmem>>, vector<1x1x16xf32>,
        %parallel_loop3A_324 = arith.constant 1 : i32
        %parallel_loop3A_325 = arith.index_cast %parallel_loop3A_324 : i32 to index
        %parallel_loop3A_326 = arith.index_cast %parallel_loop3A_223 : i32 to index
        %parallel_loop3A_327 = arith.constant 80 : index
        %parallel_loop3A_328 = tpu.vector_load %arg5[%parallel_loop3A_325, %parallel_loop3A_326, %parallel_loop3A_327] {strides = array<i32>} : memref<2x16x768xf32, #tpu.memory_space<vmem>>, vector<1x1x16xf32>,
        %parallel_loop3A_329 = vector.shape_cast %parallel_loop3A_328 : vector<1x1x16xf32> to vector<16xf32>
        %parallel_loop3A_330 = arith.constant 1 : i32
        %parallel_loop3A_331 = arith.index_cast %parallel_loop3A_330 : i32 to index
        %parallel_loop3A_332 = arith.index_cast %parallel_loop3A_223 : i32 to index
        %parallel_loop3A_333 = arith.constant 80 : index
        %parallel_loop3A_334 = tpu.vector_load %arg6[%parallel_loop3A_331, %parallel_loop3A_332, %parallel_loop3A_333] {strides = array<i32>} : memref<2x16x768xf32, #tpu.memory_space<vmem>>, vector<1x1x16xf32>,
        %parallel_loop3A_335 = vector.shape_cast %parallel_loop3A_334 : vector<1x1x16xf32> to vector<16xf32>
        %parallel_loop3A_336 = arith.addf %parallel_loop3A_329, %parallel_loop3A_335 : vector<16xf32>
        %parallel_loop3A_337 = arith.constant 1 : i32
        %parallel_loop3A_338 = arith.index_cast %parallel_loop3A_337 : i32 to index
        %parallel_loop3A_339 = arith.index_cast %parallel_loop3A_223 : i32 to index
        %parallel_loop3A_340 = arith.constant 80 : index
        %parallel_loop3A_341 = tpu.vector_load %arg7[%parallel_loop3A_338, %parallel_loop3A_339, %parallel_loop3A_340] {strides = array<i32>} : memref<2x16x768xf32, #tpu.memory_space<vmem>>, vector<1x1x16xf32>,
        %parallel_loop3A_342 = vector.shape_cast %parallel_loop3A_341 : vector<1x1x16xf32> to vector<16xf32>
        %parallel_loop3A_343 = vector.shape_cast %parallel_loop3A_336 : vector<16xf32> to vector<1x1x16xf32>
        tpu.vector_store %arg7[%parallel_loop3A_338, %parallel_loop3A_339, %parallel_loop3A_340], %parallel_loop3A_343 {strides = array<i32>} : memref<2x16x768xf32, #tpu.memory_space<vmem>>, vector<1x1x16xf32>,
        %parallel_loop3A_344 = arith.constant 1 : i32
        %parallel_loop3A_345 = arith.index_cast %parallel_loop3A_344 : i32 to index
        %parallel_loop3A_346 = arith.index_cast %parallel_loop3A_223 : i32 to index
        %parallel_loop3A_347 = arith.constant 96 : index
        %parallel_loop3A_348 = tpu.vector_load %arg5[%parallel_loop3A_345, %parallel_loop3A_346, %parallel_loop3A_347] {strides = array<i32>} : memref<2x16x768xf32, #tpu.memory_space<vmem>>, vector<1x1x16xf32>,
        %parallel_loop3A_349 = vector.shape_cast %parallel_loop3A_348 : vector<1x1x16xf32> to vector<16xf32>
        %parallel_loop3A_350 = arith.constant 1 : i32
        %parallel_loop3A_351 = arith.index_cast %parallel_loop3A_350 : i32 to index
        %parallel_loop3A_352 = arith.index_cast %parallel_loop3A_223 : i32 to index
        %parallel_loop3A_353 = arith.constant 96 : index
        %parallel_loop3A_354 = tpu.vector_load %arg6[%parallel_loop3A_351, %parallel_loop3A_352, %parallel_loop3A_353] {strides = array<i32>} : memref<2x16x768xf32, #tpu.memory_space<vmem>>, vector<1x1x16xf32>,
        %parallel_loop3A_355 = vector.shape_cast %parallel_loop3A_354 : vector<1x1x16xf32> to vector<16xf32>
        %parallel_loop3A_356 = arith.addf %parallel_loop3A_349, %parallel_loop3A_355 : vector<16xf32>
        %parallel_loop3A_357 = arith.constant 1 : i32
        %parallel_loop3A_358 = arith.index_cast %parallel_loop3A_357 : i32 to index
        %parallel_loop3A_359 = arith.index_cast %parallel_loop3A_223 : i32 to index
        %parallel_loop3A_360 = arith.constant 96 : index
        %parallel_loop3A_361 = tpu.vector_load %arg7[%parallel_loop3A_358, %parallel_loop3A_359, %parallel_loop3A_360] {strides = array<i32>} : memref<2x16x768xf32, #tpu.memory_space<vmem>>, vector<1x1x16xf32>,
        %parallel_loop3A_362 = vector.shape_cast %parallel_loop3A_361 : vector<1x1x16xf32> to vector<16xf32>
        %parallel_loop3A_363 = vector.shape_cast %parallel_loop3A_356 : vector<16xf32> to vector<1x1x16xf32>
        tpu.vector_store %arg7[%parallel_loop3A_358, %parallel_loop3A_359, %parallel_loop3A_360], %parallel_loop3A_363 {strides = array<i32>} : memref<2x16x768xf32, #tpu.memory_space<vmem>>, vector<1x1x16xf32>,
        %parallel_loop3A_364 = arith.constant 1 : i32
        %parallel_loop3A_365 = arith.index_cast %parallel_loop3A_364 : i32 to index
        %parallel_loop3A_366 = arith.index_cast %parallel_loop3A_223 : i32 to index
        %parallel_loop3A_367 = arith.constant 112 : index
        %parallel_loop3A_368 = tpu.vector_load %arg5[%parallel_loop3A_365, %parallel_loop3A_366, %parallel_loop3A_367] {strides = array<i32>} : memref<2x16x768xf32, #tpu.memory_space<vmem>>, vector<1x1x16xf32>,
        %parallel_loop3A_369 = vector.shape_cast %parallel_loop3A_368 : vector<1x1x16xf32> to vector<16xf32>
        %parallel_loop3A_370 = arith.constant 1 : i32
        %parallel_loop3A_371 = arith.index_cast %parallel_loop3A_370 : i32 to index
        %parallel_loop3A_372 = arith.index_cast %parallel_loop3A_223 : i32 to index
        %parallel_loop3A_373 = arith.constant 112 : index
        %parallel_loop3A_374 = tpu.vector_load %arg6[%parallel_loop3A_371, %parallel_loop3A_372, %parallel_loop3A_373] {strides = array<i32>} : memref<2x16x768xf32, #tpu.memory_space<vmem>>, vector<1x1x16xf32>,
        %parallel_loop3A_375 = vector.shape_cast %parallel_loop3A_374 : vector<1x1x16xf32> to vector<16xf32>
        %parallel_loop3A_376 = arith.addf %parallel_loop3A_369, %parallel_loop3A_375 : vector<16xf32>
        %parallel_loop3A_377 = arith.constant 1 : i32
        %parallel_loop3A_378 = arith.index_cast %parallel_loop3A_377 : i32 to index
        %parallel_loop3A_379 = arith.index_cast %parallel_loop3A_223 : i32 to index
        %parallel_loop3A_380 = arith.constant 112 : index
        %parallel_loop3A_381 = tpu.vector_load %arg7[%parallel_loop3A_378, %parallel_loop3A_379, %parallel_loop3A_380] {strides = array<i32>} : memref<2x16x768xf32, #tpu.memory_space<vmem>>, vector<1x1x16xf32>,
        %parallel_loop3A_382 = vector.shape_cast %parallel_loop3A_381 : vector<1x1x16xf32> to vector<16xf32>
        %parallel_loop3A_383 = vector.shape_cast %parallel_loop3A_376 : vector<16xf32> to vector<1x1x16xf32>
        tpu.vector_store %arg7[%parallel_loop3A_378, %parallel_loop3A_379, %parallel_loop3A_380], %parallel_loop3A_383 {strides = array<i32>} : memref<2x16x768xf32, #tpu.memory_space<vmem>>, vector<1x1x16xf32>,
        %parallel_loop3A_384 = arith.constant 1 : i32
        %parallel_loop3A_385 = arith.index_cast %parallel_loop3A_384 : i32 to index
        %parallel_loop3A_386 = arith.index_cast %parallel_loop3A_223 : i32 to index
        %parallel_loop3A_387 = arith.constant 128 : index
        %parallel_loop3A_388 = tpu.vector_load %arg5[%parallel_loop3A_385, %parallel_loop3A_386, %parallel_loop3A_387] {strides = array<i32>} : memref<2x16x768xf32, #tpu.memory_space<vmem>>, vector<1x1x16xf32>,
        %parallel_loop3A_389 = vector.shape_cast %parallel_loop3A_388 : vector<1x1x16xf32> to vector<16xf32>
        %parallel_loop3A_390 = arith.constant 1 : i32
        %parallel_loop3A_391 = arith.index_cast %parallel_loop3A_390 : i32 to index
        %parallel_loop3A_392 = arith.index_cast %parallel_loop3A_223 : i32 to index
        %parallel_loop3A_393 = arith.constant 128 : index
        %parallel_loop3A_394 = tpu.vector_load %arg6[%parallel_loop3A_391, %parallel_loop3A_392, %parallel_loop3A_393] {strides = array<i32>} : memref<2x16x768xf32, #tpu.memory_space<vmem>>, vector<1x1x16xf32>,
        %parallel_loop3A_395 = vector.shape_cast %parallel_loop3A_394 : vector<1x1x16xf32> to vector<16xf32>
        %parallel_loop3A_396 = arith.addf %parallel_loop3A_389, %parallel_loop3A_395 : vector<16xf32>
        %parallel_loop3A_397 = arith.constant 1 : i32
        %parallel_loop3A_398 = arith.index_cast %parallel_loop3A_397 : i32 to index
        %parallel_loop3A_399 = arith.index_cast %parallel_loop3A_223 : i32 to index
        %parallel_loop3A_400 = arith.constant 128 : index
        %parallel_loop3A_401 = tpu.vector_load %arg7[%parallel_loop3A_398, %parallel_loop3A_399, %parallel_loop3A_400] {strides = array<i32>} : memref<2x16x768xf32, #tpu.memory_space<vmem>>, vector<1x1x16xf32>,
        %parallel_loop3A_402 = vector.shape_cast %parallel_loop3A_401 : vector<1x1x16xf32> to vector<16xf32>
        %parallel_loop3A_403 = vector.shape_cast %parallel_loop3A_396 : vector<16xf32> to vector<1x1x16xf32>
        tpu.vector_store %arg7[%parallel_loop3A_398, %parallel_loop3A_399, %parallel_loop3A_400], %parallel_loop3A_403 {strides = array<i32>} : memref<2x16x768xf32, #tpu.memory_space<vmem>>, vector<1x1x16xf32>,
        %parallel_loop3A_404 = arith.constant 1 : i32
        %parallel_loop3A_405 = arith.index_cast %parallel_loop3A_404 : i32 to index
        %parallel_loop3A_406 = arith.index_cast %parallel_loop3A_223 : i32 to index
        %parallel_loop3A_407 = arith.constant 144 : index
        %parallel_loop3A_408 = tpu.vector_load %arg5[%parallel_loop3A_405, %parallel_loop3A_406, %parallel_loop3A_407] {strides = array<i32>} : memref<2x16x768xf32, #tpu.memory_space<vmem>>, vector<1x1x16xf32>,
        %parallel_loop3A_409 = vector.shape_cast %parallel_loop3A_408 : vector<1x1x16xf32> to vector<16xf32>
        %parallel_loop3A_410 = arith.constant 1 : i32
        %parallel_loop3A_411 = arith.index_cast %parallel_loop3A_410 : i32 to index
        %parallel_loop3A_412 = arith.index_cast %parallel_loop3A_223 : i32 to index
        %parallel_loop3A_413 = arith.constant 144 : index
        %parallel_loop3A_414 = tpu.vector_load %arg6[%parallel_loop3A_411, %parallel_loop3A_412, %parallel_loop3A_413] {strides = array<i32>} : memref<2x16x768xf32, #tpu.memory_space<vmem>>, vector<1x1x16xf32>,
        %parallel_loop3A_415 = vector.shape_cast %parallel_loop3A_414 : vector<1x1x16xf32> to vector<16xf32>
        %parallel_loop3A_416 = arith.addf %parallel_loop3A_409, %parallel_loop3A_415 : vector<16xf32>
        %parallel_loop3A_417 = arith.constant 1 : i32
        %parallel_loop3A_418 = arith.index_cast %parallel_loop3A_417 : i32 to index
        %parallel_loop3A_419 = arith.index_cast %parallel_loop3A_223 : i32 to index
        %parallel_loop3A_420 = arith.constant 144 : index
        %parallel_loop3A_421 = tpu.vector_load %arg7[%parallel_loop3A_418, %parallel_loop3A_419, %parallel_loop3A_420] {strides = array<i32>} : memref<2x16x768xf32, #tpu.memory_space<vmem>>, vector<1x1x16xf32>,
        %parallel_loop3A_422 = vector.shape_cast %parallel_loop3A_421 : vector<1x1x16xf32> to vector<16xf32>
        %parallel_loop3A_423 = vector.shape_cast %parallel_loop3A_416 : vector<16xf32> to vector<1x1x16xf32>
        tpu.vector_store %arg7[%parallel_loop3A_418, %parallel_loop3A_419, %parallel_loop3A_420], %parallel_loop3A_423 {strides = array<i32>} : memref<2x16x768xf32, #tpu.memory_space<vmem>>, vector<1x1x16xf32>,
        %parallel_loop3A_424 = arith.constant 1 : i32
        %parallel_loop3A_425 = arith.index_cast %parallel_loop3A_424 : i32 to index
        %parallel_loop3A_426 = arith.index_cast %parallel_loop3A_223 : i32 to index
        %parallel_loop3A_427 = arith.constant 160 : index
        %parallel_loop3A_428 = tpu.vector_load %arg5[%parallel_loop3A_425, %parallel_loop3A_426, %parallel_loop3A_427] {strides = array<i32>} : memref<2x16x768xf32, #tpu.memory_space<vmem>>, vector<1x1x16xf32>,
        %parallel_loop3A_429 = vector.shape_cast %parallel_loop3A_428 : vector<1x1x16xf32> to vector<16xf32>
        %parallel_loop3A_430 = arith.constant 1 : i32
        %parallel_loop3A_431 = arith.index_cast %parallel_loop3A_430 : i32 to index
        %parallel_loop3A_432 = arith.index_cast %parallel_loop3A_223 : i32 to index
        %parallel_loop3A_433 = arith.constant 160 : index
        %parallel_loop3A_434 = tpu.vector_load %arg6[%parallel_loop3A_431, %parallel_loop3A_432, %parallel_loop3A_433] {strides = array<i32>} : memref<2x16x768xf32, #tpu.memory_space<vmem>>, vector<1x1x16xf32>,
        %parallel_loop3A_435 = vector.shape_cast %parallel_loop3A_434 : vector<1x1x16xf32> to vector<16xf32>
        %parallel_loop3A_436 = arith.addf %parallel_loop3A_429, %parallel_loop3A_435 : vector<16xf32>
        %parallel_loop3A_437 = arith.constant 1 : i32
        %parallel_loop3A_438 = arith.index_cast %parallel_loop3A_437 : i32 to index
        %parallel_loop3A_439 = arith.index_cast %parallel_loop3A_223 : i32 to index
        %parallel_loop3A_440 = arith.constant 160 : index
        %parallel_loop3A_441 = tpu.vector_load %arg7[%parallel_loop3A_438, %parallel_loop3A_439, %parallel_loop3A_440] {strides = array<i32>} : memref<2x16x768xf32, #tpu.memory_space<vmem>>, vector<1x1x16xf32>,
        %parallel_loop3A_442 = vector.shape_cast %parallel_loop3A_441 : vector<1x1x16xf32> to vector<16xf32>
        %parallel_loop3A_443 = vector.shape_cast %parallel_loop3A_436 : vector<16xf32> to vector<1x1x16xf32>
        tpu.vector_store %arg7[%parallel_loop3A_438, %parallel_loop3A_439, %parallel_loop3A_440], %parallel_loop3A_443 {strides = array<i32>} : memref<2x16x768xf32, #tpu.memory_space<vmem>>, vector<1x1x16xf32>,
        %parallel_loop3A_444 = arith.constant 1 : i32
        %parallel_loop3A_445 = arith.index_cast %parallel_loop3A_444 : i32 to index
        %parallel_loop3A_446 = arith.index_cast %parallel_loop3A_223 : i32 to index
        %parallel_loop3A_447 = arith.constant 176 : index
        %parallel_loop3A_448 = tpu.vector_load %arg5[%parallel_loop3A_445, %parallel_loop3A_446, %parallel_loop3A_447] {strides = array<i32>} : memref<2x16x768xf32, #tpu.memory_space<vmem>>, vector<1x1x16xf32>,
        %parallel_loop3A_449 = vector.shape_cast %parallel_loop3A_448 : vector<1x1x16xf32> to vector<16xf32>
        %parallel_loop3A_450 = arith.constant 1 : i32
        %parallel_loop3A_451 = arith.index_cast %parallel_loop3A_450 : i32 to index
        %parallel_loop3A_452 = arith.index_cast %parallel_loop3A_223 : i32 to index
        %parallel_loop3A_453 = arith.constant 176 : index
        %parallel_loop3A_454 = tpu.vector_load %arg6[%parallel_loop3A_451, %parallel_loop3A_452, %parallel_loop3A_453] {strides = array<i32>} : memref<2x16x768xf32, #tpu.memory_space<vmem>>, vector<1x1x16xf32>,
        %parallel_loop3A_455 = vector.shape_cast %parallel_loop3A_454 : vector<1x1x16xf32> to vector<16xf32>
        %parallel_loop3A_456 = arith.addf %parallel_loop3A_449, %parallel_loop3A_455 : vector<16xf32>
        %parallel_loop3A_457 = arith.constant 1 : i32
        %parallel_loop3A_458 = arith.index_cast %parallel_loop3A_457 : i32 to index
        %parallel_loop3A_459 = arith.index_cast %parallel_loop3A_223 : i32 to index
        %parallel_loop3A_460 = arith.constant 176 : index
        %parallel_loop3A_461 = tpu.vector_load %arg7[%parallel_loop3A_458, %parallel_loop3A_459, %parallel_loop3A_460] {strides = array<i32>} : memref<2x16x768xf32, #tpu.memory_space<vmem>>, vector<1x1x16xf32>,
        %parallel_loop3A_462 = vector.shape_cast %parallel_loop3A_461 : vector<1x1x16xf32> to vector<16xf32>
        %parallel_loop3A_463 = vector.shape_cast %parallel_loop3A_456 : vector<16xf32> to vector<1x1x16xf32>
        tpu.vector_store %arg7[%parallel_loop3A_458, %parallel_loop3A_459, %parallel_loop3A_460], %parallel_loop3A_463 {strides = array<i32>} : memref<2x16x768xf32, #tpu.memory_space<vmem>>, vector<1x1x16xf32>,
        %parallel_loop3A_464 = arith.constant 1 : i32
        %parallel_loop3A_465 = arith.index_cast %parallel_loop3A_464 : i32 to index
        %parallel_loop3A_466 = arith.index_cast %parallel_loop3A_223 : i32 to index
        %parallel_loop3A_467 = arith.constant 192 : index
        %parallel_loop3A_468 = tpu.vector_load %arg5[%parallel_loop3A_465, %parallel_loop3A_466, %parallel_loop3A_467] {strides = array<i32>} : memref<2x16x768xf32, #tpu.memory_space<vmem>>, vector<1x1x16xf32>,
        %parallel_loop3A_469 = vector.shape_cast %parallel_loop3A_468 : vector<1x1x16xf32> to vector<16xf32>
        %parallel_loop3A_470 = arith.constant 1 : i32
        %parallel_loop3A_471 = arith.index_cast %parallel_loop3A_470 : i32 to index
        %parallel_loop3A_472 = arith.index_cast %parallel_loop3A_223 : i32 to index
        %parallel_loop3A_473 = arith.constant 192 : index
        %parallel_loop3A_474 = tpu.vector_load %arg6[%parallel_loop3A_471, %parallel_loop3A_472, %parallel_loop3A_473] {strides = array<i32>} : memref<2x16x768xf32, #tpu.memory_space<vmem>>, vector<1x1x16xf32>,
        %parallel_loop3A_475 = vector.shape_cast %parallel_loop3A_474 : vector<1x1x16xf32> to vector<16xf32>
        %parallel_loop3A_476 = arith.addf %parallel_loop3A_469, %parallel_loop3A_475 : vector<16xf32>
        %parallel_loop3A_477 = arith.constant 1 : i32
        %parallel_loop3A_478 = arith.index_cast %parallel_loop3A_477 : i32 to index
        %parallel_loop3A_479 = arith.index_cast %parallel_loop3A_223 : i32 to index
        %parallel_loop3A_480 = arith.constant 192 : index
        %parallel_loop3A_481 = tpu.vector_load %arg7[%parallel_loop3A_478, %parallel_loop3A_479, %parallel_loop3A_480] {strides = array<i32>} : memref<2x16x768xf32, #tpu.memory_space<vmem>>, vector<1x1x16xf32>,
        %parallel_loop3A_482 = vector.shape_cast %parallel_loop3A_481 : vector<1x1x16xf32> to vector<16xf32>
        %parallel_loop3A_483 = vector.shape_cast %parallel_loop3A_476 : vector<16xf32> to vector<1x1x16xf32>
        tpu.vector_store %arg7[%parallel_loop3A_478, %parallel_loop3A_479, %parallel_loop3A_480], %parallel_loop3A_483 {strides = array<i32>} : memref<2x16x768xf32, #tpu.memory_space<vmem>>, vector<1x1x16xf32>,
        %parallel_loop3A_484 = arith.constant 1 : i32
        %parallel_loop3A_485 = arith.index_cast %parallel_loop3A_484 : i32 to index
        %parallel_loop3A_486 = arith.index_cast %parallel_loop3A_223 : i32 to index
        %parallel_loop3A_487 = arith.constant 208 : index
        %parallel_loop3A_488 = tpu.vector_load %arg5[%parallel_loop3A_485, %parallel_loop3A_486, %parallel_loop3A_487] {strides = array<i32>} : memref<2x16x768xf32, #tpu.memory_space<vmem>>, vector<1x1x16xf32>,
        %parallel_loop3A_489 = vector.shape_cast %parallel_loop3A_488 : vector<1x1x16xf32> to vector<16xf32>
        %parallel_loop3A_490 = arith.constant 1 : i32
        %parallel_loop3A_491 = arith.index_cast %parallel_loop3A_490 : i32 to index
        %parallel_loop3A_492 = arith.index_cast %parallel_loop3A_223 : i32 to index
        %parallel_loop3A_493 = arith.constant 208 : index
        %parallel_loop3A_494 = tpu.vector_load %arg6[%parallel_loop3A_491, %parallel_loop3A_492, %parallel_loop3A_493] {strides = array<i32>} : memref<2x16x768xf32, #tpu.memory_space<vmem>>, vector<1x1x16xf32>,
        %parallel_loop3A_495 = vector.shape_cast %parallel_loop3A_494 : vector<1x1x16xf32> to vector<16xf32>
        %parallel_loop3A_496 = arith.addf %parallel_loop3A_489, %parallel_loop3A_495 : vector<16xf32>
        %parallel_loop3A_497 = arith.constant 1 : i32
        %parallel_loop3A_498 = arith.index_cast %parallel_loop3A_497 : i32 to index
        %parallel_loop3A_499 = arith.index_cast %parallel_loop3A_223 : i32 to index
        %parallel_loop3A_500 = arith.constant 208 : index
        %parallel_loop3A_501 = tpu.vector_load %arg7[%parallel_loop3A_498, %parallel_loop3A_499, %parallel_loop3A_500] {strides = array<i32>} : memref<2x16x768xf32, #tpu.memory_space<vmem>>, vector<1x1x16xf32>,
        %parallel_loop3A_502 = vector.shape_cast %parallel_loop3A_501 : vector<1x1x16xf32> to vector<16xf32>
        %parallel_loop3A_503 = vector.shape_cast %parallel_loop3A_496 : vector<16xf32> to vector<1x1x16xf32>
        tpu.vector_store %arg7[%parallel_loop3A_498, %parallel_loop3A_499, %parallel_loop3A_500], %parallel_loop3A_503 {strides = array<i32>} : memref<2x16x768xf32, #tpu.memory_space<vmem>>, vector<1x1x16xf32>,
        %parallel_loop3A_504 = arith.constant 1 : i32
        %parallel_loop3A_505 = arith.index_cast %parallel_loop3A_504 : i32 to index
        %parallel_loop3A_506 = arith.index_cast %parallel_loop3A_223 : i32 to index
        %parallel_loop3A_507 = arith.constant 224 : index
        %parallel_loop3A_508 = tpu.vector_load %arg5[%parallel_loop3A_505, %parallel_loop3A_506, %parallel_loop3A_507] {strides = array<i32>} : memref<2x16x768xf32, #tpu.memory_space<vmem>>, vector<1x1x16xf32>,
        %parallel_loop3A_509 = vector.shape_cast %parallel_loop3A_508 : vector<1x1x16xf32> to vector<16xf32>
        %parallel_loop3A_510 = arith.constant 1 : i32
        %parallel_loop3A_511 = arith.index_cast %parallel_loop3A_510 : i32 to index
        %parallel_loop3A_512 = arith.index_cast %parallel_loop3A_223 : i32 to index
        %parallel_loop3A_513 = arith.constant 224 : index
        %parallel_loop3A_514 = tpu.vector_load %arg6[%parallel_loop3A_511, %parallel_loop3A_512, %parallel_loop3A_513] {strides = array<i32>} : memref<2x16x768xf32, #tpu.memory_space<vmem>>, vector<1x1x16xf32>,
        %parallel_loop3A_515 = vector.shape_cast %parallel_loop3A_514 : vector<1x1x16xf32> to vector<16xf32>
        %parallel_loop3A_516 = arith.addf %parallel_loop3A_509, %parallel_loop3A_515 : vector<16xf32>
        %parallel_loop3A_517 = arith.constant 1 : i32
        %parallel_loop3A_518 = arith.index_cast %parallel_loop3A_517 : i32 to index
        %parallel_loop3A_519 = arith.index_cast %parallel_loop3A_223 : i32 to index
        %parallel_loop3A_520 = arith.constant 224 : index
        %parallel_loop3A_521 = tpu.vector_load %arg7[%parallel_loop3A_518, %parallel_loop3A_519, %parallel_loop3A_520] {strides = array<i32>} : memref<2x16x768xf32, #tpu.memory_space<vmem>>, vector<1x1x16xf32>,
        %parallel_loop3A_522 = vector.shape_cast %parallel_loop3A_521 : vector<1x1x16xf32> to vector<16xf32>
        %parallel_loop3A_523 = vector.shape_cast %parallel_loop3A_516 : vector<16xf32> to vector<1x1x16xf32>
        tpu.vector_store %arg7[%parallel_loop3A_518, %parallel_loop3A_519, %parallel_loop3A_520], %parallel_loop3A_523 {strides = array<i32>} : memref<2x16x768xf32, #tpu.memory_space<vmem>>, vector<1x1x16xf32>,
        %parallel_loop3A_524 = arith.constant 1 : i32
        %parallel_loop3A_525 = arith.index_cast %parallel_loop3A_524 : i32 to index
        %parallel_loop3A_526 = arith.index_cast %parallel_loop3A_223 : i32 to index
        %parallel_loop3A_527 = arith.constant 240 : index
        %parallel_loop3A_528 = tpu.vector_load %arg5[%parallel_loop3A_525, %parallel_loop3A_526, %parallel_loop3A_527] {strides = array<i32>} : memref<2x16x768xf32, #tpu.memory_space<vmem>>, vector<1x1x16xf32>,
        %parallel_loop3A_529 = vector.shape_cast %parallel_loop3A_528 : vector<1x1x16xf32> to vector<16xf32>
        %parallel_loop3A_530 = arith.constant 1 : i32
        %parallel_loop3A_531 = arith.index_cast %parallel_loop3A_530 : i32 to index
        %parallel_loop3A_532 = arith.index_cast %parallel_loop3A_223 : i32 to index
        %parallel_loop3A_533 = arith.constant 240 : index
        %parallel_loop3A_534 = tpu.vector_load %arg6[%parallel_loop3A_531, %parallel_loop3A_532, %parallel_loop3A_533] {strides = array<i32>} : memref<2x16x768xf32, #tpu.memory_space<vmem>>, vector<1x1x16xf32>,
        %parallel_loop3A_535 = vector.shape_cast %parallel_loop3A_534 : vector<1x1x16xf32> to vector<16xf32>
        %parallel_loop3A_536 = arith.addf %parallel_loop3A_529, %parallel_loop3A_535 : vector<16xf32>
        %parallel_loop3A_537 = arith.constant 1 : i32
        %parallel_loop3A_538 = arith.index_cast %parallel_loop3A_537 : i32 to index
        %parallel_loop3A_539 = arith.index_cast %parallel_loop3A_223 : i32 to index
        %parallel_loop3A_540 = arith.constant 240 : index
        %parallel_loop3A_541 = tpu.vector_load %arg7[%parallel_loop3A_538, %parallel_loop3A_539, %parallel_loop3A_540] {strides = array<i32>} : memref<2x16x768xf32, #tpu.memory_space<vmem>>, vector<1x1x16xf32>,
        %parallel_loop3A_542 = vector.shape_cast %parallel_loop3A_541 : vector<1x1x16xf32> to vector<16xf32>
        %parallel_loop3A_543 = vector.shape_cast %parallel_loop3A_536 : vector<16xf32> to vector<1x1x16xf32>
        tpu.vector_store %arg7[%parallel_loop3A_538, %parallel_loop3A_539, %parallel_loop3A_540], %parallel_loop3A_543 {strides = array<i32>} : memref<2x16x768xf32, #tpu.memory_space<vmem>>, vector<1x1x16xf32>,
        %parallel_loop3A_544 = arith.constant 1 : i32
        %parallel_loop3A_545 = arith.index_cast %parallel_loop3A_544 : i32 to index
        %parallel_loop3A_546 = arith.index_cast %parallel_loop3A_223 : i32 to index
        %parallel_loop3A_547 = arith.constant 256 : index
        %parallel_loop3A_548 = tpu.vector_load %arg5[%parallel_loop3A_545, %parallel_loop3A_546, %parallel_loop3A_547] {strides = array<i32>} : memref<2x16x768xf32, #tpu.memory_space<vmem>>, vector<1x1x16xf32>,
        %parallel_loop3A_549 = vector.shape_cast %parallel_loop3A_548 : vector<1x1x16xf32> to vector<16xf32>
        %parallel_loop3A_550 = arith.constant 1 : i32
        %parallel_loop3A_551 = arith.index_cast %parallel_loop3A_550 : i32 to index
        %parallel_loop3A_552 = arith.index_cast %parallel_loop3A_223 : i32 to index
        %parallel_loop3A_553 = arith.constant 256 : index
        %parallel_loop3A_554 = tpu.vector_load %arg6[%parallel_loop3A_551, %parallel_loop3A_552, %parallel_loop3A_553] {strides = array<i32>} : memref<2x16x768xf32, #tpu.memory_space<vmem>>, vector<1x1x16xf32>,
        %parallel_loop3A_555 = vector.shape_cast %parallel_loop3A_554 : vector<1x1x16xf32> to vector<16xf32>
        %parallel_loop3A_556 = arith.addf %parallel_loop3A_549, %parallel_loop3A_555 : vector<16xf32>
        %parallel_loop3A_557 = arith.constant 1 : i32
        %parallel_loop3A_558 = arith.index_cast %parallel_loop3A_557 : i32 to index
        %parallel_loop3A_559 = arith.index_cast %parallel_loop3A_223 : i32 to index
        %parallel_loop3A_560 = arith.constant 256 : index
        %parallel_loop3A_561 = tpu.vector_load %arg7[%parallel_loop3A_558, %parallel_loop3A_559, %parallel_loop3A_560] {strides = array<i32>} : memref<2x16x768xf32, #tpu.memory_space<vmem>>, vector<1x1x16xf32>,
        %parallel_loop3A_562 = vector.shape_cast %parallel_loop3A_561 : vector<1x1x16xf32> to vector<16xf32>
        %parallel_loop3A_563 = vector.shape_cast %parallel_loop3A_556 : vector<16xf32> to vector<1x1x16xf32>
        tpu.vector_store %arg7[%parallel_loop3A_558, %parallel_loop3A_559, %parallel_loop3A_560], %parallel_loop3A_563 {strides = array<i32>} : memref<2x16x768xf32, #tpu.memory_space<vmem>>, vector<1x1x16xf32>,
        %parallel_loop3A_564 = arith.constant 1 : i32
        %parallel_loop3A_565 = arith.index_cast %parallel_loop3A_564 : i32 to index
        %parallel_loop3A_566 = arith.index_cast %parallel_loop3A_223 : i32 to index
        %parallel_loop3A_567 = arith.constant 272 : index
        %parallel_loop3A_568 = tpu.vector_load %arg5[%parallel_loop3A_565, %parallel_loop3A_566, %parallel_loop3A_567] {strides = array<i32>} : memref<2x16x768xf32, #tpu.memory_space<vmem>>, vector<1x1x16xf32>,
        %parallel_loop3A_569 = vector.shape_cast %parallel_loop3A_568 : vector<1x1x16xf32> to vector<16xf32>
        %parallel_loop3A_570 = arith.constant 1 : i32
        %parallel_loop3A_571 = arith.index_cast %parallel_loop3A_570 : i32 to index
        %parallel_loop3A_572 = arith.index_cast %parallel_loop3A_223 : i32 to index
        %parallel_loop3A_573 = arith.constant 272 : index
        %parallel_loop3A_574 = tpu.vector_load %arg6[%parallel_loop3A_571, %parallel_loop3A_572, %parallel_loop3A_573] {strides = array<i32>} : memref<2x16x768xf32, #tpu.memory_space<vmem>>, vector<1x1x16xf32>,
        %parallel_loop3A_575 = vector.shape_cast %parallel_loop3A_574 : vector<1x1x16xf32> to vector<16xf32>
        %parallel_loop3A_576 = arith.addf %parallel_loop3A_569, %parallel_loop3A_575 : vector<16xf32>
        %parallel_loop3A_577 = arith.constant 1 : i32
        %parallel_loop3A_578 = arith.index_cast %parallel_loop3A_577 : i32 to index
        %parallel_loop3A_579 = arith.index_cast %parallel_loop3A_223 : i32 to index
        %parallel_loop3A_580 = arith.constant 272 : index
        %parallel_loop3A_581 = tpu.vector_load %arg7[%parallel_loop3A_578, %parallel_loop3A_579, %parallel_loop3A_580] {strides = array<i32>} : memref<2x16x768xf32, #tpu.memory_space<vmem>>, vector<1x1x16xf32>,
        %parallel_loop3A_582 = vector.shape_cast %parallel_loop3A_581 : vector<1x1x16xf32> to vector<16xf32>
        %parallel_loop3A_583 = vector.shape_cast %parallel_loop3A_576 : vector<16xf32> to vector<1x1x16xf32>
        tpu.vector_store %arg7[%parallel_loop3A_578, %parallel_loop3A_579, %parallel_loop3A_580], %parallel_loop3A_583 {strides = array<i32>} : memref<2x16x768xf32, #tpu.memory_space<vmem>>, vector<1x1x16xf32>,
        %parallel_loop3A_584 = arith.constant 1 : i32
        %parallel_loop3A_585 = arith.index_cast %parallel_loop3A_584 : i32 to index
        %parallel_loop3A_586 = arith.index_cast %parallel_loop3A_223 : i32 to index
        %parallel_loop3A_587 = arith.constant 288 : index
        %parallel_loop3A_588 = tpu.vector_load %arg5[%parallel_loop3A_585, %parallel_loop3A_586, %parallel_loop3A_587] {strides = array<i32>} : memref<2x16x768xf32, #tpu.memory_space<vmem>>, vector<1x1x16xf32>,
        %parallel_loop3A_589 = vector.shape_cast %parallel_loop3A_588 : vector<1x1x16xf32> to vector<16xf32>
        %parallel_loop3A_590 = arith.constant 1 : i32
        %parallel_loop3A_591 = arith.index_cast %parallel_loop3A_590 : i32 to index
        %parallel_loop3A_592 = arith.index_cast %parallel_loop3A_223 : i32 to index
        %parallel_loop3A_593 = arith.constant 288 : index
        %parallel_loop3A_594 = tpu.vector_load %arg6[%parallel_loop3A_591, %parallel_loop3A_592, %parallel_loop3A_593] {strides = array<i32>} : memref<2x16x768xf32, #tpu.memory_space<vmem>>, vector<1x1x16xf32>,
        %parallel_loop3A_595 = vector.shape_cast %parallel_loop3A_594 : vector<1x1x16xf32> to vector<16xf32>
        %parallel_loop3A_596 = arith.addf %parallel_loop3A_589, %parallel_loop3A_595 : vector<16xf32>
        %parallel_loop3A_597 = arith.constant 1 : i32
        %parallel_loop3A_598 = arith.index_cast %parallel_loop3A_597 : i32 to index
        %parallel_loop3A_599 = arith.index_cast %parallel_loop3A_223 : i32 to index
        %parallel_loop3A_600 = arith.constant 288 : index
        %parallel_loop3A_601 = tpu.vector_load %arg7[%parallel_loop3A_598, %parallel_loop3A_599, %parallel_loop3A_600] {strides = array<i32>} : memref<2x16x768xf32, #tpu.memory_space<vmem>>, vector<1x1x16xf32>,
        %parallel_loop3A_602 = vector.shape_cast %parallel_loop3A_601 : vector<1x1x16xf32> to vector<16xf32>
        %parallel_loop3A_603 = vector.shape_cast %parallel_loop3A_596 : vector<16xf32> to vector<1x1x16xf32>
        tpu.vector_store %arg7[%parallel_loop3A_598, %parallel_loop3A_599, %parallel_loop3A_600], %parallel_loop3A_603 {strides = array<i32>} : memref<2x16x768xf32, #tpu.memory_space<vmem>>, vector<1x1x16xf32>,
        %parallel_loop3A_604 = arith.constant 1 : i32
        %parallel_loop3A_605 = arith.index_cast %parallel_loop3A_604 : i32 to index
        %parallel_loop3A_606 = arith.index_cast %parallel_loop3A_223 : i32 to index
        %parallel_loop3A_607 = arith.constant 304 : index
        %parallel_loop3A_608 = tpu.vector_load %arg5[%parallel_loop3A_605, %parallel_loop3A_606, %parallel_loop3A_607] {strides = array<i32>} : memref<2x16x768xf32, #tpu.memory_space<vmem>>, vector<1x1x16xf32>,
        %parallel_loop3A_609 = vector.shape_cast %parallel_loop3A_608 : vector<1x1x16xf32> to vector<16xf32>
        %parallel_loop3A_610 = arith.constant 1 : i32
        %parallel_loop3A_611 = arith.index_cast %parallel_loop3A_610 : i32 to index
        %parallel_loop3A_612 = arith.index_cast %parallel_loop3A_223 : i32 to index
        %parallel_loop3A_613 = arith.constant 304 : index
        %parallel_loop3A_614 = tpu.vector_load %arg6[%parallel_loop3A_611, %parallel_loop3A_612, %parallel_loop3A_613] {strides = array<i32>} : memref<2x16x768xf32, #tpu.memory_space<vmem>>, vector<1x1x16xf32>,
        %parallel_loop3A_615 = vector.shape_cast %parallel_loop3A_614 : vector<1x1x16xf32> to vector<16xf32>
        %parallel_loop3A_616 = arith.addf %parallel_loop3A_609, %parallel_loop3A_615 : vector<16xf32>
        %parallel_loop3A_617 = arith.constant 1 : i32
        %parallel_loop3A_618 = arith.index_cast %parallel_loop3A_617 : i32 to index
        %parallel_loop3A_619 = arith.index_cast %parallel_loop3A_223 : i32 to index
        %parallel_loop3A_620 = arith.constant 304 : index
        %parallel_loop3A_621 = tpu.vector_load %arg7[%parallel_loop3A_618, %parallel_loop3A_619, %parallel_loop3A_620] {strides = array<i32>} : memref<2x16x768xf32, #tpu.memory_space<vmem>>, vector<1x1x16xf32>,
        %parallel_loop3A_622 = vector.shape_cast %parallel_loop3A_621 : vector<1x1x16xf32> to vector<16xf32>
        %parallel_loop3A_623 = vector.shape_cast %parallel_loop3A_616 : vector<16xf32> to vector<1x1x16xf32>
        tpu.vector_store %arg7[%parallel_loop3A_618, %parallel_loop3A_619, %parallel_loop3A_620], %parallel_loop3A_623 {strides = array<i32>} : memref<2x16x768xf32, #tpu.memory_space<vmem>>, vector<1x1x16xf32>,
        %parallel_loop3A_624 = arith.constant 1 : i32
        %parallel_loop3A_625 = arith.index_cast %parallel_loop3A_624 : i32 to index
        %parallel_loop3A_626 = arith.index_cast %parallel_loop3A_223 : i32 to index
        %parallel_loop3A_627 = arith.constant 320 : index
        %parallel_loop3A_628 = tpu.vector_load %arg5[%parallel_loop3A_625, %parallel_loop3A_626, %parallel_loop3A_627] {strides = array<i32>} : memref<2x16x768xf32, #tpu.memory_space<vmem>>, vector<1x1x16xf32>,
        %parallel_loop3A_629 = vector.shape_cast %parallel_loop3A_628 : vector<1x1x16xf32> to vector<16xf32>
        %parallel_loop3A_630 = arith.constant 1 : i32
        %parallel_loop3A_631 = arith.index_cast %parallel_loop3A_630 : i32 to index
        %parallel_loop3A_632 = arith.index_cast %parallel_loop3A_223 : i32 to index
        %parallel_loop3A_633 = arith.constant 320 : index
        %parallel_loop3A_634 = tpu.vector_load %arg6[%parallel_loop3A_631, %parallel_loop3A_632, %parallel_loop3A_633] {strides = array<i32>} : memref<2x16x768xf32, #tpu.memory_space<vmem>>, vector<1x1x16xf32>,
        %parallel_loop3A_635 = vector.shape_cast %parallel_loop3A_634 : vector<1x1x16xf32> to vector<16xf32>
        %parallel_loop3A_636 = arith.addf %parallel_loop3A_629, %parallel_loop3A_635 : vector<16xf32>
        %parallel_loop3A_637 = arith.constant 1 : i32
        %parallel_loop3A_638 = arith.index_cast %parallel_loop3A_637 : i32 to index
        %parallel_loop3A_639 = arith.index_cast %parallel_loop3A_223 : i32 to index
        %parallel_loop3A_640 = arith.constant 320 : index
        %parallel_loop3A_641 = tpu.vector_load %arg7[%parallel_loop3A_638, %parallel_loop3A_639, %parallel_loop3A_640] {strides = array<i32>} : memref<2x16x768xf32, #tpu.memory_space<vmem>>, vector<1x1x16xf32>,
        %parallel_loop3A_642 = vector.shape_cast %parallel_loop3A_641 : vector<1x1x16xf32> to vector<16xf32>
        %parallel_loop3A_643 = vector.shape_cast %parallel_loop3A_636 : vector<16xf32> to vector<1x1x16xf32>
        tpu.vector_store %arg7[%parallel_loop3A_638, %parallel_loop3A_639, %parallel_loop3A_640], %parallel_loop3A_643 {strides = array<i32>} : memref<2x16x768xf32, #tpu.memory_space<vmem>>, vector<1x1x16xf32>,
        %parallel_loop3A_644 = arith.constant 1 : i32
        %parallel_loop3A_645 = arith.index_cast %parallel_loop3A_644 : i32 to index
        %parallel_loop3A_646 = arith.index_cast %parallel_loop3A_223 : i32 to index
        %parallel_loop3A_647 = arith.constant 336 : index
        %parallel_loop3A_648 = tpu.vector_load %arg5[%parallel_loop3A_645, %parallel_loop3A_646, %parallel_loop3A_647] {strides = array<i32>} : memref<2x16x768xf32, #tpu.memory_space<vmem>>, vector<1x1x16xf32>,
        %parallel_loop3A_649 = vector.shape_cast %parallel_loop3A_648 : vector<1x1x16xf32> to vector<16xf32>
        %parallel_loop3A_650 = arith.constant 1 : i32
        %parallel_loop3A_651 = arith.index_cast %parallel_loop3A_650 : i32 to index
        %parallel_loop3A_652 = arith.index_cast %parallel_loop3A_223 : i32 to index
        %parallel_loop3A_653 = arith.constant 336 : index
        %parallel_loop3A_654 = tpu.vector_load %arg6[%parallel_loop3A_651, %parallel_loop3A_652, %parallel_loop3A_653] {strides = array<i32>} : memref<2x16x768xf32, #tpu.memory_space<vmem>>, vector<1x1x16xf32>,
        %parallel_loop3A_655 = vector.shape_cast %parallel_loop3A_654 : vector<1x1x16xf32> to vector<16xf32>
        %parallel_loop3A_656 = arith.addf %parallel_loop3A_649, %parallel_loop3A_655 : vector<16xf32>
        %parallel_loop3A_657 = arith.constant 1 : i32
        %parallel_loop3A_658 = arith.index_cast %parallel_loop3A_657 : i32 to index
        %parallel_loop3A_659 = arith.index_cast %parallel_loop3A_223 : i32 to index
        %parallel_loop3A_660 = arith.constant 336 : index
        %parallel_loop3A_661 = tpu.vector_load %arg7[%parallel_loop3A_658, %parallel_loop3A_659, %parallel_loop3A_660] {strides = array<i32>} : memref<2x16x768xf32, #tpu.memory_space<vmem>>, vector<1x1x16xf32>,
        %parallel_loop3A_662 = vector.shape_cast %parallel_loop3A_661 : vector<1x1x16xf32> to vector<16xf32>
        %parallel_loop3A_663 = vector.shape_cast %parallel_loop3A_656 : vector<16xf32> to vector<1x1x16xf32>
        tpu.vector_store %arg7[%parallel_loop3A_658, %parallel_loop3A_659, %parallel_loop3A_660], %parallel_loop3A_663 {strides = array<i32>} : memref<2x16x768xf32, #tpu.memory_space<vmem>>, vector<1x1x16xf32>,
        %parallel_loop3A_664 = arith.constant 1 : i32
        %parallel_loop3A_665 = arith.index_cast %parallel_loop3A_664 : i32 to index
        %parallel_loop3A_666 = arith.index_cast %parallel_loop3A_223 : i32 to index
        %parallel_loop3A_667 = arith.constant 352 : index
        %parallel_loop3A_668 = tpu.vector_load %arg5[%parallel_loop3A_665, %parallel_loop3A_666, %parallel_loop3A_667] {strides = array<i32>} : memref<2x16x768xf32, #tpu.memory_space<vmem>>, vector<1x1x16xf32>,
        %parallel_loop3A_669 = vector.shape_cast %parallel_loop3A_668 : vector<1x1x16xf32> to vector<16xf32>
        %parallel_loop3A_670 = arith.constant 1 : i32
        %parallel_loop3A_671 = arith.index_cast %parallel_loop3A_670 : i32 to index
        %parallel_loop3A_672 = arith.index_cast %parallel_loop3A_223 : i32 to index
        %parallel_loop3A_673 = arith.constant 352 : index
        %parallel_loop3A_674 = tpu.vector_load %arg6[%parallel_loop3A_671, %parallel_loop3A_672, %parallel_loop3A_673] {strides = array<i32>} : memref<2x16x768xf32, #tpu.memory_space<vmem>>, vector<1x1x16xf32>,
        %parallel_loop3A_675 = vector.shape_cast %parallel_loop3A_674 : vector<1x1x16xf32> to vector<16xf32>
        %parallel_loop3A_676 = arith.addf %parallel_loop3A_669, %parallel_loop3A_675 : vector<16xf32>
        %parallel_loop3A_677 = arith.constant 1 : i32
        %parallel_loop3A_678 = arith.index_cast %parallel_loop3A_677 : i32 to index
        %parallel_loop3A_679 = arith.index_cast %parallel_loop3A_223 : i32 to index
        %parallel_loop3A_680 = arith.constant 352 : index
        %parallel_loop3A_681 = tpu.vector_load %arg7[%parallel_loop3A_678, %parallel_loop3A_679, %parallel_loop3A_680] {strides = array<i32>} : memref<2x16x768xf32, #tpu.memory_space<vmem>>, vector<1x1x16xf32>,
        %parallel_loop3A_682 = vector.shape_cast %parallel_loop3A_681 : vector<1x1x16xf32> to vector<16xf32>
        %parallel_loop3A_683 = vector.shape_cast %parallel_loop3A_676 : vector<16xf32> to vector<1x1x16xf32>
        tpu.vector_store %arg7[%parallel_loop3A_678, %parallel_loop3A_679, %parallel_loop3A_680], %parallel_loop3A_683 {strides = array<i32>} : memref<2x16x768xf32, #tpu.memory_space<vmem>>, vector<1x1x16xf32>,
        %parallel_loop3A_684 = arith.constant 1 : i32
        %parallel_loop3A_685 = arith.index_cast %parallel_loop3A_684 : i32 to index
        %parallel_loop3A_686 = arith.index_cast %parallel_loop3A_223 : i32 to index
        %parallel_loop3A_687 = arith.constant 368 : index
        %parallel_loop3A_688 = tpu.vector_load %arg5[%parallel_loop3A_685, %parallel_loop3A_686, %parallel_loop3A_687] {strides = array<i32>} : memref<2x16x768xf32, #tpu.memory_space<vmem>>, vector<1x1x16xf32>,
        %parallel_loop3A_689 = vector.shape_cast %parallel_loop3A_688 : vector<1x1x16xf32> to vector<16xf32>
        %parallel_loop3A_690 = arith.constant 1 : i32
        %parallel_loop3A_691 = arith.index_cast %parallel_loop3A_690 : i32 to index
        %parallel_loop3A_692 = arith.index_cast %parallel_loop3A_223 : i32 to index
        %parallel_loop3A_693 = arith.constant 368 : index
        %parallel_loop3A_694 = tpu.vector_load %arg6[%parallel_loop3A_691, %parallel_loop3A_692, %parallel_loop3A_693] {strides = array<i32>} : memref<2x16x768xf32, #tpu.memory_space<vmem>>, vector<1x1x16xf32>,
        %parallel_loop3A_695 = vector.shape_cast %parallel_loop3A_694 : vector<1x1x16xf32> to vector<16xf32>
        %parallel_loop3A_696 = arith.addf %parallel_loop3A_689, %parallel_loop3A_695 : vector<16xf32>
        %parallel_loop3A_697 = arith.constant 1 : i32
        %parallel_loop3A_698 = arith.index_cast %parallel_loop3A_697 : i32 to index
        %parallel_loop3A_699 = arith.index_cast %parallel_loop3A_223 : i32 to index
        %parallel_loop3A_700 = arith.constant 368 : index
        %parallel_loop3A_701 = tpu.vector_load %arg7[%parallel_loop3A_698, %parallel_loop3A_699, %parallel_loop3A_700] {strides = array<i32>} : memref<2x16x768xf32, #tpu.memory_space<vmem>>, vector<1x1x16xf32>,
        %parallel_loop3A_702 = vector.shape_cast %parallel_loop3A_701 : vector<1x1x16xf32> to vector<16xf32>
        %parallel_loop3A_703 = vector.shape_cast %parallel_loop3A_696 : vector<16xf32> to vector<1x1x16xf32>
        tpu.vector_store %arg7[%parallel_loop3A_698, %parallel_loop3A_699, %parallel_loop3A_700], %parallel_loop3A_703 {strides = array<i32>} : memref<2x16x768xf32, #tpu.memory_space<vmem>>, vector<1x1x16xf32>,
        %parallel_loop3A_704 = arith.constant 1 : i32
        %parallel_loop3A_705 = arith.index_cast %parallel_loop3A_704 : i32 to index
        %parallel_loop3A_706 = arith.index_cast %parallel_loop3A_223 : i32 to index
        %parallel_loop3A_707 = arith.constant 384 : index
        %parallel_loop3A_708 = tpu.vector_load %arg5[%parallel_loop3A_705, %parallel_loop3A_706, %parallel_loop3A_707] {strides = array<i32>} : memref<2x16x768xf32, #tpu.memory_space<vmem>>, vector<1x1x16xf32>,
        %parallel_loop3A_709 = vector.shape_cast %parallel_loop3A_708 : vector<1x1x16xf32> to vector<16xf32>
        %parallel_loop3A_710 = arith.constant 1 : i32
        %parallel_loop3A_711 = arith.index_cast %parallel_loop3A_710 : i32 to index
        %parallel_loop3A_712 = arith.index_cast %parallel_loop3A_223 : i32 to index
        %parallel_loop3A_713 = arith.constant 384 : index
        %parallel_loop3A_714 = tpu.vector_load %arg6[%parallel_loop3A_711, %parallel_loop3A_712, %parallel_loop3A_713] {strides = array<i32>} : memref<2x16x768xf32, #tpu.memory_space<vmem>>, vector<1x1x16xf32>,
        %parallel_loop3A_715 = vector.shape_cast %parallel_loop3A_714 : vector<1x1x16xf32> to vector<16xf32>
        %parallel_loop3A_716 = arith.addf %parallel_loop3A_709, %parallel_loop3A_715 : vector<16xf32>
        %parallel_loop3A_717 = arith.constant 1 : i32
        %parallel_loop3A_718 = arith.index_cast %parallel_loop3A_717 : i32 to index
        %parallel_loop3A_719 = arith.index_cast %parallel_loop3A_223 : i32 to index
        %parallel_loop3A_720 = arith.constant 384 : index
        %parallel_loop3A_721 = tpu.vector_load %arg7[%parallel_loop3A_718, %parallel_loop3A_719, %parallel_loop3A_720] {strides = array<i32>} : memref<2x16x768xf32, #tpu.memory_space<vmem>>, vector<1x1x16xf32>,
        %parallel_loop3A_722 = vector.shape_cast %parallel_loop3A_721 : vector<1x1x16xf32> to vector<16xf32>
        %parallel_loop3A_723 = vector.shape_cast %parallel_loop3A_716 : vector<16xf32> to vector<1x1x16xf32>
        tpu.vector_store %arg7[%parallel_loop3A_718, %parallel_loop3A_719, %parallel_loop3A_720], %parallel_loop3A_723 {strides = array<i32>} : memref<2x16x768xf32, #tpu.memory_space<vmem>>, vector<1x1x16xf32>,
        %parallel_loop3A_724 = arith.constant 1 : i32
        %parallel_loop3A_725 = arith.index_cast %parallel_loop3A_724 : i32 to index
        %parallel_loop3A_726 = arith.index_cast %parallel_loop3A_223 : i32 to index
        %parallel_loop3A_727 = arith.constant 400 : index
        %parallel_loop3A_728 = tpu.vector_load %arg5[%parallel_loop3A_725, %parallel_loop3A_726, %parallel_loop3A_727] {strides = array<i32>} : memref<2x16x768xf32, #tpu.memory_space<vmem>>, vector<1x1x16xf32>,
        %parallel_loop3A_729 = vector.shape_cast %parallel_loop3A_728 : vector<1x1x16xf32> to vector<16xf32>
        %parallel_loop3A_730 = arith.constant 1 : i32
        %parallel_loop3A_731 = arith.index_cast %parallel_loop3A_730 : i32 to index
        %parallel_loop3A_732 = arith.index_cast %parallel_loop3A_223 : i32 to index
        %parallel_loop3A_733 = arith.constant 400 : index
        %parallel_loop3A_734 = tpu.vector_load %arg6[%parallel_loop3A_731, %parallel_loop3A_732, %parallel_loop3A_733] {strides = array<i32>} : memref<2x16x768xf32, #tpu.memory_space<vmem>>, vector<1x1x16xf32>,
        %parallel_loop3A_735 = vector.shape_cast %parallel_loop3A_734 : vector<1x1x16xf32> to vector<16xf32>
        %parallel_loop3A_736 = arith.addf %parallel_loop3A_729, %parallel_loop3A_735 : vector<16xf32>
        %parallel_loop3A_737 = arith.constant 1 : i32
        %parallel_loop3A_738 = arith.index_cast %parallel_loop3A_737 : i32 to index
        %parallel_loop3A_739 = arith.index_cast %parallel_loop3A_223 : i32 to index
        %parallel_loop3A_740 = arith.constant 400 : index
        %parallel_loop3A_741 = tpu.vector_load %arg7[%parallel_loop3A_738, %parallel_loop3A_739, %parallel_loop3A_740] {strides = array<i32>} : memref<2x16x768xf32, #tpu.memory_space<vmem>>, vector<1x1x16xf32>,
        %parallel_loop3A_742 = vector.shape_cast %parallel_loop3A_741 : vector<1x1x16xf32> to vector<16xf32>
        %parallel_loop3A_743 = vector.shape_cast %parallel_loop3A_736 : vector<16xf32> to vector<1x1x16xf32>
        tpu.vector_store %arg7[%parallel_loop3A_738, %parallel_loop3A_739, %parallel_loop3A_740], %parallel_loop3A_743 {strides = array<i32>} : memref<2x16x768xf32, #tpu.memory_space<vmem>>, vector<1x1x16xf32>,
        %parallel_loop3A_744 = arith.constant 1 : i32
        %parallel_loop3A_745 = arith.index_cast %parallel_loop3A_744 : i32 to index
        %parallel_loop3A_746 = arith.index_cast %parallel_loop3A_223 : i32 to index
        %parallel_loop3A_747 = arith.constant 416 : index
        %parallel_loop3A_748 = tpu.vector_load %arg5[%parallel_loop3A_745, %parallel_loop3A_746, %parallel_loop3A_747] {strides = array<i32>} : memref<2x16x768xf32, #tpu.memory_space<vmem>>, vector<1x1x16xf32>,
        %parallel_loop3A_749 = vector.shape_cast %parallel_loop3A_748 : vector<1x1x16xf32> to vector<16xf32>
        %parallel_loop3A_750 = arith.constant 1 : i32
        %parallel_loop3A_751 = arith.index_cast %parallel_loop3A_750 : i32 to index
        %parallel_loop3A_752 = arith.index_cast %parallel_loop3A_223 : i32 to index
        %parallel_loop3A_753 = arith.constant 416 : index
        %parallel_loop3A_754 = tpu.vector_load %arg6[%parallel_loop3A_751, %parallel_loop3A_752, %parallel_loop3A_753] {strides = array<i32>} : memref<2x16x768xf32, #tpu.memory_space<vmem>>, vector<1x1x16xf32>,
        %parallel_loop3A_755 = vector.shape_cast %parallel_loop3A_754 : vector<1x1x16xf32> to vector<16xf32>
        %parallel_loop3A_756 = arith.addf %parallel_loop3A_749, %parallel_loop3A_755 : vector<16xf32>
        %parallel_loop3A_757 = arith.constant 1 : i32
        %parallel_loop3A_758 = arith.index_cast %parallel_loop3A_757 : i32 to index
        %parallel_loop3A_759 = arith.index_cast %parallel_loop3A_223 : i32 to index
        %parallel_loop3A_760 = arith.constant 416 : index
        %parallel_loop3A_761 = tpu.vector_load %arg7[%parallel_loop3A_758, %parallel_loop3A_759, %parallel_loop3A_760] {strides = array<i32>} : memref<2x16x768xf32, #tpu.memory_space<vmem>>, vector<1x1x16xf32>,
        %parallel_loop3A_762 = vector.shape_cast %parallel_loop3A_761 : vector<1x1x16xf32> to vector<16xf32>
        %parallel_loop3A_763 = vector.shape_cast %parallel_loop3A_756 : vector<16xf32> to vector<1x1x16xf32>
        tpu.vector_store %arg7[%parallel_loop3A_758, %parallel_loop3A_759, %parallel_loop3A_760], %parallel_loop3A_763 {strides = array<i32>} : memref<2x16x768xf32, #tpu.memory_space<vmem>>, vector<1x1x16xf32>,
        %parallel_loop3A_764 = arith.constant 1 : i32
        %parallel_loop3A_765 = arith.index_cast %parallel_loop3A_764 : i32 to index
        %parallel_loop3A_766 = arith.index_cast %parallel_loop3A_223 : i32 to index
        %parallel_loop3A_767 = arith.constant 432 : index
        %parallel_loop3A_768 = tpu.vector_load %arg5[%parallel_loop3A_765, %parallel_loop3A_766, %parallel_loop3A_767] {strides = array<i32>} : memref<2x16x768xf32, #tpu.memory_space<vmem>>, vector<1x1x16xf32>,
        %parallel_loop3A_769 = vector.shape_cast %parallel_loop3A_768 : vector<1x1x16xf32> to vector<16xf32>
        %parallel_loop3A_770 = arith.constant 1 : i32
        %parallel_loop3A_771 = arith.index_cast %parallel_loop3A_770 : i32 to index
        %parallel_loop3A_772 = arith.index_cast %parallel_loop3A_223 : i32 to index
        %parallel_loop3A_773 = arith.constant 432 : index
        %parallel_loop3A_774 = tpu.vector_load %arg6[%parallel_loop3A_771, %parallel_loop3A_772, %parallel_loop3A_773] {strides = array<i32>} : memref<2x16x768xf32, #tpu.memory_space<vmem>>, vector<1x1x16xf32>,
        %parallel_loop3A_775 = vector.shape_cast %parallel_loop3A_774 : vector<1x1x16xf32> to vector<16xf32>
        %parallel_loop3A_776 = arith.addf %parallel_loop3A_769, %parallel_loop3A_775 : vector<16xf32>
        %parallel_loop3A_777 = arith.constant 1 : i32
        %parallel_loop3A_778 = arith.index_cast %parallel_loop3A_777 : i32 to index
        %parallel_loop3A_779 = arith.index_cast %parallel_loop3A_223 : i32 to index
        %parallel_loop3A_780 = arith.constant 432 : index
        %parallel_loop3A_781 = tpu.vector_load %arg7[%parallel_loop3A_778, %parallel_loop3A_779, %parallel_loop3A_780] {strides = array<i32>} : memref<2x16x768xf32, #tpu.memory_space<vmem>>, vector<1x1x16xf32>,
        %parallel_loop3A_782 = vector.shape_cast %parallel_loop3A_781 : vector<1x1x16xf32> to vector<16xf32>
        %parallel_loop3A_783 = vector.shape_cast %parallel_loop3A_776 : vector<16xf32> to vector<1x1x16xf32>
        tpu.vector_store %arg7[%parallel_loop3A_778, %parallel_loop3A_779, %parallel_loop3A_780], %parallel_loop3A_783 {strides = array<i32>} : memref<2x16x768xf32, #tpu.memory_space<vmem>>, vector<1x1x16xf32>,
        %parallel_loop3A_784 = arith.constant 1 : i32
        %parallel_loop3A_785 = arith.index_cast %parallel_loop3A_784 : i32 to index
        %parallel_loop3A_786 = arith.index_cast %parallel_loop3A_223 : i32 to index
        %parallel_loop3A_787 = arith.constant 448 : index
        %parallel_loop3A_788 = tpu.vector_load %arg5[%parallel_loop3A_785, %parallel_loop3A_786, %parallel_loop3A_787] {strides = array<i32>} : memref<2x16x768xf32, #tpu.memory_space<vmem>>, vector<1x1x16xf32>,
        %parallel_loop3A_789 = vector.shape_cast %parallel_loop3A_788 : vector<1x1x16xf32> to vector<16xf32>
        %parallel_loop3A_790 = arith.constant 1 : i32
        %parallel_loop3A_791 = arith.index_cast %parallel_loop3A_790 : i32 to index
        %parallel_loop3A_792 = arith.index_cast %parallel_loop3A_223 : i32 to index
        %parallel_loop3A_793 = arith.constant 448 : index
        %parallel_loop3A_794 = tpu.vector_load %arg6[%parallel_loop3A_791, %parallel_loop3A_792, %parallel_loop3A_793] {strides = array<i32>} : memref<2x16x768xf32, #tpu.memory_space<vmem>>, vector<1x1x16xf32>,
        %parallel_loop3A_795 = vector.shape_cast %parallel_loop3A_794 : vector<1x1x16xf32> to vector<16xf32>
        %parallel_loop3A_796 = arith.addf %parallel_loop3A_789, %parallel_loop3A_795 : vector<16xf32>
        %parallel_loop3A_797 = arith.constant 1 : i32
        %parallel_loop3A_798 = arith.index_cast %parallel_loop3A_797 : i32 to index
        %parallel_loop3A_799 = arith.index_cast %parallel_loop3A_223 : i32 to index
        %parallel_loop3A_800 = arith.constant 448 : index
        %parallel_loop3A_801 = tpu.vector_load %arg7[%parallel_loop3A_798, %parallel_loop3A_799, %parallel_loop3A_800] {strides = array<i32>} : memref<2x16x768xf32, #tpu.memory_space<vmem>>, vector<1x1x16xf32>,
        %parallel_loop3A_802 = vector.shape_cast %parallel_loop3A_801 : vector<1x1x16xf32> to vector<16xf32>
        %parallel_loop3A_803 = vector.shape_cast %parallel_loop3A_796 : vector<16xf32> to vector<1x1x16xf32>
        tpu.vector_store %arg7[%parallel_loop3A_798, %parallel_loop3A_799, %parallel_loop3A_800], %parallel_loop3A_803 {strides = array<i32>} : memref<2x16x768xf32, #tpu.memory_space<vmem>>, vector<1x1x16xf32>,
        %parallel_loop3A_804 = arith.constant 1 : i32
        %parallel_loop3A_805 = arith.index_cast %parallel_loop3A_804 : i32 to index
        %parallel_loop3A_806 = arith.index_cast %parallel_loop3A_223 : i32 to index
        %parallel_loop3A_807 = arith.constant 464 : index
        %parallel_loop3A_808 = tpu.vector_load %arg5[%parallel_loop3A_805, %parallel_loop3A_806, %parallel_loop3A_807] {strides = array<i32>} : memref<2x16x768xf32, #tpu.memory_space<vmem>>, vector<1x1x16xf32>,
        %parallel_loop3A_809 = vector.shape_cast %parallel_loop3A_808 : vector<1x1x16xf32> to vector<16xf32>
        %parallel_loop3A_810 = arith.constant 1 : i32
        %parallel_loop3A_811 = arith.index_cast %parallel_loop3A_810 : i32 to index
        %parallel_loop3A_812 = arith.index_cast %parallel_loop3A_223 : i32 to index
        %parallel_loop3A_813 = arith.constant 464 : index
        %parallel_loop3A_814 = tpu.vector_load %arg6[%parallel_loop3A_811, %parallel_loop3A_812, %parallel_loop3A_813] {strides = array<i32>} : memref<2x16x768xf32, #tpu.memory_space<vmem>>, vector<1x1x16xf32>,
        %parallel_loop3A_815 = vector.shape_cast %parallel_loop3A_814 : vector<1x1x16xf32> to vector<16xf32>
        %parallel_loop3A_816 = arith.addf %parallel_loop3A_809, %parallel_loop3A_815 : vector<16xf32>
        %parallel_loop3A_817 = arith.constant 1 : i32
        %parallel_loop3A_818 = arith.index_cast %parallel_loop3A_817 : i32 to index
        %parallel_loop3A_819 = arith.index_cast %parallel_loop3A_223 : i32 to index
        %parallel_loop3A_820 = arith.constant 464 : index
        %parallel_loop3A_821 = tpu.vector_load %arg7[%parallel_loop3A_818, %parallel_loop3A_819, %parallel_loop3A_820] {strides = array<i32>} : memref<2x16x768xf32, #tpu.memory_space<vmem>>, vector<1x1x16xf32>,
        %parallel_loop3A_822 = vector.shape_cast %parallel_loop3A_821 : vector<1x1x16xf32> to vector<16xf32>
        %parallel_loop3A_823 = vector.shape_cast %parallel_loop3A_816 : vector<16xf32> to vector<1x1x16xf32>
        tpu.vector_store %arg7[%parallel_loop3A_818, %parallel_loop3A_819, %parallel_loop3A_820], %parallel_loop3A_823 {strides = array<i32>} : memref<2x16x768xf32, #tpu.memory_space<vmem>>, vector<1x1x16xf32>,
        %parallel_loop3A_824 = arith.constant 1 : i32
        %parallel_loop3A_825 = arith.index_cast %parallel_loop3A_824 : i32 to index
        %parallel_loop3A_826 = arith.index_cast %parallel_loop3A_223 : i32 to index
        %parallel_loop3A_827 = arith.constant 480 : index
        %parallel_loop3A_828 = tpu.vector_load %arg5[%parallel_loop3A_825, %parallel_loop3A_826, %parallel_loop3A_827] {strides = array<i32>} : memref<2x16x768xf32, #tpu.memory_space<vmem>>, vector<1x1x16xf32>,
        %parallel_loop3A_829 = vector.shape_cast %parallel_loop3A_828 : vector<1x1x16xf32> to vector<16xf32>
        %parallel_loop3A_830 = arith.constant 1 : i32
        %parallel_loop3A_831 = arith.index_cast %parallel_loop3A_830 : i32 to index
        %parallel_loop3A_832 = arith.index_cast %parallel_loop3A_223 : i32 to index
        %parallel_loop3A_833 = arith.constant 480 : index
        %parallel_loop3A_834 = tpu.vector_load %arg6[%parallel_loop3A_831, %parallel_loop3A_832, %parallel_loop3A_833] {strides = array<i32>} : memref<2x16x768xf32, #tpu.memory_space<vmem>>, vector<1x1x16xf32>,
        %parallel_loop3A_835 = vector.shape_cast %parallel_loop3A_834 : vector<1x1x16xf32> to vector<16xf32>
        %parallel_loop3A_836 = arith.addf %parallel_loop3A_829, %parallel_loop3A_835 : vector<16xf32>
        %parallel_loop3A_837 = arith.constant 1 : i32
        %parallel_loop3A_838 = arith.index_cast %parallel_loop3A_837 : i32 to index
        %parallel_loop3A_839 = arith.index_cast %parallel_loop3A_223 : i32 to index
        %parallel_loop3A_840 = arith.constant 480 : index
        %parallel_loop3A_841 = tpu.vector_load %arg7[%parallel_loop3A_838, %parallel_loop3A_839, %parallel_loop3A_840] {strides = array<i32>} : memref<2x16x768xf32, #tpu.memory_space<vmem>>, vector<1x1x16xf32>,
        %parallel_loop3A_842 = vector.shape_cast %parallel_loop3A_841 : vector<1x1x16xf32> to vector<16xf32>
        %parallel_loop3A_843 = vector.shape_cast %parallel_loop3A_836 : vector<16xf32> to vector<1x1x16xf32>
        tpu.vector_store %arg7[%parallel_loop3A_838, %parallel_loop3A_839, %parallel_loop3A_840], %parallel_loop3A_843 {strides = array<i32>} : memref<2x16x768xf32, #tpu.memory_space<vmem>>, vector<1x1x16xf32>,
        %parallel_loop3A_844 = arith.constant 1 : i32
        %parallel_loop3A_845 = arith.index_cast %parallel_loop3A_844 : i32 to index
        %parallel_loop3A_846 = arith.index_cast %parallel_loop3A_223 : i32 to index
        %parallel_loop3A_847 = arith.constant 496 : index
        %parallel_loop3A_848 = tpu.vector_load %arg5[%parallel_loop3A_845, %parallel_loop3A_846, %parallel_loop3A_847] {strides = array<i32>} : memref<2x16x768xf32, #tpu.memory_space<vmem>>, vector<1x1x16xf32>,
        %parallel_loop3A_849 = vector.shape_cast %parallel_loop3A_848 : vector<1x1x16xf32> to vector<16xf32>
        %parallel_loop3A_850 = arith.constant 1 : i32
        %parallel_loop3A_851 = arith.index_cast %parallel_loop3A_850 : i32 to index
        %parallel_loop3A_852 = arith.index_cast %parallel_loop3A_223 : i32 to index
        %parallel_loop3A_853 = arith.constant 496 : index
        %parallel_loop3A_854 = tpu.vector_load %arg6[%parallel_loop3A_851, %parallel_loop3A_852, %parallel_loop3A_853] {strides = array<i32>} : memref<2x16x768xf32, #tpu.memory_space<vmem>>, vector<1x1x16xf32>,
        %parallel_loop3A_855 = vector.shape_cast %parallel_loop3A_854 : vector<1x1x16xf32> to vector<16xf32>
        %parallel_loop3A_856 = arith.addf %parallel_loop3A_849, %parallel_loop3A_855 : vector<16xf32>
        %parallel_loop3A_857 = arith.constant 1 : i32
        %parallel_loop3A_858 = arith.index_cast %parallel_loop3A_857 : i32 to index
        %parallel_loop3A_859 = arith.index_cast %parallel_loop3A_223 : i32 to index
        %parallel_loop3A_860 = arith.constant 496 : index
        %parallel_loop3A_861 = tpu.vector_load %arg7[%parallel_loop3A_858, %parallel_loop3A_859, %parallel_loop3A_860] {strides = array<i32>} : memref<2x16x768xf32, #tpu.memory_space<vmem>>, vector<1x1x16xf32>,
        %parallel_loop3A_862 = vector.shape_cast %parallel_loop3A_861 : vector<1x1x16xf32> to vector<16xf32>
        %parallel_loop3A_863 = vector.shape_cast %parallel_loop3A_856 : vector<16xf32> to vector<1x1x16xf32>
        tpu.vector_store %arg7[%parallel_loop3A_858, %parallel_loop3A_859, %parallel_loop3A_860], %parallel_loop3A_863 {strides = array<i32>} : memref<2x16x768xf32, #tpu.memory_space<vmem>>, vector<1x1x16xf32>,
        %parallel_loop3A_864 = arith.constant 1 : i32
        %parallel_loop3A_865 = arith.index_cast %parallel_loop3A_864 : i32 to index
        %parallel_loop3A_866 = arith.index_cast %parallel_loop3A_223 : i32 to index
        %parallel_loop3A_867 = arith.constant 512 : index
        %parallel_loop3A_868 = tpu.vector_load %arg5[%parallel_loop3A_865, %parallel_loop3A_866, %parallel_loop3A_867] {strides = array<i32>} : memref<2x16x768xf32, #tpu.memory_space<vmem>>, vector<1x1x16xf32>,
        %parallel_loop3A_869 = vector.shape_cast %parallel_loop3A_868 : vector<1x1x16xf32> to vector<16xf32>
        %parallel_loop3A_870 = arith.constant 1 : i32
        %parallel_loop3A_871 = arith.index_cast %parallel_loop3A_870 : i32 to index
        %parallel_loop3A_872 = arith.index_cast %parallel_loop3A_223 : i32 to index
        %parallel_loop3A_873 = arith.constant 512 : index
        %parallel_loop3A_874 = tpu.vector_load %arg6[%parallel_loop3A_871, %parallel_loop3A_872, %parallel_loop3A_873] {strides = array<i32>} : memref<2x16x768xf32, #tpu.memory_space<vmem>>, vector<1x1x16xf32>,
        %parallel_loop3A_875 = vector.shape_cast %parallel_loop3A_874 : vector<1x1x16xf32> to vector<16xf32>
        %parallel_loop3A_876 = arith.addf %parallel_loop3A_869, %parallel_loop3A_875 : vector<16xf32>
        %parallel_loop3A_877 = arith.constant 1 : i32
        %parallel_loop3A_878 = arith.index_cast %parallel_loop3A_877 : i32 to index
        %parallel_loop3A_879 = arith.index_cast %parallel_loop3A_223 : i32 to index
        %parallel_loop3A_880 = arith.constant 512 : index
        %parallel_loop3A_881 = tpu.vector_load %arg7[%parallel_loop3A_878, %parallel_loop3A_879, %parallel_loop3A_880] {strides = array<i32>} : memref<2x16x768xf32, #tpu.memory_space<vmem>>, vector<1x1x16xf32>,
        %parallel_loop3A_882 = vector.shape_cast %parallel_loop3A_881 : vector<1x1x16xf32> to vector<16xf32>
        %parallel_loop3A_883 = vector.shape_cast %parallel_loop3A_876 : vector<16xf32> to vector<1x1x16xf32>
        tpu.vector_store %arg7[%parallel_loop3A_878, %parallel_loop3A_879, %parallel_loop3A_880], %parallel_loop3A_883 {strides = array<i32>} : memref<2x16x768xf32, #tpu.memory_space<vmem>>, vector<1x1x16xf32>,
        %parallel_loop3A_884 = arith.constant 1 : i32
        %parallel_loop3A_885 = arith.index_cast %parallel_loop3A_884 : i32 to index
        %parallel_loop3A_886 = arith.index_cast %parallel_loop3A_223 : i32 to index
        %parallel_loop3A_887 = arith.constant 528 : index
        %parallel_loop3A_888 = tpu.vector_load %arg5[%parallel_loop3A_885, %parallel_loop3A_886, %parallel_loop3A_887] {strides = array<i32>} : memref<2x16x768xf32, #tpu.memory_space<vmem>>, vector<1x1x16xf32>,
        %parallel_loop3A_889 = vector.shape_cast %parallel_loop3A_888 : vector<1x1x16xf32> to vector<16xf32>
        %parallel_loop3A_890 = arith.constant 1 : i32
        %parallel_loop3A_891 = arith.index_cast %parallel_loop3A_890 : i32 to index
        %parallel_loop3A_892 = arith.index_cast %parallel_loop3A_223 : i32 to index
        %parallel_loop3A_893 = arith.constant 528 : index
        %parallel_loop3A_894 = tpu.vector_load %arg6[%parallel_loop3A_891, %parallel_loop3A_892, %parallel_loop3A_893] {strides = array<i32>} : memref<2x16x768xf32, #tpu.memory_space<vmem>>, vector<1x1x16xf32>,
        %parallel_loop3A_895 = vector.shape_cast %parallel_loop3A_894 : vector<1x1x16xf32> to vector<16xf32>
        %parallel_loop3A_896 = arith.addf %parallel_loop3A_889, %parallel_loop3A_895 : vector<16xf32>
        %parallel_loop3A_897 = arith.constant 1 : i32
        %parallel_loop3A_898 = arith.index_cast %parallel_loop3A_897 : i32 to index
        %parallel_loop3A_899 = arith.index_cast %parallel_loop3A_223 : i32 to index
        %parallel_loop3A_900 = arith.constant 528 : index
        %parallel_loop3A_901 = tpu.vector_load %arg7[%parallel_loop3A_898, %parallel_loop3A_899, %parallel_loop3A_900] {strides = array<i32>} : memref<2x16x768xf32, #tpu.memory_space<vmem>>, vector<1x1x16xf32>,
        %parallel_loop3A_902 = vector.shape_cast %parallel_loop3A_901 : vector<1x1x16xf32> to vector<16xf32>
        %parallel_loop3A_903 = vector.shape_cast %parallel_loop3A_896 : vector<16xf32> to vector<1x1x16xf32>
        tpu.vector_store %arg7[%parallel_loop3A_898, %parallel_loop3A_899, %parallel_loop3A_900], %parallel_loop3A_903 {strides = array<i32>} : memref<2x16x768xf32, #tpu.memory_space<vmem>>, vector<1x1x16xf32>,
        %parallel_loop3A_904 = arith.constant 1 : i32
        %parallel_loop3A_905 = arith.index_cast %parallel_loop3A_904 : i32 to index
        %parallel_loop3A_906 = arith.index_cast %parallel_loop3A_223 : i32 to index
        %parallel_loop3A_907 = arith.constant 544 : index
        %parallel_loop3A_908 = tpu.vector_load %arg5[%parallel_loop3A_905, %parallel_loop3A_906, %parallel_loop3A_907] {strides = array<i32>} : memref<2x16x768xf32, #tpu.memory_space<vmem>>, vector<1x1x16xf32>,
        %parallel_loop3A_909 = vector.shape_cast %parallel_loop3A_908 : vector<1x1x16xf32> to vector<16xf32>
        %parallel_loop3A_910 = arith.constant 1 : i32
        %parallel_loop3A_911 = arith.index_cast %parallel_loop3A_910 : i32 to index
        %parallel_loop3A_912 = arith.index_cast %parallel_loop3A_223 : i32 to index
        %parallel_loop3A_913 = arith.constant 544 : index
        %parallel_loop3A_914 = tpu.vector_load %arg6[%parallel_loop3A_911, %parallel_loop3A_912, %parallel_loop3A_913] {strides = array<i32>} : memref<2x16x768xf32, #tpu.memory_space<vmem>>, vector<1x1x16xf32>,
        %parallel_loop3A_915 = vector.shape_cast %parallel_loop3A_914 : vector<1x1x16xf32> to vector<16xf32>
        %parallel_loop3A_916 = arith.addf %parallel_loop3A_909, %parallel_loop3A_915 : vector<16xf32>
        %parallel_loop3A_917 = arith.constant 1 : i32
        %parallel_loop3A_918 = arith.index_cast %parallel_loop3A_917 : i32 to index
        %parallel_loop3A_919 = arith.index_cast %parallel_loop3A_223 : i32 to index
        %parallel_loop3A_920 = arith.constant 544 : index
        %parallel_loop3A_921 = tpu.vector_load %arg7[%parallel_loop3A_918, %parallel_loop3A_919, %parallel_loop3A_920] {strides = array<i32>} : memref<2x16x768xf32, #tpu.memory_space<vmem>>, vector<1x1x16xf32>,
        %parallel_loop3A_922 = vector.shape_cast %parallel_loop3A_921 : vector<1x1x16xf32> to vector<16xf32>
        %parallel_loop3A_923 = vector.shape_cast %parallel_loop3A_916 : vector<16xf32> to vector<1x1x16xf32>
        tpu.vector_store %arg7[%parallel_loop3A_918, %parallel_loop3A_919, %parallel_loop3A_920], %parallel_loop3A_923 {strides = array<i32>} : memref<2x16x768xf32, #tpu.memory_space<vmem>>, vector<1x1x16xf32>,
        %parallel_loop3A_924 = arith.constant 1 : i32
        %parallel_loop3A_925 = arith.index_cast %parallel_loop3A_924 : i32 to index
        %parallel_loop3A_926 = arith.index_cast %parallel_loop3A_223 : i32 to index
        %parallel_loop3A_927 = arith.constant 560 : index
        %parallel_loop3A_928 = tpu.vector_load %arg5[%parallel_loop3A_925, %parallel_loop3A_926, %parallel_loop3A_927] {strides = array<i32>} : memref<2x16x768xf32, #tpu.memory_space<vmem>>, vector<1x1x16xf32>,
        %parallel_loop3A_929 = vector.shape_cast %parallel_loop3A_928 : vector<1x1x16xf32> to vector<16xf32>
        %parallel_loop3A_930 = arith.constant 1 : i32
        %parallel_loop3A_931 = arith.index_cast %parallel_loop3A_930 : i32 to index
        %parallel_loop3A_932 = arith.index_cast %parallel_loop3A_223 : i32 to index
        %parallel_loop3A_933 = arith.constant 560 : index
        %parallel_loop3A_934 = tpu.vector_load %arg6[%parallel_loop3A_931, %parallel_loop3A_932, %parallel_loop3A_933] {strides = array<i32>} : memref<2x16x768xf32, #tpu.memory_space<vmem>>, vector<1x1x16xf32>,
        %parallel_loop3A_935 = vector.shape_cast %parallel_loop3A_934 : vector<1x1x16xf32> to vector<16xf32>
        %parallel_loop3A_936 = arith.addf %parallel_loop3A_929, %parallel_loop3A_935 : vector<16xf32>
        %parallel_loop3A_937 = arith.constant 1 : i32
        %parallel_loop3A_938 = arith.index_cast %parallel_loop3A_937 : i32 to index
        %parallel_loop3A_939 = arith.index_cast %parallel_loop3A_223 : i32 to index
        %parallel_loop3A_940 = arith.constant 560 : index
        %parallel_loop3A_941 = tpu.vector_load %arg7[%parallel_loop3A_938, %parallel_loop3A_939, %parallel_loop3A_940] {strides = array<i32>} : memref<2x16x768xf32, #tpu.memory_space<vmem>>, vector<1x1x16xf32>,
        %parallel_loop3A_942 = vector.shape_cast %parallel_loop3A_941 : vector<1x1x16xf32> to vector<16xf32>
        %parallel_loop3A_943 = vector.shape_cast %parallel_loop3A_936 : vector<16xf32> to vector<1x1x16xf32>
        tpu.vector_store %arg7[%parallel_loop3A_938, %parallel_loop3A_939, %parallel_loop3A_940], %parallel_loop3A_943 {strides = array<i32>} : memref<2x16x768xf32, #tpu.memory_space<vmem>>, vector<1x1x16xf32>,
        %parallel_loop3A_944 = arith.constant 1 : i32
        %parallel_loop3A_945 = arith.index_cast %parallel_loop3A_944 : i32 to index
        %parallel_loop3A_946 = arith.index_cast %parallel_loop3A_223 : i32 to index
        %parallel_loop3A_947 = arith.constant 576 : index
        %parallel_loop3A_948 = tpu.vector_load %arg5[%parallel_loop3A_945, %parallel_loop3A_946, %parallel_loop3A_947] {strides = array<i32>} : memref<2x16x768xf32, #tpu.memory_space<vmem>>, vector<1x1x16xf32>,
        %parallel_loop3A_949 = vector.shape_cast %parallel_loop3A_948 : vector<1x1x16xf32> to vector<16xf32>
        %parallel_loop3A_950 = arith.constant 1 : i32
        %parallel_loop3A_951 = arith.index_cast %parallel_loop3A_950 : i32 to index
        %parallel_loop3A_952 = arith.index_cast %parallel_loop3A_223 : i32 to index
        %parallel_loop3A_953 = arith.constant 576 : index
        %parallel_loop3A_954 = tpu.vector_load %arg6[%parallel_loop3A_951, %parallel_loop3A_952, %parallel_loop3A_953] {strides = array<i32>} : memref<2x16x768xf32, #tpu.memory_space<vmem>>, vector<1x1x16xf32>,
        %parallel_loop3A_955 = vector.shape_cast %parallel_loop3A_954 : vector<1x1x16xf32> to vector<16xf32>
        %parallel_loop3A_956 = arith.addf %parallel_loop3A_949, %parallel_loop3A_955 : vector<16xf32>
        %parallel_loop3A_957 = arith.constant 1 : i32
        %parallel_loop3A_958 = arith.index_cast %parallel_loop3A_957 : i32 to index
        %parallel_loop3A_959 = arith.index_cast %parallel_loop3A_223 : i32 to index
        %parallel_loop3A_960 = arith.constant 576 : index
        %parallel_loop3A_961 = tpu.vector_load %arg7[%parallel_loop3A_958, %parallel_loop3A_959, %parallel_loop3A_960] {strides = array<i32>} : memref<2x16x768xf32, #tpu.memory_space<vmem>>, vector<1x1x16xf32>,
        %parallel_loop3A_962 = vector.shape_cast %parallel_loop3A_961 : vector<1x1x16xf32> to vector<16xf32>
        %parallel_loop3A_963 = vector.shape_cast %parallel_loop3A_956 : vector<16xf32> to vector<1x1x16xf32>
        tpu.vector_store %arg7[%parallel_loop3A_958, %parallel_loop3A_959, %parallel_loop3A_960], %parallel_loop3A_963 {strides = array<i32>} : memref<2x16x768xf32, #tpu.memory_space<vmem>>, vector<1x1x16xf32>,
        %parallel_loop3A_964 = arith.constant 1 : i32
        %parallel_loop3A_965 = arith.index_cast %parallel_loop3A_964 : i32 to index
        %parallel_loop3A_966 = arith.index_cast %parallel_loop3A_223 : i32 to index
        %parallel_loop3A_967 = arith.constant 592 : index
        %parallel_loop3A_968 = tpu.vector_load %arg5[%parallel_loop3A_965, %parallel_loop3A_966, %parallel_loop3A_967] {strides = array<i32>} : memref<2x16x768xf32, #tpu.memory_space<vmem>>, vector<1x1x16xf32>,
        %parallel_loop3A_969 = vector.shape_cast %parallel_loop3A_968 : vector<1x1x16xf32> to vector<16xf32>
        %parallel_loop3A_970 = arith.constant 1 : i32
        %parallel_loop3A_971 = arith.index_cast %parallel_loop3A_970 : i32 to index
        %parallel_loop3A_972 = arith.index_cast %parallel_loop3A_223 : i32 to index
        %parallel_loop3A_973 = arith.constant 592 : index
        %parallel_loop3A_974 = tpu.vector_load %arg6[%parallel_loop3A_971, %parallel_loop3A_972, %parallel_loop3A_973] {strides = array<i32>} : memref<2x16x768xf32, #tpu.memory_space<vmem>>, vector<1x1x16xf32>,
        %parallel_loop3A_975 = vector.shape_cast %parallel_loop3A_974 : vector<1x1x16xf32> to vector<16xf32>
        %parallel_loop3A_976 = arith.addf %parallel_loop3A_969, %parallel_loop3A_975 : vector<16xf32>
        %parallel_loop3A_977 = arith.constant 1 : i32
        %parallel_loop3A_978 = arith.index_cast %parallel_loop3A_977 : i32 to index
        %parallel_loop3A_979 = arith.index_cast %parallel_loop3A_223 : i32 to index
        %parallel_loop3A_980 = arith.constant 592 : index
        %parallel_loop3A_981 = tpu.vector_load %arg7[%parallel_loop3A_978, %parallel_loop3A_979, %parallel_loop3A_980] {strides = array<i32>} : memref<2x16x768xf32, #tpu.memory_space<vmem>>, vector<1x1x16xf32>,
        %parallel_loop3A_982 = vector.shape_cast %parallel_loop3A_981 : vector<1x1x16xf32> to vector<16xf32>
        %parallel_loop3A_983 = vector.shape_cast %parallel_loop3A_976 : vector<16xf32> to vector<1x1x16xf32>
        tpu.vector_store %arg7[%parallel_loop3A_978, %parallel_loop3A_979, %parallel_loop3A_980], %parallel_loop3A_983 {strides = array<i32>} : memref<2x16x768xf32, #tpu.memory_space<vmem>>, vector<1x1x16xf32>,
        %parallel_loop3A_984 = arith.constant 1 : i32
        %parallel_loop3A_985 = arith.index_cast %parallel_loop3A_984 : i32 to index
        %parallel_loop3A_986 = arith.index_cast %parallel_loop3A_223 : i32 to index
        %parallel_loop3A_987 = arith.constant 608 : index
        %parallel_loop3A_988 = tpu.vector_load %arg5[%parallel_loop3A_985, %parallel_loop3A_986, %parallel_loop3A_987] {strides = array<i32>} : memref<2x16x768xf32, #tpu.memory_space<vmem>>, vector<1x1x16xf32>,
        %parallel_loop3A_989 = vector.shape_cast %parallel_loop3A_988 : vector<1x1x16xf32> to vector<16xf32>
        %parallel_loop3A_990 = arith.constant 1 : i32
        %parallel_loop3A_991 = arith.index_cast %parallel_loop3A_990 : i32 to index
        %parallel_loop3A_992 = arith.index_cast %parallel_loop3A_223 : i32 to index
        %parallel_loop3A_993 = arith.constant 608 : index
        %parallel_loop3A_994 = tpu.vector_load %arg6[%parallel_loop3A_991, %parallel_loop3A_992, %parallel_loop3A_993] {strides = array<i32>} : memref<2x16x768xf32, #tpu.memory_space<vmem>>, vector<1x1x16xf32>,
        %parallel_loop3A_995 = vector.shape_cast %parallel_loop3A_994 : vector<1x1x16xf32> to vector<16xf32>
        %parallel_loop3A_996 = arith.addf %parallel_loop3A_989, %parallel_loop3A_995 : vector<16xf32>
        %parallel_loop3A_997 = arith.constant 1 : i32
        %parallel_loop3A_998 = arith.index_cast %parallel_loop3A_997 : i32 to index
        %parallel_loop3A_999 = arith.index_cast %parallel_loop3A_223 : i32 to index
        %parallel_loop3A_1000 = arith.constant 608 : index
        %parallel_loop3A_1001 = tpu.vector_load %arg7[%parallel_loop3A_998, %parallel_loop3A_999, %parallel_loop3A_1000] {strides = array<i32>} : memref<2x16x768xf32, #tpu.memory_space<vmem>>, vector<1x1x16xf32>,
        %parallel_loop3A_1002 = vector.shape_cast %parallel_loop3A_1001 : vector<1x1x16xf32> to vector<16xf32>
        %parallel_loop3A_1003 = vector.shape_cast %parallel_loop3A_996 : vector<16xf32> to vector<1x1x16xf32>
        tpu.vector_store %arg7[%parallel_loop3A_998, %parallel_loop3A_999, %parallel_loop3A_1000], %parallel_loop3A_1003 {strides = array<i32>} : memref<2x16x768xf32, #tpu.memory_space<vmem>>, vector<1x1x16xf32>,
        %parallel_loop3A_1004 = arith.constant 1 : i32
        %parallel_loop3A_1005 = arith.index_cast %parallel_loop3A_1004 : i32 to index
        %parallel_loop3A_1006 = arith.index_cast %parallel_loop3A_223 : i32 to index
        %parallel_loop3A_1007 = arith.constant 624 : index
        %parallel_loop3A_1008 = tpu.vector_load %arg5[%parallel_loop3A_1005, %parallel_loop3A_1006, %parallel_loop3A_1007] {strides = array<i32>} : memref<2x16x768xf32, #tpu.memory_space<vmem>>, vector<1x1x16xf32>,
        %parallel_loop3A_1009 = vector.shape_cast %parallel_loop3A_1008 : vector<1x1x16xf32> to vector<16xf32>
        %parallel_loop3A_1010 = arith.constant 1 : i32
        %parallel_loop3A_1011 = arith.index_cast %parallel_loop3A_1010 : i32 to index
        %parallel_loop3A_1012 = arith.index_cast %parallel_loop3A_223 : i32 to index
        %parallel_loop3A_1013 = arith.constant 624 : index
        %parallel_loop3A_1014 = tpu.vector_load %arg6[%parallel_loop3A_1011, %parallel_loop3A_1012, %parallel_loop3A_1013] {strides = array<i32>} : memref<2x16x768xf32, #tpu.memory_space<vmem>>, vector<1x1x16xf32>,
        %parallel_loop3A_1015 = vector.shape_cast %parallel_loop3A_1014 : vector<1x1x16xf32> to vector<16xf32>
        %parallel_loop3A_1016 = arith.addf %parallel_loop3A_1009, %parallel_loop3A_1015 : vector<16xf32>
        %parallel_loop3A_1017 = arith.constant 1 : i32
        %parallel_loop3A_1018 = arith.index_cast %parallel_loop3A_1017 : i32 to index
        %parallel_loop3A_1019 = arith.index_cast %parallel_loop3A_223 : i32 to index
        %parallel_loop3A_1020 = arith.constant 624 : index
        %parallel_loop3A_1021 = tpu.vector_load %arg7[%parallel_loop3A_1018, %parallel_loop3A_1019, %parallel_loop3A_1020] {strides = array<i32>} : memref<2x16x768xf32, #tpu.memory_space<vmem>>, vector<1x1x16xf32>,
        %parallel_loop3A_1022 = vector.shape_cast %parallel_loop3A_1021 : vector<1x1x16xf32> to vector<16xf32>
        %parallel_loop3A_1023 = vector.shape_cast %parallel_loop3A_1016 : vector<16xf32> to vector<1x1x16xf32>
        tpu.vector_store %arg7[%parallel_loop3A_1018, %parallel_loop3A_1019, %parallel_loop3A_1020], %parallel_loop3A_1023 {strides = array<i32>} : memref<2x16x768xf32, #tpu.memory_space<vmem>>, vector<1x1x16xf32>,
        %parallel_loop3A_1024 = arith.constant 1 : i32
        %parallel_loop3A_1025 = arith.index_cast %parallel_loop3A_1024 : i32 to index
        %parallel_loop3A_1026 = arith.index_cast %parallel_loop3A_223 : i32 to index
        %parallel_loop3A_1027 = arith.constant 640 : index
        %parallel_loop3A_1028 = tpu.vector_load %arg5[%parallel_loop3A_1025, %parallel_loop3A_1026, %parallel_loop3A_1027] {strides = array<i32>} : memref<2x16x768xf32, #tpu.memory_space<vmem>>, vector<1x1x16xf32>,
        %parallel_loop3A_1029 = vector.shape_cast %parallel_loop3A_1028 : vector<1x1x16xf32> to vector<16xf32>
        %parallel_loop3A_1030 = arith.constant 1 : i32
        %parallel_loop3A_1031 = arith.index_cast %parallel_loop3A_1030 : i32 to index
        %parallel_loop3A_1032 = arith.index_cast %parallel_loop3A_223 : i32 to index
        %parallel_loop3A_1033 = arith.constant 640 : index
        %parallel_loop3A_1034 = tpu.vector_load %arg6[%parallel_loop3A_1031, %parallel_loop3A_1032, %parallel_loop3A_1033] {strides = array<i32>} : memref<2x16x768xf32, #tpu.memory_space<vmem>>, vector<1x1x16xf32>,
        %parallel_loop3A_1035 = vector.shape_cast %parallel_loop3A_1034 : vector<1x1x16xf32> to vector<16xf32>
        %parallel_loop3A_1036 = arith.addf %parallel_loop3A_1029, %parallel_loop3A_1035 : vector<16xf32>
        %parallel_loop3A_1037 = arith.constant 1 : i32
        %parallel_loop3A_1038 = arith.index_cast %parallel_loop3A_1037 : i32 to index
        %parallel_loop3A_1039 = arith.index_cast %parallel_loop3A_223 : i32 to index
        %parallel_loop3A_1040 = arith.constant 640 : index
        %parallel_loop3A_1041 = tpu.vector_load %arg7[%parallel_loop3A_1038, %parallel_loop3A_1039, %parallel_loop3A_1040] {strides = array<i32>} : memref<2x16x768xf32, #tpu.memory_space<vmem>>, vector<1x1x16xf32>,
        %parallel_loop3A_1042 = vector.shape_cast %parallel_loop3A_1041 : vector<1x1x16xf32> to vector<16xf32>
        %parallel_loop3A_1043 = vector.shape_cast %parallel_loop3A_1036 : vector<16xf32> to vector<1x1x16xf32>
        tpu.vector_store %arg7[%parallel_loop3A_1038, %parallel_loop3A_1039, %parallel_loop3A_1040], %parallel_loop3A_1043 {strides = array<i32>} : memref<2x16x768xf32, #tpu.memory_space<vmem>>, vector<1x1x16xf32>,
        %parallel_loop3A_1044 = arith.constant 1 : i32
        %parallel_loop3A_1045 = arith.index_cast %parallel_loop3A_1044 : i32 to index
        %parallel_loop3A_1046 = arith.index_cast %parallel_loop3A_223 : i32 to index
        %parallel_loop3A_1047 = arith.constant 656 : index
        %parallel_loop3A_1048 = tpu.vector_load %arg5[%parallel_loop3A_1045, %parallel_loop3A_1046, %parallel_loop3A_1047] {strides = array<i32>} : memref<2x16x768xf32, #tpu.memory_space<vmem>>, vector<1x1x16xf32>,
        %parallel_loop3A_1049 = vector.shape_cast %parallel_loop3A_1048 : vector<1x1x16xf32> to vector<16xf32>
        %parallel_loop3A_1050 = arith.constant 1 : i32
        %parallel_loop3A_1051 = arith.index_cast %parallel_loop3A_1050 : i32 to index
        %parallel_loop3A_1052 = arith.index_cast %parallel_loop3A_223 : i32 to index
        %parallel_loop3A_1053 = arith.constant 656 : index
        %parallel_loop3A_1054 = tpu.vector_load %arg6[%parallel_loop3A_1051, %parallel_loop3A_1052, %parallel_loop3A_1053] {strides = array<i32>} : memref<2x16x768xf32, #tpu.memory_space<vmem>>, vector<1x1x16xf32>,
        %parallel_loop3A_1055 = vector.shape_cast %parallel_loop3A_1054 : vector<1x1x16xf32> to vector<16xf32>
        %parallel_loop3A_1056 = arith.addf %parallel_loop3A_1049, %parallel_loop3A_1055 : vector<16xf32>
        %parallel_loop3A_1057 = arith.constant 1 : i32
        %parallel_loop3A_1058 = arith.index_cast %parallel_loop3A_1057 : i32 to index
        %parallel_loop3A_1059 = arith.index_cast %parallel_loop3A_223 : i32 to index
        %parallel_loop3A_1060 = arith.constant 656 : index
        %parallel_loop3A_1061 = tpu.vector_load %arg7[%parallel_loop3A_1058, %parallel_loop3A_1059, %parallel_loop3A_1060] {strides = array<i32>} : memref<2x16x768xf32, #tpu.memory_space<vmem>>, vector<1x1x16xf32>,
        %parallel_loop3A_1062 = vector.shape_cast %parallel_loop3A_1061 : vector<1x1x16xf32> to vector<16xf32>
        %parallel_loop3A_1063 = vector.shape_cast %parallel_loop3A_1056 : vector<16xf32> to vector<1x1x16xf32>
        tpu.vector_store %arg7[%parallel_loop3A_1058, %parallel_loop3A_1059, %parallel_loop3A_1060], %parallel_loop3A_1063 {strides = array<i32>} : memref<2x16x768xf32, #tpu.memory_space<vmem>>, vector<1x1x16xf32>,
        %parallel_loop3A_1064 = arith.constant 1 : i32
        %parallel_loop3A_1065 = arith.index_cast %parallel_loop3A_1064 : i32 to index
        %parallel_loop3A_1066 = arith.index_cast %parallel_loop3A_223 : i32 to index
        %parallel_loop3A_1067 = arith.constant 672 : index
        %parallel_loop3A_1068 = tpu.vector_load %arg5[%parallel_loop3A_1065, %parallel_loop3A_1066, %parallel_loop3A_1067] {strides = array<i32>} : memref<2x16x768xf32, #tpu.memory_space<vmem>>, vector<1x1x16xf32>,
        %parallel_loop3A_1069 = vector.shape_cast %parallel_loop3A_1068 : vector<1x1x16xf32> to vector<16xf32>
        %parallel_loop3A_1070 = arith.constant 1 : i32
        %parallel_loop3A_1071 = arith.index_cast %parallel_loop3A_1070 : i32 to index
        %parallel_loop3A_1072 = arith.index_cast %parallel_loop3A_223 : i32 to index
        %parallel_loop3A_1073 = arith.constant 672 : index
        %parallel_loop3A_1074 = tpu.vector_load %arg6[%parallel_loop3A_1071, %parallel_loop3A_1072, %parallel_loop3A_1073] {strides = array<i32>} : memref<2x16x768xf32, #tpu.memory_space<vmem>>, vector<1x1x16xf32>,
        %parallel_loop3A_1075 = vector.shape_cast %parallel_loop3A_1074 : vector<1x1x16xf32> to vector<16xf32>
        %parallel_loop3A_1076 = arith.addf %parallel_loop3A_1069, %parallel_loop3A_1075 : vector<16xf32>
        %parallel_loop3A_1077 = arith.constant 1 : i32
        %parallel_loop3A_1078 = arith.index_cast %parallel_loop3A_1077 : i32 to index
        %parallel_loop3A_1079 = arith.index_cast %parallel_loop3A_223 : i32 to index
        %parallel_loop3A_1080 = arith.constant 672 : index
        %parallel_loop3A_1081 = tpu.vector_load %arg7[%parallel_loop3A_1078, %parallel_loop3A_1079, %parallel_loop3A_1080] {strides = array<i32>} : memref<2x16x768xf32, #tpu.memory_space<vmem>>, vector<1x1x16xf32>,
        %parallel_loop3A_1082 = vector.shape_cast %parallel_loop3A_1081 : vector<1x1x16xf32> to vector<16xf32>
        %parallel_loop3A_1083 = vector.shape_cast %parallel_loop3A_1076 : vector<16xf32> to vector<1x1x16xf32>
        tpu.vector_store %arg7[%parallel_loop3A_1078, %parallel_loop3A_1079, %parallel_loop3A_1080], %parallel_loop3A_1083 {strides = array<i32>} : memref<2x16x768xf32, #tpu.memory_space<vmem>>, vector<1x1x16xf32>,
        %parallel_loop3A_1084 = arith.constant 1 : i32
        %parallel_loop3A_1085 = arith.index_cast %parallel_loop3A_1084 : i32 to index
        %parallel_loop3A_1086 = arith.index_cast %parallel_loop3A_223 : i32 to index
        %parallel_loop3A_1087 = arith.constant 688 : index
        %parallel_loop3A_1088 = tpu.vector_load %arg5[%parallel_loop3A_1085, %parallel_loop3A_1086, %parallel_loop3A_1087] {strides = array<i32>} : memref<2x16x768xf32, #tpu.memory_space<vmem>>, vector<1x1x16xf32>,
        %parallel_loop3A_1089 = vector.shape_cast %parallel_loop3A_1088 : vector<1x1x16xf32> to vector<16xf32>
        %parallel_loop3A_1090 = arith.constant 1 : i32
        %parallel_loop3A_1091 = arith.index_cast %parallel_loop3A_1090 : i32 to index
        %parallel_loop3A_1092 = arith.index_cast %parallel_loop3A_223 : i32 to index
        %parallel_loop3A_1093 = arith.constant 688 : index
        %parallel_loop3A_1094 = tpu.vector_load %arg6[%parallel_loop3A_1091, %parallel_loop3A_1092, %parallel_loop3A_1093] {strides = array<i32>} : memref<2x16x768xf32, #tpu.memory_space<vmem>>, vector<1x1x16xf32>,
        %parallel_loop3A_1095 = vector.shape_cast %parallel_loop3A_1094 : vector<1x1x16xf32> to vector<16xf32>
        %parallel_loop3A_1096 = arith.addf %parallel_loop3A_1089, %parallel_loop3A_1095 : vector<16xf32>
        %parallel_loop3A_1097 = arith.constant 1 : i32
        %parallel_loop3A_1098 = arith.index_cast %parallel_loop3A_1097 : i32 to index
        %parallel_loop3A_1099 = arith.index_cast %parallel_loop3A_223 : i32 to index
        %parallel_loop3A_1100 = arith.constant 688 : index
        %parallel_loop3A_1101 = tpu.vector_load %arg7[%parallel_loop3A_1098, %parallel_loop3A_1099, %parallel_loop3A_1100] {strides = array<i32>} : memref<2x16x768xf32, #tpu.memory_space<vmem>>, vector<1x1x16xf32>,
        %parallel_loop3A_1102 = vector.shape_cast %parallel_loop3A_1101 : vector<1x1x16xf32> to vector<16xf32>
        %parallel_loop3A_1103 = vector.shape_cast %parallel_loop3A_1096 : vector<16xf32> to vector<1x1x16xf32>
        tpu.vector_store %arg7[%parallel_loop3A_1098, %parallel_loop3A_1099, %parallel_loop3A_1100], %parallel_loop3A_1103 {strides = array<i32>} : memref<2x16x768xf32, #tpu.memory_space<vmem>>, vector<1x1x16xf32>,
        %parallel_loop3A_1104 = arith.constant 1 : i32
        %parallel_loop3A_1105 = arith.index_cast %parallel_loop3A_1104 : i32 to index
        %parallel_loop3A_1106 = arith.index_cast %parallel_loop3A_223 : i32 to index
        %parallel_loop3A_1107 = arith.constant 704 : index
        %parallel_loop3A_1108 = tpu.vector_load %arg5[%parallel_loop3A_1105, %parallel_loop3A_1106, %parallel_loop3A_1107] {strides = array<i32>} : memref<2x16x768xf32, #tpu.memory_space<vmem>>, vector<1x1x16xf32>,
        %parallel_loop3A_1109 = vector.shape_cast %parallel_loop3A_1108 : vector<1x1x16xf32> to vector<16xf32>
        %parallel_loop3A_1110 = arith.constant 1 : i32
        %parallel_loop3A_1111 = arith.index_cast %parallel_loop3A_1110 : i32 to index
        %parallel_loop3A_1112 = arith.index_cast %parallel_loop3A_223 : i32 to index
        %parallel_loop3A_1113 = arith.constant 704 : index
        %parallel_loop3A_1114 = tpu.vector_load %arg6[%parallel_loop3A_1111, %parallel_loop3A_1112, %parallel_loop3A_1113] {strides = array<i32>} : memref<2x16x768xf32, #tpu.memory_space<vmem>>, vector<1x1x16xf32>,
        %parallel_loop3A_1115 = vector.shape_cast %parallel_loop3A_1114 : vector<1x1x16xf32> to vector<16xf32>
        %parallel_loop3A_1116 = arith.addf %parallel_loop3A_1109, %parallel_loop3A_1115 : vector<16xf32>
        %parallel_loop3A_1117 = arith.constant 1 : i32
        %parallel_loop3A_1118 = arith.index_cast %parallel_loop3A_1117 : i32 to index
        %parallel_loop3A_1119 = arith.index_cast %parallel_loop3A_223 : i32 to index
        %parallel_loop3A_1120 = arith.constant 704 : index
        %parallel_loop3A_1121 = tpu.vector_load %arg7[%parallel_loop3A_1118, %parallel_loop3A_1119, %parallel_loop3A_1120] {strides = array<i32>} : memref<2x16x768xf32, #tpu.memory_space<vmem>>, vector<1x1x16xf32>,
        %parallel_loop3A_1122 = vector.shape_cast %parallel_loop3A_1121 : vector<1x1x16xf32> to vector<16xf32>
        %parallel_loop3A_1123 = vector.shape_cast %parallel_loop3A_1116 : vector<16xf32> to vector<1x1x16xf32>
        tpu.vector_store %arg7[%parallel_loop3A_1118, %parallel_loop3A_1119, %parallel_loop3A_1120], %parallel_loop3A_1123 {strides = array<i32>} : memref<2x16x768xf32, #tpu.memory_space<vmem>>, vector<1x1x16xf32>,
        %parallel_loop3A_1124 = arith.constant 1 : i32
        %parallel_loop3A_1125 = arith.index_cast %parallel_loop3A_1124 : i32 to index
        %parallel_loop3A_1126 = arith.index_cast %parallel_loop3A_223 : i32 to index
        %parallel_loop3A_1127 = arith.constant 720 : index
        %parallel_loop3A_1128 = tpu.vector_load %arg5[%parallel_loop3A_1125, %parallel_loop3A_1126, %parallel_loop3A_1127] {strides = array<i32>} : memref<2x16x768xf32, #tpu.memory_space<vmem>>, vector<1x1x16xf32>,
        %parallel_loop3A_1129 = vector.shape_cast %parallel_loop3A_1128 : vector<1x1x16xf32> to vector<16xf32>
        %parallel_loop3A_1130 = arith.constant 1 : i32
        %parallel_loop3A_1131 = arith.index_cast %parallel_loop3A_1130 : i32 to index
        %parallel_loop3A_1132 = arith.index_cast %parallel_loop3A_223 : i32 to index
        %parallel_loop3A_1133 = arith.constant 720 : index
        %parallel_loop3A_1134 = tpu.vector_load %arg6[%parallel_loop3A_1131, %parallel_loop3A_1132, %parallel_loop3A_1133] {strides = array<i32>} : memref<2x16x768xf32, #tpu.memory_space<vmem>>, vector<1x1x16xf32>,
        %parallel_loop3A_1135 = vector.shape_cast %parallel_loop3A_1134 : vector<1x1x16xf32> to vector<16xf32>
        %parallel_loop3A_1136 = arith.addf %parallel_loop3A_1129, %parallel_loop3A_1135 : vector<16xf32>
        %parallel_loop3A_1137 = arith.constant 1 : i32
        %parallel_loop3A_1138 = arith.index_cast %parallel_loop3A_1137 : i32 to index
        %parallel_loop3A_1139 = arith.index_cast %parallel_loop3A_223 : i32 to index
        %parallel_loop3A_1140 = arith.constant 720 : index
        %parallel_loop3A_1141 = tpu.vector_load %arg7[%parallel_loop3A_1138, %parallel_loop3A_1139, %parallel_loop3A_1140] {strides = array<i32>} : memref<2x16x768xf32, #tpu.memory_space<vmem>>, vector<1x1x16xf32>,
        %parallel_loop3A_1142 = vector.shape_cast %parallel_loop3A_1141 : vector<1x1x16xf32> to vector<16xf32>
        %parallel_loop3A_1143 = vector.shape_cast %parallel_loop3A_1136 : vector<16xf32> to vector<1x1x16xf32>
        tpu.vector_store %arg7[%parallel_loop3A_1138, %parallel_loop3A_1139, %parallel_loop3A_1140], %parallel_loop3A_1143 {strides = array<i32>} : memref<2x16x768xf32, #tpu.memory_space<vmem>>, vector<1x1x16xf32>,
        %parallel_loop3A_1144 = arith.constant 1 : i32
        %parallel_loop3A_1145 = arith.index_cast %parallel_loop3A_1144 : i32 to index
        %parallel_loop3A_1146 = arith.index_cast %parallel_loop3A_223 : i32 to index
        %parallel_loop3A_1147 = arith.constant 736 : index
        %parallel_loop3A_1148 = tpu.vector_load %arg5[%parallel_loop3A_1145, %parallel_loop3A_1146, %parallel_loop3A_1147] {strides = array<i32>} : memref<2x16x768xf32, #tpu.memory_space<vmem>>, vector<1x1x16xf32>,
        %parallel_loop3A_1149 = vector.shape_cast %parallel_loop3A_1148 : vector<1x1x16xf32> to vector<16xf32>
        %parallel_loop3A_1150 = arith.constant 1 : i32
        %parallel_loop3A_1151 = arith.index_cast %parallel_loop3A_1150 : i32 to index
        %parallel_loop3A_1152 = arith.index_cast %parallel_loop3A_223 : i32 to index
        %parallel_loop3A_1153 = arith.constant 736 : index
        %parallel_loop3A_1154 = tpu.vector_load %arg6[%parallel_loop3A_1151, %parallel_loop3A_1152, %parallel_loop3A_1153] {strides = array<i32>} : memref<2x16x768xf32, #tpu.memory_space<vmem>>, vector<1x1x16xf32>,
        %parallel_loop3A_1155 = vector.shape_cast %parallel_loop3A_1154 : vector<1x1x16xf32> to vector<16xf32>
        %parallel_loop3A_1156 = arith.addf %parallel_loop3A_1149, %parallel_loop3A_1155 : vector<16xf32>
        %parallel_loop3A_1157 = arith.constant 1 : i32
        %parallel_loop3A_1158 = arith.index_cast %parallel_loop3A_1157 : i32 to index
        %parallel_loop3A_1159 = arith.index_cast %parallel_loop3A_223 : i32 to index
        %parallel_loop3A_1160 = arith.constant 736 : index
        %parallel_loop3A_1161 = tpu.vector_load %arg7[%parallel_loop3A_1158, %parallel_loop3A_1159, %parallel_loop3A_1160] {strides = array<i32>} : memref<2x16x768xf32, #tpu.memory_space<vmem>>, vector<1x1x16xf32>,
        %parallel_loop3A_1162 = vector.shape_cast %parallel_loop3A_1161 : vector<1x1x16xf32> to vector<16xf32>
        %parallel_loop3A_1163 = vector.shape_cast %parallel_loop3A_1156 : vector<16xf32> to vector<1x1x16xf32>
        tpu.vector_store %arg7[%parallel_loop3A_1158, %parallel_loop3A_1159, %parallel_loop3A_1160], %parallel_loop3A_1163 {strides = array<i32>} : memref<2x16x768xf32, #tpu.memory_space<vmem>>, vector<1x1x16xf32>,
        %parallel_loop3A_1164 = arith.constant 1 : i32
        %parallel_loop3A_1165 = arith.index_cast %parallel_loop3A_1164 : i32 to index
        %parallel_loop3A_1166 = arith.index_cast %parallel_loop3A_223 : i32 to index
        %parallel_loop3A_1167 = arith.constant 752 : index
        %parallel_loop3A_1168 = tpu.vector_load %arg5[%parallel_loop3A_1165, %parallel_loop3A_1166, %parallel_loop3A_1167] {strides = array<i32>} : memref<2x16x768xf32, #tpu.memory_space<vmem>>, vector<1x1x16xf32>,
        %parallel_loop3A_1169 = vector.shape_cast %parallel_loop3A_1168 : vector<1x1x16xf32> to vector<16xf32>
        %parallel_loop3A_1170 = arith.constant 1 : i32
        %parallel_loop3A_1171 = arith.index_cast %parallel_loop3A_1170 : i32 to index
        %parallel_loop3A_1172 = arith.index_cast %parallel_loop3A_223 : i32 to index
        %parallel_loop3A_1173 = arith.constant 752 : index
        %parallel_loop3A_1174 = tpu.vector_load %arg6[%parallel_loop3A_1171, %parallel_loop3A_1172, %parallel_loop3A_1173] {strides = array<i32>} : memref<2x16x768xf32, #tpu.memory_space<vmem>>, vector<1x1x16xf32>,
        %parallel_loop3A_1175 = vector.shape_cast %parallel_loop3A_1174 : vector<1x1x16xf32> to vector<16xf32>
        %parallel_loop3A_1176 = arith.addf %parallel_loop3A_1169, %parallel_loop3A_1175 : vector<16xf32>
        %parallel_loop3A_1177 = arith.constant 1 : i32
        %parallel_loop3A_1178 = arith.index_cast %parallel_loop3A_1177 : i32 to index
        %parallel_loop3A_1179 = arith.index_cast %parallel_loop3A_223 : i32 to index
        %parallel_loop3A_1180 = arith.constant 752 : index
        %parallel_loop3A_1181 = tpu.vector_load %arg7[%parallel_loop3A_1178, %parallel_loop3A_1179, %parallel_loop3A_1180] {strides = array<i32>} : memref<2x16x768xf32, #tpu.memory_space<vmem>>, vector<1x1x16xf32>,
        %parallel_loop3A_1182 = vector.shape_cast %parallel_loop3A_1181 : vector<1x1x16xf32> to vector<16xf32>
        %parallel_loop3A_1183 = vector.shape_cast %parallel_loop3A_1176 : vector<16xf32> to vector<1x1x16xf32>
        tpu.vector_store %arg7[%parallel_loop3A_1178, %parallel_loop3A_1179, %parallel_loop3A_1180], %parallel_loop3A_1183 {strides = array<i32>} : memref<2x16x768xf32, #tpu.memory_space<vmem>>, vector<1x1x16xf32>,
      } {sc.loop_unroll_factor = 1 : i64, sc.parallel_access}
      %mul3A_201 = arith.constant 16 : i32
      %mul3A_202 = arith.muli %add3A_161, %mul3A_201 : i32
      %add3A_203 = arith.addi %mul3A_2, %mul3A_202 : i32
      %dma_start3A_204 = arith.constant 1 : i32
      %dma_start3A_205 = arith.constant 0 : i32
      %dma_start3A_206 = arith.constant 0 : i32
      %dma_start3A_207 = tpu.memref_slice %arg7[%dma_start3A_204, %dma_start3A_205, %dma_start3A_206] : memref<2x16x768xf32, #tpu.memory_space<vmem>> -> memref<1x16x768xf32, #tpu.memory_space<vmem>>
      %dma_start3A_208 = tpu.memref_squeeze %dma_start3A_207 : memref<1x16x768xf32, #tpu.memory_space<vmem>> -> memref<16x768xf32, #tpu.memory_space<vmem>>
      %dma_start3A_209 = arith.constant 0 : i32
      %dma_start3A_210 = tpu.memref_slice %arg4[%add3A_203, %dma_start3A_209] : memref<8192x768xf32, #tpu.memory_space<hbm>> -> memref<16x768xf32, #tpu.memory_space<hbm>>
      %dma_start3A_211 = arith.constant 0 : i32
      %dma_start3A_212 = tpu.memref_slice %arg4[%add3A_203, %dma_start3A_211] : memref<8192x768xf32, #tpu.memory_space<hbm>> -> memref<16x768xf32, #tpu.memory_space<hbm>>
      %dma_start3A_213 = arith.constant 0 : i32
      %dma_start3A_214 = arith.constant 0 : i32
      %dma_start3A_215 = tpu.memref_slice %arg7[%dma_start3A_204, %dma_start3A_213, %dma_start3A_214] : memref<2x16x768xf32, #tpu.memory_space<vmem>> -> memref<1x16x768xf32, #tpu.memory_space<vmem>>
      %dma_start3A_216 = tpu.memref_squeeze %dma_start3A_215 : memref<1x16x768xf32, #tpu.memory_space<vmem>> -> memref<16x768xf32, #tpu.memory_space<vmem>>
      tpu.enqueue_dma source(%dma_start3A_216 : memref<16x768xf32, #tpu.memory_space<vmem>>) target(%dma_start3A_212 : memref<16x768xf32, #tpu.memory_space<hbm>>) target_semaphore(%arg13 : memref<!tpu.dma_semaphore, #tpu.memory_space<semaphore_mem>>)
      %lt3A_217 = arith.constant 7 : i32
      %lt3A_218 = arith.cmpi slt, %scan3A_97, %lt3A_217 : i32
      %convert_element_type3A_219 = arith.extui %lt3A_218 : i1 to i32
      %cond3A_220 = arith.constant 0 : i32
      %cond3A_221 = arith.cmpi ne, %convert_element_type3A_219, %cond3A_220 : i32
      scf.if %cond3A_221 {
        %add3A_223 = arith.constant 2 : i32
        %add3A_224 = arith.addi %add3A_161, %add3A_223 : i32
        %mul3A_225 = arith.constant 16 : i32
        %mul3A_226 = arith.muli %add3A_224, %mul3A_225 : i32
        %add3A_227 = arith.addi %mul3A_2, %mul3A_226 : i32
        %add3A_228 = arith.constant 24576 : i32
        %add3A_229 = arith.addi %add3A_228, %add3A_227 : i32
        %dma_start3A_230 = arith.constant 1 : i32
        %dma_start3A_231 = arith.constant 0 : i32
        %dma_start3A_232 = arith.constant 0 : i32
        %dma_start3A_233 = tpu.memref_slice %arg5[%dma_start3A_230, %dma_start3A_231, %dma_start3A_232] : memref<2x16x768xf32, #tpu.memory_space<vmem>> -> memref<1x16x768xf32, #tpu.memory_space<vmem>>
        %dma_start3A_234 = tpu.memref_squeeze %dma_start3A_233 : memref<1x16x768xf32, #tpu.memory_space<vmem>> -> memref<16x768xf32, #tpu.memory_space<vmem>>
        %dma_start3A_235 = arith.constant 0 : i32
        %dma_start3A_236 = tpu.memref_slice %arg2[%add3A_229, %dma_start3A_235] : memref<32768x768xf32, #tpu.memory_space<hbm>> -> memref<16x768xf32, #tpu.memory_space<hbm>>
        %dma_start3A_237 = arith.constant 0 : i32
        %dma_start3A_238 = arith.constant 0 : i32
        %dma_start3A_239 = tpu.memref_slice %arg5[%dma_start3A_230, %dma_start3A_237, %dma_start3A_238] : memref<2x16x768xf32, #tpu.memory_space<vmem>> -> memref<1x16x768xf32, #tpu.memory_space<vmem>>
        %dma_start3A_240 = tpu.memref_squeeze %dma_start3A_239 : memref<1x16x768xf32, #tpu.memory_space<vmem>> -> memref<16x768xf32, #tpu.memory_space<vmem>>
        %dma_start3A_241 = arith.constant 0 : i32
        %dma_start3A_242 = tpu.memref_slice %arg2[%add3A_229, %dma_start3A_241] : memref<32768x768xf32, #tpu.memory_space<hbm>> -> memref<16x768xf32, #tpu.memory_space<hbm>>
        tpu.enqueue_dma source(%dma_start3A_242 : memref<16x768xf32, #tpu.memory_space<hbm>>) target(%dma_start3A_240 : memref<16x768xf32, #tpu.memory_space<vmem>>) target_semaphore(%arg9 : memref<!tpu.dma_semaphore, #tpu.memory_space<semaphore_mem>>)
        %dma_start3A_243 = arith.constant 1 : i32
        %dma_start3A_244 = arith.constant 0 : i32
        %dma_start3A_245 = arith.constant 0 : i32
        %dma_start3A_246 = tpu.memref_slice %arg6[%dma_start3A_243, %dma_start3A_244, %dma_start3A_245] : memref<2x16x768xf32, #tpu.memory_space<vmem>> -> memref<1x16x768xf32, #tpu.memory_space<vmem>>
        %dma_start3A_247 = tpu.memref_squeeze %dma_start3A_246 : memref<1x16x768xf32, #tpu.memory_space<vmem>> -> memref<16x768xf32, #tpu.memory_space<vmem>>
        %dma_start3A_248 = arith.constant 0 : i32
        %dma_start3A_249 = tpu.memref_slice %arg3[%add3A_227, %dma_start3A_248] : memref<8192x768xf32, #tpu.memory_space<hbm>> -> memref<16x768xf32, #tpu.memory_space<hbm>>
        %dma_start3A_250 = arith.constant 0 : i32
        %dma_start3A_251 = arith.constant 0 : i32
        %dma_start3A_252 = tpu.memref_slice %arg6[%dma_start3A_243, %dma_start3A_250, %dma_start3A_251] : memref<2x16x768xf32, #tpu.memory_space<vmem>> -> memref<1x16x768xf32, #tpu.memory_space<vmem>>
        %dma_start3A_253 = tpu.memref_squeeze %dma_start3A_252 : memref<1x16x768xf32, #tpu.memory_space<vmem>> -> memref<16x768xf32, #tpu.memory_space<vmem>>
        %dma_start3A_254 = arith.constant 0 : i32
        %dma_start3A_255 = tpu.memref_slice %arg3[%add3A_227, %dma_start3A_254] : memref<8192x768xf32, #tpu.memory_space<hbm>> -> memref<16x768xf32, #tpu.memory_space<hbm>>
        tpu.enqueue_dma source(%dma_start3A_255 : memref<16x768xf32, #tpu.memory_space<hbm>>) target(%dma_start3A_253 : memref<16x768xf32, #tpu.memory_space<vmem>>) target_semaphore(%arg11 : memref<!tpu.dma_semaphore, #tpu.memory_space<semaphore_mem>>)
      } else {
      }
      %scan3A_222 = arith.constant 0 : i32
      scf.yield %scan3A_222 : i32
    }
    %scan3A_67 = arith.constant 8 : i32
    %add3A_68 = arith.constant 224 : i32
    %add3A_69 = arith.addi %mul3A_2, %add3A_68 : i32
    %dma_wait3A = arith.constant 0 : i32
    %dma_wait3A_70 = arith.constant 0 : i32
    %dma_wait3A_71 = arith.constant 0 : i32
    %dma_wait3A_72 = tpu.memref_slice %arg7[%dma_wait3A, %dma_wait3A_70, %dma_wait3A_71] : memref<2x16x768xf32, #tpu.memory_space<vmem>> -> memref<1x16x768xf32, #tpu.memory_space<vmem>>
    %dma_wait3A_73 = tpu.memref_squeeze %dma_wait3A_72 : memref<1x16x768xf32, #tpu.memory_space<vmem>> -> memref<16x768xf32, #tpu.memory_space<vmem>>
    %dma_wait3A_74 = arith.constant 0 : i32
    %dma_wait3A_75 = tpu.memref_slice %arg4[%add3A_69, %dma_wait3A_74] : memref<8192x768xf32, #tpu.memory_space<hbm>> -> memref<16x768xf32, #tpu.memory_space<hbm>>
    %dma_wait3A_76 = arith.constant 0 : i32
    %dma_wait3A_77 = tpu.memref_slice %arg4[%add3A_69, %dma_wait3A_76] : memref<8192x768xf32, #tpu.memory_space<hbm>> -> memref<16x768xf32, #tpu.memory_space<hbm>>
    %dma_wait3A_78 = arith.constant 0 : i32
    %dma_wait3A_79 = arith.constant 0 : i32
    %dma_wait3A_80 = tpu.memref_slice %arg7[%dma_wait3A, %dma_wait3A_78, %dma_wait3A_79] : memref<2x16x768xf32, #tpu.memory_space<vmem>> -> memref<1x16x768xf32, #tpu.memory_space<vmem>>
    %dma_wait3A_81 = tpu.memref_squeeze %dma_wait3A_80 : memref<1x16x768xf32, #tpu.memory_space<vmem>> -> memref<16x768xf32, #tpu.memory_space<vmem>>
    tpu.wait_dma2 semaphore(%arg12 : memref<!tpu.dma_semaphore, #tpu.memory_space<semaphore_mem>>) src(%dma_wait3A_81 : memref<16x768xf32, #tpu.memory_space<vmem>>) dst(%dma_wait3A_77 : memref<16x768xf32, #tpu.memory_space<hbm>>)
    %add3A_82 = arith.constant 240 : i32
    %add3A_83 = arith.addi %mul3A_2, %add3A_82 : i32
    %dma_wait3A_84 = arith.constant 1 : i32
    %dma_wait3A_85 = arith.constant 0 : i32
    %dma_wait3A_86 = arith.constant 0 : i32
    %dma_wait3A_87 = tpu.memref_slice %arg7[%dma_wait3A_84, %dma_wait3A_85, %dma_wait3A_86] : memref<2x16x768xf32, #tpu.memory_space<vmem>> -> memref<1x16x768xf32, #tpu.memory_space<vmem>>
    %dma_wait3A_88 = tpu.memref_squeeze %dma_wait3A_87 : memref<1x16x768xf32, #tpu.memory_space<vmem>> -> memref<16x768xf32, #tpu.memory_space<vmem>>
    %dma_wait3A_89 = arith.constant 0 : i32
    %dma_wait3A_90 = tpu.memref_slice %arg4[%add3A_83, %dma_wait3A_89] : memref<8192x768xf32, #tpu.memory_space<hbm>> -> memref<16x768xf32, #tpu.memory_space<hbm>>
    %dma_wait3A_91 = arith.constant 0 : i32
    %dma_wait3A_92 = tpu.memref_slice %arg4[%add3A_83, %dma_wait3A_91] : memref<8192x768xf32, #tpu.memory_space<hbm>> -> memref<16x768xf32, #tpu.memory_space<hbm>>
    %dma_wait3A_93 = arith.constant 0 : i32
    %dma_wait3A_94 = arith.constant 0 : i32
    %dma_wait3A_95 = tpu.memref_slice %arg7[%dma_wait3A_84, %dma_wait3A_93, %dma_wait3A_94] : memref<2x16x768xf32, #tpu.memory_space<vmem>> -> memref<1x16x768xf32, #tpu.memory_space<vmem>>
    %dma_wait3A_96 = tpu.memref_squeeze %dma_wait3A_95 : memref<1x16x768xf32, #tpu.memory_space<vmem>> -> memref<16x768xf32, #tpu.memory_space<vmem>>
    tpu.wait_dma2 semaphore(%arg13 : memref<!tpu.dma_semaphore, #tpu.memory_space<semaphore_mem>>) src(%dma_wait3A_96 : memref<16x768xf32, #tpu.memory_space<vmem>>) dst(%dma_wait3A_92 : memref<16x768xf32, #tpu.memory_space<hbm>>)
    return
  }
}

module attributes {stable_mosaic.version = 14 : i64} {
  func.func @_tc_body(%arg0: i32, %arg1: i32, %arg2: memref<1x512x768xf32, #tpu.memory_space<vmem>>, %arg3: memref<512x768xf32, #tpu.memory_space<vmem>>, %arg4: memref<1x512x768xf32, #tpu.memory_space<vmem>>) attributes {dimension_semantics = [#tpu.dimension_semantics<arbitrary>, #tpu.dimension_semantics<arbitrary>], iteration_bounds = array<i64: 16, 3>, scalar_prefetch = 0 : i64, scratch_operands = 0 : i64, tpu.core_type = #tpu.core_type<tc>, window_params = [{transform_indices = @transform_0, window_bounds = array<i64: 1, 512, 768>}, {transform_indices = @transform_1, window_bounds = array<i64: 512, 768>}, {transform_indices = @transform_2, window_bounds = array<i64: 1, 512, 768>}]} {
    %get3A = arith.constant 0 : index
    %get3A_0 = arith.constant 0 : index
    %get3A_1 = arith.constant 0 : index
    %get3A_2 = vector.load %arg2[%get3A, %get3A_0, %get3A_1] : memref<1x512x768xf32, #tpu.memory_space<vmem>>, vector<1x512x768xf32>
    %get3A_3 = arith.constant 0 : index
    %get3A_4 = arith.constant 0 : index
    %get3A_5 = vector.load %arg3[%get3A_3, %get3A_4] : memref<512x768xf32, #tpu.memory_space<vmem>>, vector<512x768xf32>
    %broadcast_in_dim3A = vector.shape_cast %get3A_5 : vector<512x768xf32> to vector<1x512x768xf32>
    %add3A = arith.addf %get3A_2, %broadcast_in_dim3A : vector<1x512x768xf32>
    %swap3A = arith.constant 0 : index
    %swap3A_6 = arith.constant 0 : index
    %swap3A_7 = arith.constant 0 : index
    %swap3A_8 = vector.load %arg4[%swap3A, %swap3A_6, %swap3A_7] : memref<1x512x768xf32, #tpu.memory_space<vmem>>, vector<1x512x768xf32>
    tpu.vector_store %arg4[%swap3A, %swap3A_6, %swap3A_7], %add3A {strides = array<i32>} : memref<1x512x768xf32, #tpu.memory_space<vmem>>, vector<1x512x768xf32>,
    return
  }
  func.func @transform_0(%arg0: i32, %arg1: i32) -> (i32, i32, i32) {
    %c0_i32 = arith.constant 0 : i32
    %c0_i32_0 = arith.constant 0 : i32
    return %arg1, %arg0, %c0_i32 : i32, i32, i32
  }
  func.func @transform_1(%arg0: i32, %arg1: i32) -> (i32, i32) {
    %c0_i32 = arith.constant 0 : i32
    %c0_i32_0 = arith.constant 0 : i32
    return %arg0, %c0_i32 : i32, i32
  }
  func.func @transform_2(%arg0: i32, %arg1: i32) -> (i32, i32, i32) {
    %c0_i32 = arith.constant 0 : i32
    %c0_i32_0 = arith.constant 0 : i32
    return %arg1, %arg0, %c0_i32 : i32, i32, i32
  }
}

</mosaic_0001>

<sc_bundles>
// kernel: kernel.4.cloned.1.call-start
scs
__scs_entry_jumppad:
0x0: {  	(pc) =	sbr.rel $0x88, $3  }
0x1: {  	(tag) =	ssettag $0x0;
	lr =	simm.s32 $0x1  }
0x2: {  	[smem:$0x3F9F] =	sst lr;
	_ =	strace $0xD0000000  }
0x3: {  	_ = 	snop  }
0x4: {  	_ = 	snop  }
0x5: {  	_ = 	snop  }
0x6: {  	_ = 	snop  }
0x7: {  	_ = 	snop  }
__scs_overlays_trampoline_lowered:
0x8: {  	[smem:$0x3FAE] =	sst s0  }
0x9: {  	[smem:$0x3FAF] =	sst s1  }
0xa: {  	[smem:$0x3FB0] =	sst s2  }
0xb: {  	[smem:$0x3FB1] =	sst s3  }
0xc: {  	[smem:$0x3FB2] =	sst s4  }
0xd: {  	[smem:$0x3FB3] =	sst s5  }
0xe: {  	[smem:$0x3FB4] =	sst s6  }
0xf: {  	[smem:$0x3FB5] =	sst s7  }
0x10: {  	[smem:$0x3FB6] =	sst s8  }
0x11: {  	[smem:$0x3FB7] =	sst s9;
	s0 =	simm.s32 @!p0 $0x0  }
0x12: {  	s1 =	sld [smem:$0x3F9D];
	s0 =	simm.s32 @p0 $0x1  }
0x13: {  	[smem:$0x3FB8] =	sst s0;
	s0 =	simm.s32 @!p1 $0x0  }
0x14: {  	s2 =	sld [smem:$0x3F9C];
	s0 =	simm.s32 @p1 $0x1  }
0x15: {  	[smem:$0x3FB9] =	sst s0;
	s0 =	simm.s32 @!p2 $0x0  }
0x16: {  	s3 =	sld [smem:$0x3FDB];
	s0 =	simm.s32 @p2 $0x1  }
0x17: {  	s4 =	simm.s32 $0x1BF5;
	[smem:$0x3FBB] =	sst s0  }
0x18: {  	s0 =	sld [smem:$0x3F9E];
	_ =	swait.ge [sflag:s4], $0x0  }
0x19: {  	s7 =	sld [smem:$0x3F9F]  }
0x1a: {  	s8 =	sadd.s32 $0xFFFFE003, lr  }
0x1b: {  	s9 =	sadd.s32 $0xFFFFFEF7, lr;
	s5 =	simm.s32 $0xFFFFFFFF;
	p2 =	slt.u32 s8, $0xFFFFF086  }
0x1c: {  	p1 =	slt.u32 s9, $0xF7A;
	s5 =	simm.s32 @!p2 $0x0  }
0x1d: {  	s5 =	simm.s32 @p1 $0x1;
	p0 =	seq.s32 s7, s2  }
0x1e: {  	s7 =	smul.u32 @!p0 $0xF7A, s2;
	p2 =	seq.s32 @!p0 s5, $0x0  }
0x1f: {  	s9 =	smul.u32 $0xF7A, s1;
	s8 =	simm.s32 @!p0 $0x1BF5;
	p2 =	por !p2, p0  }
0x20: {  	[sflag:s8] =	ssyncset.s32 @!p0 $0xFFFFF086;
	s6 =	sadd.s32 @!p0 s3, s7;
	s7 =	simm.s32 @!p0 $0x108  }
0x21: {  	s3 =	sadd.s32 s3, s9;
	s6 =	sadd.s32 @!p0 $0x88, s6;
	s7 =	simm.s32 @p2 $0x1082  }
0x22: {  	[simem:s7], [sflag:s8] =	dma.local @!p0 [hbm:s6], $0xF7A  }
0x23: {  	s9 =	sor.u32 $0xD0000000, s2;
	s6 =	simm.s32 $0x108;
	_ =	swait.ge @!p0 [sflag:s8], $0x0  }
0x24: {  	s3 =	sadd.s32 $0x88, s3;
	s6 =	simm.s32 @!p1 $0x1082;
	[sflag:s4] =	ssyncset.s32 $0xFFFFF086  }
0x25: {  	[simem:s6], [sflag:s4] =	dma.local [hbm:s3], $0xF7A  }
0x26: {  	[smem:$0x3F9F] =	sst s1;
	(tag) =	ssettag s2;
	_ =	strace s9  }
0x27: {  	s1 =	sld [smem:$0x3FAF]  }
0x28: {  	s2 =	sld [smem:$0x3FB0]  }
0x29: {  	s4 =	sld [smem:$0x3FB2]  }
0x2a: {  	p0 =	seq.s32 s5, $0x0;
	s5 =	sld [smem:$0x3FB3]  }
0x2b: {  	s6 =	sld [smem:$0x3FB4]  }
0x2c: {  	s7 =	sld [smem:$0x3FB5]  }
0x2d: {  	s3 =	simm.s32 $0x108;
	s8 =	sld [smem:$0x3FB6]  }
0x2e: {  	s3 =	simm.s32 @!p0 $0x1082;
	s9 =	sld [smem:$0x3FB7]  }
0x2f: {  	lr =	sadd.s32 s0, s3;
	s0 =	sld [smem:$0x3FAE]  }
0x30: {  	s3 =	sld [smem:$0x3FB1]  }
0x31: {  	[smem:$0x3FBA] =	sst s10  }
0x32: {  	s10 =	sld [smem:$0x3FB8];
	_ =	sdelay $0x3  }
0x33: {  	p0 =	seq.s32 s10, $0x1;
	s10 =	sld [smem:$0x3FBA];
	_ =	sdelay $0x3  }
0x34: {  	[smem:$0x3FBA] =	sst s10  }
0x35: {  	s10 =	sld [smem:$0x3FB9];
	_ =	sdelay $0x3  }
0x36: {  	p1 =	seq.s32 s10, $0x1;
	s10 =	sld [smem:$0x3FBA];
	_ =	sdelay $0x3  }
0x37: {  	[smem:$0x3FBA] =	sst s10  }
0x38: {  	s10 =	sld [smem:$0x3FBB]  }
0x39: {  	_ = 	snop;
	(pc) =	sbr.ind lr, $3  }
0x3a: {  	_ = 	snop  }
0x3b: {  	_ = 	snop  }
0x3c: {  	p2 =	seq.s32 s10, $0x1;
	s10 =	sld [smem:$0x3FBA]  }
0x3d: {  	_ =	shalt  }
0x3e: {  	_ =	shalt  }
0x3f: {  	_ =	shalt  }
0x40: {  	_ =	shalt  }
0x41: {  	_ =	shalt  }
0x42: {  	_ =	shalt  }
0x43: {  	_ =	shalt  }
0x44: {  	_ =	shalt  }
0x45: {  	_ =	shalt  }
0x46: {  	_ =	shalt  }
0x47: {  	_ =	shalt  }
0x48: {  	_ =	shalt  }
0x49: {  	_ =	shalt  }
0x4a: {  	_ =	shalt  }
0x4b: {  	_ =	shalt  }
0x4c: {  	_ =	shalt  }
0x4d: {  	_ =	shalt  }
0x4e: {  	_ =	shalt  }
0x4f: {  	_ =	shalt  }
0x50: {  	_ =	shalt  }
0x51: {  	_ =	shalt  }
0x52: {  	_ =	shalt  }
0x53: {  	_ =	shalt  }
0x54: {  	_ =	shalt  }
0x55: {  	_ =	shalt  }
0x56: {  	_ =	shalt  }
0x57: {  	_ =	shalt  }
0x58: {  	_ =	shalt  }
0x59: {  	_ =	shalt  }
0x5a: {  	_ =	shalt  }
0x5b: {  	_ =	shalt  }
0x5c: {  	_ =	shalt  }
0x5d: {  	_ =	shalt  }
0x5e: {  	_ =	shalt  }
0x5f: {  	_ =	shalt  }
0x60: {  	_ =	shalt  }
0x61: {  	_ =	shalt  }
0x62: {  	_ =	shalt  }
0x63: {  	_ =	shalt  }
0x64: {  	_ =	shalt  }
0x65: {  	_ =	shalt  }
0x66: {  	_ =	shalt  }
0x67: {  	_ =	shalt  }
0x68: {  	_ =	shalt  }
0x69: {  	_ =	shalt  }
0x6a: {  	_ =	shalt  }
0x6b: {  	_ =	shalt  }
0x6c: {  	_ =	shalt  }
0x6d: {  	_ =	shalt  }
0x6e: {  	_ =	shalt  }
0x6f: {  	_ =	shalt  }
0x70: {  	_ =	shalt  }
0x71: {  	_ =	shalt  }
0x72: {  	_ =	shalt  }
0x73: {  	_ =	shalt  }
0x74: {  	_ =	shalt  }
0x75: {  	_ =	shalt  }
0x76: {  	_ =	shalt  }
0x77: {  	_ =	shalt  }
0x78: {  	_ =	shalt  }
0x79: {  	_ =	shalt  }
0x7a: {  	_ =	shalt  }
0x7b: {  	_ =	shalt  }
0x7c: {  	_ =	shalt  }
0x7d: {  	_ =	shalt  }
0x7e: {  	_ =	shalt  }
0x7f: {  	_ =	shalt  }
0x80: {  	_ =	shalt  }
0x81: {  	_ =	shalt  }
0x82: {  	_ =	shalt  }
0x83: {  	_ =	shalt  }
0x84: {  	_ =	shalt  }
0x85: {  	_ =	shalt  }
0x86: {  	_ =	shalt  }
0x87: {  	_ =	shalt  }
.Lfunc_end0:
.L_simem_size_0:
called_computation_lowered:
.L_overlay_start_0:
0x88: {  	s2 =	sld [smem:$0x3FD9]  }
0x89: {  	s3 =	sld [smem:$0x3FFE];
	_ =	sdelay $0x1  }
0x8a: {  	s1 =	srdreg.scid  }
0x8b: {  	s0 =	sand.u32 $0x1, s1  }
0x8c: {  	s17 =	sshll.u32 s0, $0xA;
	s2 =	sadd.s32 s3, s2  }
0x8d: {  	s2 =	sadd.s32 s2, s17  }
0x8e: {  	[smem:$0x3FC6] =	sst s2  }
0x8f: {  	_ = 	snop  }
0x90: {  	s2 =	sld [smem:$0x3FC9]  }
0x91: {  	s18 =	sld [smem:$0x3FC8];
	(tm) =	ssettm $0x1  }
0x92: {  	s4 =	sld [smem:$0x3FFB];
	_ =	sdelay $0x3  }
0x93: {  	_ =	strace s4  }
0x94: {  	s4 =	sld [smem:$0x3FFC];
	_ =	sdelay $0x3  }
0x95: {  	_ =	strace s4  }
0x96: {  	s4 =	sld [smem:$0x3FFD];
	_ =	sdelay $0x3  }
0x97: {  	_ =	strace s4  }
0x98: {  	_ =	strace $0x8FFFFFFF  }
0x99: {  	s19 =	sld [smem:$0x3FDB];
	_ =	sdelay $0x1  }
0x9a: {  	s5 =	simm.s32 $_scs_section_size  }
0x9b: {  	s6 =	simm.s32 $_size__tile_overlayer_lowered;
	s7 =	simm.s32 $_tile_overlayer_lowered  }
0x9c: {  	s22 =	simm.s32 $0x1BFF;
	s21 =	sshll.u32 s7, $0x1;
	s4 =	sadd.s32 s5, s19  }
0x9d: {  	s8 =	simm.s32 $0x0;
	s20 =	sshll.u32 s6, $0x1;
	s6 =	sadd.s32 s21, s4  }
0x9e: {  	[timem:s8], [sflag:s22] =	dma.local [hbm:s6], s20  }
0x9f: {  	_ =	swait.ge [sflag:s22], s20  }
0xa0: {  	s5 =	ssub.s32 $0x0, s20;
	[sflag:s22] =	ssyncset.done $0x0  }
0xa1: {  	[sflag:s22] =	ssyncadd.s32 s5;
	_ =	sdelay $0x1  }
0xa2: {  	s23 =	simm.s32 $0x1B8B  }
0xa3: {  	_ =	swait.ge [sflag:s23], $0x1  }
0xa4: {  	[sflag:s23] =	ssyncset.done $0x0  }
0xa5: {  	s25 =	simm.s32 $0x1B8E;
	s24 =	sld [smem:$0x3FFE];
	[sflag:s23] =	ssyncadd.s32 $0xFFFFFFFF  }
0xa6: {  	s26 =	simm.s32 $execute0_lowered;
	[smem:$0x3FD2] =	sst s25  }
0xa7: {  	s6 =	sshll.u32 s26, $0x1;
	_ =	strace $0x80000046;
	[dreg:$0x1] =	wrdreg $0xFFFFFFFF  }
0xa8: {  	s28 =	simm.s32 $_size_execute0_lowered;
	s4 =	sadd.s32 s4, s6;
	[dreg:$0x0] =	wrdreg $0x0  }
0xa9: {  	s6 =	sshll.u32 s28, $0x1;
	[dreg:$0x2] =	wrdreg s4  }
0xaa: {  	[dreg:$0x3] =	wrdreg s6  }
0xab: {  	[dreg:$0x4] =	wrdreg $0xC0  }
0xac: {  	_ =	task [dreg:s8], $0x5FFFF  }
0xad: {  	[dreg:$0x1] =	wrdreg $0xFFFFFFFF  }
0xae: {  	[dreg:$0x0] =	wrdreg $0x60  }
0xaf: {  	[dreg:$0x2] =	wrdreg s2  }
0xb0: {  	[dreg:$0x3] =	wrdreg s18  }
0xb1: {  	[dreg:$0x4] =	wrdreg s24  }
0xb2: {  	[dreg:$0x5] =	wrdreg $0x9  }
0xb3: {  	_ =	task.clear_ibuf [dreg:s8], $0x6FFFF;
	_ =	strace $0x90000046  }
0xb4: {  	s29 =	simm.s32 $0x9;
	_ =	strace $0x80000048  }
0xb5: {  	_ =	swait.ge [sflag:s29], $0x1  }
0xb6: {  	[sflag:s29] =	ssyncadd.s32 $0xFFFFFFFF  }
0xb7: {  	_ =	strace $0x90000048  }
0xb8: {  	_ =	sfence  }
0xb9: {  	s30 =	sld [smem:$0x0];
	_ =	sdelay $0x2  }
0xba: {  	s31 =	sshll.u32 s1, $0xD;
	s1 =	sshrl.u32 s1, $0x2  }
0xbb: {  	s3 =	sand.u32 $0x4000, s31;
	s1 =	sadd.s32 s1, s30  }
0xbc: {  	s0 =	sor.u32 s3, s0;
	s1 =	sshll.u32 s1, $0x11  }
0xbd: {  	s0 =	sor.u32 s1, s0  }
0xbe: {  	s0 =	sadd.s32 $0x8F2B, s0  }
0xbf: {  	[sflag:s0] =	ssyncadd.remote.s32 $0x1  }
0xc0: {  	_ =	sfence.sel $0xFFFF  }
0xc1: {  	[dreg:$0x0] =	wrdreg $0xFFFFFFFF;
	(pc) =	sbr.abs _section_cstart, $3  }
0xc2: {  	[dreg:$0x1] =	wrdreg $0xFFFFFFFF  }
0xc3: {  	_ =	task.clear_ibuf [dreg:s8], $0x2FFFF;
	_ =	strace $0x9FFFFFFF  }
0xc4: {  	(tm) =	ssettm $0x7FFFFFFF  }
0xc5: {  	_ =	shalt  }
tec
execute0_lowered:
.L_overlay_start_1:
0x0: {  	(tag) =	ssettag $0x1  }
0x1: {  	s0 =	srdreg.scid;
	s1 =	rddreg [dreg:$0x0]  }
0x2: {  	s2 =	stileid.u32;
	s3 =	rddreg [dreg:$0x1]  }
0x3: {  	s7 =	rddreg [dreg:$0x2];
	s5 =	simm.s32 $0x0;
	s16 =	simm.s32 $0x3000  }
0x4: {  	s17 =	simm.s32 $0x9000;
	s18 =	simm.s32 $0x1;
	s19 =	simm.s32 $0x3  }
0x5: {  	s20 =	simm.s32 $0xC000;
	s21 =	simm.s32 $0x2;
	s0 =	sand.u32 $0x1, s0  }
0x6: {  	s2 =	sshll.u32 s2, $0x9;
	s4 =	sshll.u32 s0, $0x8;
	s0 =	ssub.s32 $0x2, s0  }
0x7: {  	s22 =	simm.s32 $0x4;
	s4 =	sor.u32 s4, s2;
	s8 =	sshrl.u32 s0, $0x1  }
0x8: {  	s23 =	simm.s32 $0xF000;
	s2 =	sshrl.u32 s4, $0x3;
	s0 =	ssub.s32 s0, s8  }
0x9: {  	[smem:$0x7FF] =	sst s5;
	s2 =	smul.u32 $0x300, s2;
	s0 =	smax.u32 s0, $0x1  }
0xa: {  	s25 =	simm.s32 $0x6;
	_ =	strace $0x80000047;
	[dreg:$0x8] =	wrdreg s0  }
.Ltmp0:
0xb: {  	s9 =	sadd.s32 s2, s1;
	s2 =	sadd.s32 s3, s2;
	(pc) =	sbr.rel .LBB2_1-.Ltmp0, $4  }
0xc: {  	s26 =	simm.s32 $0x0;
	s30 =	sadd.s32 $0x240000, s9;
	[dreg:$0x5] =	wrdreg s2  }
0xd: {  	s6 =	sadd.s32 $0x400, s7;
	s31 =	sadd.s32 $0x240600, s9;
	[dreg:$0x4] =	wrdreg s30  }
0xe: {  	s14 =	sadd.s32 $0xA00, s7;
	s2 =	sadd.s32 $0x600, s2;
	[dreg:$0x6] =	wrdreg s31  }
0xf: {  	s11 =	sor.u32 $0x20, s4;
	s12 =	sor.u32 $0x30, s4;
	[dreg:$0x7] =	wrdreg s2  }
.LBB2_8:
0x10: {  	s0 =	simm.s32 $0x5  }
0x11: {  	_ =	swait.ge [sflag:s0], $0x3000  }
0x12: {  	[sflag:s0] =	ssyncset.done $0x0  }
0x13: {  	[sflag:s0] =	ssyncadd.s32 $0xFFFFD000  }
0x14: {  	_ =	swait.ge [sflag:s25], $0x3000  }
0x15: {  	s26 =	sadd.s32 $0x1, s26;
	s31 =	rddreg [dreg:$0x8]  }
0x16: {  	p0 =	sne.s32 s26, s31  }
.Ltmp1:
0x17: {  	_ = 	snop;
	(pc) =	sbr.rel @!p0 .LBB2_9-.Ltmp1, $3  }
0x18: {  	_ =	sdelay $0x1  }
0x19: {  	[sflag:s25] =	ssyncset.done $0x0  }
0x1a: {  	[sflag:s25] =	ssyncadd.s32 $0xFFFFD000  }
.LBB2_1:
0x1b: {  	s0 =	rddreg [dreg:$0x4]  }
0x1c: {  	[tilespmem:s5], [sflag:$0x1] =	stream.linear.gather [hbm4b:s0+s5], $0x3000, $0x38;
	[tilespmem:$0x12000] =	vst v63  }
0x1d: {  	s29 =	rddreg [dreg:$0x5];
	s2 =	simm.s32 $0x6000  }
0x1e: {  	[tilespmem:s2], [sflag:$0x3] =	stream.linear.gather [hbm4b:s29+s5], $0x3000, $0x38;
	[tilespmem:$0x12000] =	vst v63  }
0x1f: {  	s30 =	rddreg [dreg:$0x6]  }
0x20: {  	[tilespmem:s16], [sflag:$0x2] =	stream.linear.gather [hbm4b:s30+s5], $0x3000, $0x38;
	[tilespmem:$0x12000] =	vst v63  }
0x21: {  	s31 =	rddreg [dreg:$0x7];
	s28 =	simm.s32 $0x0  }
0x22: {  	[tilespmem:s17], [sflag:$0x4] =	stream.linear.gather [hbm4b:s31+s5], $0x3000, $0x38;
	[tilespmem:$0x12000] =	vst v63  }
.LBB2_2:
0x23: {  	_ =	swait.ge [sflag:s18], $0x3000  }
0x24: {  	[sflag:s18] =	ssyncset.done $0x0  }
0x25: {  	[sflag:s18] =	ssyncadd.s32 $0xFFFFD000  }
0x26: {  	_ =	swait.ge [sflag:s19], $0x3000  }
0x27: {  	p1 =	seq.s32 s28, $0x0;
	[sflag:s19] =	ssyncset.done $0x0  }
0x28: {  	s2 =	simm.s32 $0x0;
	s0 =	simm.s32 @!p1 $0x5;
	[sflag:s19] =	ssyncadd.s32 $0xFFFFD000  }
0x29: {  	s7 =	simm.s32 $0x0;
	s2 =	smul.u32 $0x1800, s2;
	_ =	swait.ge @!p1 [sflag:s0], $0x3000  }
0x2a: {  	s7 =	sand.u32 $0x380, s7;
	[sflag:s0] =	ssyncset.done @!p1 $0x0  }
0x2b: {  	s30 =	sor.u32 s7, s2;
	[sflag:s0] =	ssyncadd.s32 @!p1 $0xFFFFD000  }
0x2c: {  	v0 =	vld [tilespmem:s30+$0x1470]  }
0x2d: {  	v1 =	vld [tilespmem:s30+$0x7470]  }
0x2e: {  	v2 =	vld [tilespmem:s30+$0x0]  }
0x2f: {  	v3 =	vld [tilespmem:s30+$0x6000]  }
0x30: {  	v4 =	vld [tilespmem:s30+$0x10]  }
0x31: {  	v5 =	vld [tilespmem:s30+$0x6010]  }
0x32: {  	v6 =	vld [tilespmem:s30+$0x20]  }
0x33: {  	v7 =	vld [tilespmem:s30+$0x30]  }
0x34: {  	v8 =	vld [tilespmem:s30+$0x7420];
	v0 =	vadd.f32 v1, v0  }
0x35: {  	v1 =	vld [tilespmem:s30+$0x6020]  }
0x36: {  	v2 =	vadd.f32 v3, v2;
	[tilespmem:s30+$0xD470] =	vst v0;
	v0 =	vld [tilespmem:s30+$0x6030]  }
0x37: {  	v3 =	vld [tilespmem:s30+$0x40]  }
0x38: {  	[tilespmem:s30+$0xC000] =	vst v2;
	v2 =	vadd.f32 v5, v4;
	v4 =	vld [tilespmem:s30+$0x6040]  }
0x39: {  	v5 =	vld [tilespmem:s30+$0x6050]  }
0x3a: {  	[tilespmem:s30+$0xC010] =	vst v2;
	v2 =	vld [tilespmem:s30+$0x50];
	v1 =	vadd.f32 v1, v6  }
0x3b: {  	v6 =	vld [tilespmem:s30+$0x6060];
	v0 =	vadd.f32 v0, v7  }
0x3c: {  	[tilespmem:s30+$0xC020] =	vst v1;
	v1 =	vld [tilespmem:s30+$0x60]  }
0x3d: {  	[tilespmem:s30+$0xC030] =	vst v0;
	v0 =	vadd.f32 v4, v3;
	v3 =	vld [tilespmem:s30+$0x70]  }
0x3e: {  	v4 =	vld [tilespmem:s30+$0x6070]  }
0x3f: {  	[tilespmem:s30+$0xC040] =	vst v0;
	v0 =	vadd.f32 v5, v2;
	v2 =	vld [tilespmem:s30+$0x400]  }
0x40: {  	v5 =	vld [tilespmem:s30+$0x6400]  }
0x41: {  	[tilespmem:s30+$0xC050] =	vst v0;
	v0 =	vadd.f32 v6, v1;
	v1 =	vld [tilespmem:s30+$0x410]  }
0x42: {  	v6 =	vld [tilespmem:s30+$0x6410]  }
0x43: {  	[tilespmem:s30+$0xC060] =	vst v0;
	v0 =	vadd.f32 v4, v3;
	v3 =	vld [tilespmem:s30+$0x420]  }
0x44: {  	v4 =	vld [tilespmem:s30+$0x6420]  }
0x45: {  	[tilespmem:s30+$0xC070] =	vst v0;
	v0 =	vadd.f32 v5, v2;
	v2 =	vld [tilespmem:s30+$0x430]  }
0x46: {  	v5 =	vld [tilespmem:s30+$0x6430]  }
0x47: {  	[tilespmem:s30+$0xC400] =	vst v0;
	v0 =	vadd.f32 v6, v1;
	v1 =	vld [tilespmem:s30+$0x440]  }
0x48: {  	v6 =	vld [tilespmem:s30+$0x6440]  }
0x49: {  	[tilespmem:s30+$0xC410] =	vst v0;
	v0 =	vadd.f32 v4, v3;
	v3 =	vld [tilespmem:s30+$0x450]  }
0x4a: {  	v4 =	vld [tilespmem:s30+$0x6450]  }
0x4b: {  	[tilespmem:s30+$0xC420] =	vst v0;
	v0 =	vadd.f32 v5, v2;
	v2 =	vld [tilespmem:s30+$0x460]  }
0x4c: {  	v5 =	vld [tilespmem:s30+$0x6460]  }
0x4d: {  	[tilespmem:s30+$0xC430] =	vst v0;
	v0 =	vadd.f32 v6, v1;
	v1 =	vld [tilespmem:s30+$0x470]  }
0x4e: {  	v6 =	vld [tilespmem:s30+$0x6470]  }
0x4f: {  	[tilespmem:s30+$0xC440] =	vst v0;
	v0 =	vadd.f32 v4, v3;
	v3 =	vld [tilespmem:s30+$0x800]  }
0x50: {  	v4 =	vld [tilespmem:s30+$0x6800]  }
0x51: {  	[tilespmem:s30+$0xC450] =	vst v0;
	v0 =	vadd.f32 v5, v2;
	v2 =	vld [tilespmem:s30+$0x810]  }
0x52: {  	v5 =	vld [tilespmem:s30+$0x6810]  }
0x53: {  	[tilespmem:s30+$0xC460] =	vst v0;
	v0 =	vadd.f32 v6, v1;
	v1 =	vld [tilespmem:s30+$0x820]  }
0x54: {  	v6 =	vld [tilespmem:s30+$0x6820]  }
0x55: {  	[tilespmem:s30+$0xC470] =	vst v0;
	v0 =	vadd.f32 v4, v3;
	v3 =	vld [tilespmem:s30+$0x830]  }
0x56: {  	v4 =	vld [tilespmem:s30+$0x6830]  }
0x57: {  	[tilespmem:s30+$0xC800] =	vst v0;
	v0 =	vadd.f32 v5, v2;
	v2 =	vld [tilespmem:s30+$0x840]  }
0x58: {  	v5 =	vld [tilespmem:s30+$0x6840]  }
0x59: {  	[tilespmem:s30+$0xC810] =	vst v0;
	v0 =	vadd.f32 v6, v1;
	v1 =	vld [tilespmem:s30+$0x850]  }
0x5a: {  	v6 =	vld [tilespmem:s30+$0x6850]  }
0x5b: {  	[tilespmem:s30+$0xC820] =	vst v0;
	v0 =	vadd.f32 v4, v3;
	v3 =	vld [tilespmem:s30+$0x860]  }
0x5c: {  	v4 =	vld [tilespmem:s30+$0x6860]  }
0x5d: {  	[tilespmem:s30+$0xC830] =	vst v0;
	v0 =	vadd.f32 v5, v2;
	v2 =	vld [tilespmem:s30+$0x870]  }
0x5e: {  	v5 =	vld [tilespmem:s30+$0x6870]  }
0x5f: {  	[tilespmem:s30+$0xC840] =	vst v0;
	v0 =	vadd.f32 v6, v1;
	v1 =	vld [tilespmem:s30+$0xC00]  }
0x60: {  	v6 =	vld [tilespmem:s30+$0x6C00]  }
0x61: {  	[tilespmem:s30+$0xC850] =	vst v0;
	v0 =	vadd.f32 v4, v3;
	v3 =	vld [tilespmem:s30+$0xC10]  }
0x62: {  	v4 =	vld [tilespmem:s30+$0x6C10]  }
0x63: {  	[tilespmem:s30+$0xC860] =	vst v0;
	v0 =	vadd.f32 v5, v2;
	v2 =	vld [tilespmem:s30+$0xC20]  }
0x64: {  	v5 =	vld [tilespmem:s30+$0x6C20]  }
0x65: {  	[tilespmem:s30+$0xC870] =	vst v0;
	v0 =	vadd.f32 v6, v1;
	v1 =	vld [tilespmem:s30+$0xC30]  }
0x66: {  	v6 =	vld [tilespmem:s30+$0x6C30]  }
0x67: {  	[tilespmem:s30+$0xCC00] =	vst v0;
	v0 =	vadd.f32 v4, v3;
	v3 =	vld [tilespmem:s30+$0xC40]  }
0x68: {  	v4 =	vld [tilespmem:s30+$0x6C40]  }
0x69: {  	[tilespmem:s30+$0xCC10] =	vst v0;
	v0 =	vadd.f32 v5, v2;
	v2 =	vld [tilespmem:s30+$0xC50]  }
0x6a: {  	v5 =	vld [tilespmem:s30+$0x6C50]  }
0x6b: {  	[tilespmem:s30+$0xCC20] =	vst v0;
	v0 =	vadd.f32 v6, v1;
	v1 =	vld [tilespmem:s30+$0xC60]  }
0x6c: {  	v6 =	vld [tilespmem:s30+$0x6C60]  }
0x6d: {  	[tilespmem:s30+$0xCC30] =	vst v0;
	v0 =	vadd.f32 v4, v3;
	v3 =	vld [tilespmem:s30+$0xC70]  }
0x6e: {  	v4 =	vld [tilespmem:s30+$0x6C70]  }
0x6f: {  	[tilespmem:s30+$0xCC40] =	vst v0;
	v0 =	vadd.f32 v5, v2;
	v2 =	vld [tilespmem:s30+$0x1000]  }
0x70: {  	v5 =	vld [tilespmem:s30+$0x7000]  }
0x71: {  	[tilespmem:s30+$0xCC50] =	vst v0;
	v0 =	vadd.f32 v6, v1;
	v1 =	vld [tilespmem:s30+$0x1010]  }
0x72: {  	v6 =	vld [tilespmem:s30+$0x7010]  }
0x73: {  	[tilespmem:s30+$0xCC60] =	vst v0;
	v0 =	vadd.f32 v4, v3;
	v3 =	vld [tilespmem:s30+$0x1020]  }
0x74: {  	v4 =	vld [tilespmem:s30+$0x7020]  }
0x75: {  	[tilespmem:s30+$0xCC70] =	vst v0;
	v0 =	vadd.f32 v5, v2;
	v2 =	vld [tilespmem:s30+$0x1030]  }
0x76: {  	v5 =	vld [tilespmem:s30+$0x7030]  }
0x77: {  	[tilespmem:s30+$0xD000] =	vst v0;
	v0 =	vadd.f32 v6, v1;
	v1 =	vld [tilespmem:s30+$0x1040]  }
0x78: {  	v6 =	vld [tilespmem:s30+$0x7040]  }
0x79: {  	[tilespmem:s30+$0xD010] =	vst v0;
	v0 =	vadd.f32 v4, v3;
	v3 =	vld [tilespmem:s30+$0x1050]  }
0x7a: {  	v4 =	vld [tilespmem:s30+$0x7050]  }
0x7b: {  	[tilespmem:s30+$0xD020] =	vst v0;
	v0 =	vadd.f32 v5, v2;
	v2 =	vld [tilespmem:s30+$0x1060]  }
0x7c: {  	v5 =	vld [tilespmem:s30+$0x7060]  }
0x7d: {  	[tilespmem:s30+$0xD030] =	vst v0;
	v0 =	vadd.f32 v6, v1;
	v1 =	vld [tilespmem:s30+$0x1070]  }
0x7e: {  	v6 =	vld [tilespmem:s30+$0x7070]  }
0x7f: {  	[tilespmem:s30+$0xD040] =	vst v0;
	v0 =	vadd.f32 v4, v3;
	v3 =	vld [tilespmem:s30+$0x1400]  }
0x80: {  	v4 =	vld [tilespmem:s30+$0x7400]  }
0x81: {  	v7 =	vld [tilespmem:s30+$0x7410];
	[tilespmem:s30+$0xD050] =	vst v0;
	v0 =	vadd.f32 v5, v2  }
0x82: {  	v5 =	vld [tilespmem:s30+$0x1410]  }
0x83: {  	[tilespmem:s30+$0xD060] =	vst v0;
	v0 =	vadd.f32 v6, v1;
	v6 =	vld [tilespmem:s30+$0x1420]  }
0x84: {  	v2 =	vld [tilespmem:s30+$0x7430]  }
0x85: {  	v1 =	vadd.f32 v4, v3;
	[tilespmem:s30+$0xD070] =	vst v0;
	v0 =	vld [tilespmem:s30+$0x1430]  }
0x86: {  	v3 =	vld [tilespmem:s30+$0x7440]  }
0x87: {  	s31 =	simm.s32 $0x0;
	[tilespmem:s30+$0xD400] =	vst v1;
	v4 =	vadd.f32 v7, v5;
	v1 =	vld [tilespmem:s30+$0x1440]  }
0x88: {  	s29 =	sshll.u32 s28, $0x5;
	s9 =	smul.u32 $0x1800, s31;
	v5 =	vld [tilespmem:s30+$0x7450];
	v6 =	vadd.f32 v8, v6  }
0x89: {  	s2 =	sor.u32 s4, s29;
	s7 =	simm.s32 $0x2;
	s0 =	simm.s32 $0x80;
	[tilespmem:s30+$0xD410] =	vst v4;
	v4 =	vld [tilespmem:s30+$0x1450]  }
.LBB2_3:
0x8a: {  	p0 =	sne.s32 s7, $0xF;
	s10 =	sand.u32 $0x380, s0;
	[tilespmem:s30+$0xD420] =	vst v6;
	v0 =	vadd.f32 v2, v0;
	v2 =	vld [tilespmem:s30+$0x1460]  }
0x8b: {  	s9 =	sor.u32 s10, s9;
	v6 =	vld [tilespmem:s30+$0x7460]  }
0x8c: {  	v7 =	vld [tilespmem:s9+$0x1470];
	[tilespmem:s30+$0xD430] =	vst v0;
	v0 =	vadd.f32 v3, v1  }
0x8d: {  	v1 =	vld [tilespmem:s9+$0x7470]  }
0x8e: {  	v3 =	vld [tilespmem:s9+$0x0];
	[tilespmem:s30+$0xD440] =	vst v0;
	v0 =	vadd.f32 v5, v4  }
0x8f: {  	v4 =	vld [tilespmem:s9+$0x6000]  }
0x90: {  	v5 =	vld [tilespmem:s9+$0x10];
	[tilespmem:s30+$0xD450] =	vst v0;
	v0 =	vadd.f32 v6, v2  }
0x91: {  	v2 =	vld [tilespmem:s9+$0x6010]  }
0x92: {  	v6 =	vld [tilespmem:s9+$0x20];
	v1 =	vadd.f32 v1, v7;
	[tilespmem:s30+$0xD460] =	vst v0;
	s30 =	smov.u32 s9  }
0x93: {  	v0 =	vld [tilespmem:s30+$0x6020]  }
0x94: {  	v3 =	vadd.f32 v4, v3;
	v4 =	vld [tilespmem:s30+$0x30];
	[tilespmem:s30+$0xD470] =	vst v1  }
0x95: {  	v1 =	vld [tilespmem:s30+$0x6030]  }
0x96: {  	[tilespmem:s30+$0xC000] =	vst v3;
	v2 =	vadd.f32 v2, v5;
	v3 =	vld [tilespmem:s30+$0x40]  }
0x97: {  	v5 =	vld [tilespmem:s30+$0x6040]  }
0x98: {  	[tilespmem:s30+$0xC010] =	vst v2;
	v0 =	vadd.f32 v0, v6;
	v2 =	vld [tilespmem:s30+$0x50]  }
0x99: {  	v6 =	vld [tilespmem:s30+$0x6050]  }
0x9a: {  	[tilespmem:s30+$0xC020] =	vst v0;
	v0 =	vadd.f32 v1, v4;
	v1 =	vld [tilespmem:s30+$0x60]  }
0x9b: {  	v4 =	vld [tilespmem:s30+$0x6060]  }
0x9c: {  	[tilespmem:s30+$0xC030] =	vst v0;
	v0 =	vadd.f32 v5, v3;
	v3 =	vld [tilespmem:s30+$0x70]  }
0x9d: {  	v5 =	vld [tilespmem:s30+$0x6070]  }
0x9e: {  	[tilespmem:s30+$0xC040] =	vst v0;
	v0 =	vadd.f32 v6, v2;
	v2 =	vld [tilespmem:s30+$0x400]  }
0x9f: {  	v6 =	vld [tilespmem:s30+$0x6400]  }
0xa0: {  	[tilespmem:s30+$0xC050] =	vst v0;
	v0 =	vadd.f32 v4, v1;
	v1 =	vld [tilespmem:s30+$0x410]  }
0xa1: {  	v4 =	vld [tilespmem:s30+$0x6410]  }
0xa2: {  	[tilespmem:s30+$0xC060] =	vst v0;
	v0 =	vadd.f32 v5, v3;
	v3 =	vld [tilespmem:s30+$0x420]  }
0xa3: {  	v5 =	vld [tilespmem:s30+$0x6420]  }
0xa4: {  	[tilespmem:s30+$0xC070] =	vst v0;
	v0 =	vadd.f32 v6, v2;
	v2 =	vld [tilespmem:s30+$0x430]  }
0xa5: {  	v6 =	vld [tilespmem:s30+$0x6430]  }
0xa6: {  	[tilespmem:s30+$0xC400] =	vst v0;
	v0 =	vadd.f32 v4, v1;
	v1 =	vld [tilespmem:s30+$0x440]  }
0xa7: {  	v4 =	vld [tilespmem:s30+$0x6440]  }
0xa8: {  	[tilespmem:s30+$0xC410] =	vst v0;
	v0 =	vadd.f32 v5, v3;
	v3 =	vld [tilespmem:s30+$0x450]  }
0xa9: {  	v5 =	vld [tilespmem:s30+$0x6450]  }
0xaa: {  	[tilespmem:s30+$0xC420] =	vst v0;
	v0 =	vadd.f32 v6, v2;
	v2 =	vld [tilespmem:s30+$0x460]  }
0xab: {  	v6 =	vld [tilespmem:s30+$0x6460]  }
0xac: {  	[tilespmem:s30+$0xC430] =	vst v0;
	v0 =	vadd.f32 v4, v1;
	v1 =	vld [tilespmem:s30+$0x470]  }
0xad: {  	v4 =	vld [tilespmem:s30+$0x6470]  }
0xae: {  	[tilespmem:s30+$0xC440] =	vst v0;
	v0 =	vadd.f32 v5, v3;
	v3 =	vld [tilespmem:s30+$0x800]  }
0xaf: {  	v5 =	vld [tilespmem:s30+$0x6800]  }
0xb0: {  	[tilespmem:s30+$0xC450] =	vst v0;
	v0 =	vadd.f32 v6, v2;
	v2 =	vld [tilespmem:s30+$0x810]  }
0xb1: {  	v6 =	vld [tilespmem:s30+$0x6810]  }
0xb2: {  	[tilespmem:s30+$0xC460] =	vst v0;
	v0 =	vadd.f32 v4, v1;
	v1 =	vld [tilespmem:s30+$0x820]  }
0xb3: {  	v4 =	vld [tilespmem:s30+$0x6820]  }
0xb4: {  	[tilespmem:s30+$0xC470] =	vst v0;
	v0 =	vadd.f32 v5, v3;
	v3 =	vld [tilespmem:s30+$0x830]  }
0xb5: {  	v5 =	vld [tilespmem:s30+$0x6830]  }
0xb6: {  	[tilespmem:s30+$0xC800] =	vst v0;
	v0 =	vadd.f32 v6, v2;
	v2 =	vld [tilespmem:s30+$0x840]  }
0xb7: {  	v6 =	vld [tilespmem:s30+$0x6840]  }
0xb8: {  	[tilespmem:s30+$0xC810] =	vst v0;
	v0 =	vadd.f32 v4, v1;
	v1 =	vld [tilespmem:s30+$0x850]  }
0xb9: {  	v4 =	vld [tilespmem:s30+$0x6850]  }
0xba: {  	[tilespmem:s30+$0xC820] =	vst v0;
	v0 =	vadd.f32 v5, v3;
	v3 =	vld [tilespmem:s30+$0x860]  }
0xbb: {  	v5 =	vld [tilespmem:s30+$0x6860]  }
0xbc: {  	[tilespmem:s30+$0xC830] =	vst v0;
	v0 =	vadd.f32 v6, v2;
	v2 =	vld [tilespmem:s30+$0x870]  }
0xbd: {  	v6 =	vld [tilespmem:s30+$0x6870]  }
0xbe: {  	[tilespmem:s30+$0xC840] =	vst v0;
	v0 =	vadd.f32 v4, v1;
	v1 =	vld [tilespmem:s30+$0xC00]  }
0xbf: {  	v4 =	vld [tilespmem:s30+$0x6C00]  }
0xc0: {  	[tilespmem:s30+$0xC850] =	vst v0;
	v0 =	vadd.f32 v5, v3;
	v3 =	vld [tilespmem:s30+$0xC10]  }
0xc1: {  	v5 =	vld [tilespmem:s30+$0x6C10]  }
0xc2: {  	[tilespmem:s30+$0xC860] =	vst v0;
	v0 =	vadd.f32 v6, v2;
	v2 =	vld [tilespmem:s30+$0xC20]  }
0xc3: {  	v6 =	vld [tilespmem:s30+$0x6C20]  }
0xc4: {  	[tilespmem:s30+$0xC870] =	vst v0;
	v0 =	vadd.f32 v4, v1;
	v1 =	vld [tilespmem:s30+$0xC30]  }
0xc5: {  	v4 =	vld [tilespmem:s30+$0x6C30]  }
0xc6: {  	[tilespmem:s30+$0xCC00] =	vst v0;
	v0 =	vadd.f32 v5, v3;
	v3 =	vld [tilespmem:s30+$0xC40]  }
0xc7: {  	v5 =	vld [tilespmem:s30+$0x6C40]  }
0xc8: {  	[tilespmem:s30+$0xCC10] =	vst v0;
	v0 =	vadd.f32 v6, v2;
	v2 =	vld [tilespmem:s30+$0xC50]  }
0xc9: {  	v6 =	vld [tilespmem:s30+$0x6C50]  }
0xca: {  	[tilespmem:s30+$0xCC20] =	vst v0;
	v0 =	vadd.f32 v4, v1;
	v1 =	vld [tilespmem:s30+$0xC60]  }
0xcb: {  	v4 =	vld [tilespmem:s30+$0x6C60]  }
0xcc: {  	[tilespmem:s30+$0xCC30] =	vst v0;
	v0 =	vadd.f32 v5, v3;
	v3 =	vld [tilespmem:s30+$0xC70]  }
0xcd: {  	v5 =	vld [tilespmem:s30+$0x6C70]  }
0xce: {  	[tilespmem:s30+$0xCC40] =	vst v0;
	v0 =	vadd.f32 v6, v2;
	v2 =	vld [tilespmem:s30+$0x1000]  }
0xcf: {  	v6 =	vld [tilespmem:s30+$0x7000]  }
0xd0: {  	[tilespmem:s30+$0xCC50] =	vst v0;
	v0 =	vadd.f32 v4, v1;
	v1 =	vld [tilespmem:s30+$0x1010]  }
0xd1: {  	v4 =	vld [tilespmem:s30+$0x7010]  }
0xd2: {  	[tilespmem:s30+$0xCC60] =	vst v0;
	v0 =	vadd.f32 v5, v3;
	v3 =	vld [tilespmem:s30+$0x1020]  }
0xd3: {  	v5 =	vld [tilespmem:s30+$0x7020]  }
0xd4: {  	[tilespmem:s30+$0xCC70] =	vst v0;
	v0 =	vadd.f32 v6, v2;
	v2 =	vld [tilespmem:s30+$0x1030]  }
0xd5: {  	v6 =	vld [tilespmem:s30+$0x7030]  }
0xd6: {  	[tilespmem:s30+$0xD000] =	vst v0;
	v0 =	vadd.f32 v4, v1;
	v1 =	vld [tilespmem:s30+$0x1040]  }
0xd7: {  	v4 =	vld [tilespmem:s30+$0x7040]  }
0xd8: {  	[tilespmem:s30+$0xD010] =	vst v0;
	v0 =	vadd.f32 v5, v3;
	v3 =	vld [tilespmem:s30+$0x1050]  }
0xd9: {  	v5 =	vld [tilespmem:s30+$0x7050]  }
0xda: {  	[tilespmem:s30+$0xD020] =	vst v0;
	v0 =	vadd.f32 v6, v2;
	v2 =	vld [tilespmem:s30+$0x1060]  }
0xdb: {  	v6 =	vld [tilespmem:s30+$0x7060]  }
0xdc: {  	[tilespmem:s30+$0xD030] =	vst v0;
	v0 =	vadd.f32 v4, v1;
	v1 =	vld [tilespmem:s30+$0x1070]  }
0xdd: {  	v4 =	vld [tilespmem:s30+$0x7070]  }
0xde: {  	[tilespmem:s30+$0xD040] =	vst v0;
	v0 =	vadd.f32 v5, v3;
	v3 =	vld [tilespmem:s30+$0x1400]  }
0xdf: {  	v5 =	vld [tilespmem:s30+$0x7400]  }
0xe0: {  	[tilespmem:s30+$0xD050] =	vst v0;
	v0 =	vadd.f32 v6, v2;
	v6 =	vld [tilespmem:s30+$0x1410]  }
0xe1: {  	v7 =	vld [tilespmem:s30+$0x7410]  }
0xe2: {  	[tilespmem:s30+$0xD060] =	vst v0;
	v0 =	vadd.f32 v4, v1;
	v4 =	vld [tilespmem:s30+$0x1420]  }
0xe3: {  	v8 =	vld [tilespmem:s30+$0x7420]  }
0xe4: {  	[tilespmem:s30+$0xD070] =	vst v0;
	v1 =	vadd.f32 v5, v3;
	v0 =	vld [tilespmem:s30+$0x1430]  }
.Ltmp2:
0xe5: {  	v2 =	vld [tilespmem:s30+$0x7430];
	(pc) =	sbr.rel @p0 .LBB2_3-.Ltmp2, $4  }
0xe6: {  	[tilespmem:s30+$0xD400] =	vst v1;
	v5 =	vadd.f32 v7, v6;
	v1 =	vld [tilespmem:s30+$0x1440]  }
0xe7: {  	v3 =	vld [tilespmem:s30+$0x7440]  }
0xe8: {  	s9 =	sshrl.u32 s7, $0x3;
	[tilespmem:s30+$0xD410] =	vst v5;
	v6 =	vadd.f32 v8, v4;
	v4 =	vld [tilespmem:s30+$0x1450]  }
0xe9: {  	s0 =	sadd.s32 $0x80, s0;
	s7 =	sadd.s32 $0x1, s7;
	s9 =	smul.u32 $0x1800, s9;
	v5 =	vld [tilespmem:s30+$0x7450]  }
0xea: {  	[tilespmem:s30+$0xD420] =	vst v6;
	s0 =	sand.u32 $0x380, s0;
	v6 =	vld [tilespmem:s30+$0x1460]  }
0xeb: {  	v7 =	vld [tilespmem:s30+$0x7460];
	s0 =	sor.u32 s0, s9  }
0xec: {  	v8 =	vld [tilespmem:s0+$0x1470]  }
0xed: {  	v9 =	vld [tilespmem:s0+$0x7470]  }
0xee: {  	v10 =	vld [tilespmem:s0+$0x0]  }
0xef: {  	v11 =	vld [tilespmem:s0+$0x6000]  }
0xf0: {  	v12 =	vld [tilespmem:s0+$0x10]  }
0xf1: {  	v13 =	vld [tilespmem:s0+$0x6010]  }
0xf2: {  	v14 =	vld [tilespmem:s0+$0x20]  }
0xf3: {  	v15 =	vld [tilespmem:s0+$0x6020]  }
0xf4: {  	v16 =	vld [tilespmem:s0+$0x30]  }
0xf5: {  	v17 =	vld [tilespmem:s0+$0x6030]  }
0xf6: {  	v18 =	vld [tilespmem:s0+$0x40]  }
0xf7: {  	v19 =	vld [tilespmem:s0+$0x6040]  }
0xf8: {  	v20 =	vld [tilespmem:s0+$0x50]  }
0xf9: {  	v21 =	vld [tilespmem:s0+$0x6050]  }
0xfa: {  	v22 =	vld [tilespmem:s0+$0x60]  }
0xfb: {  	v23 =	vld [tilespmem:s0+$0x6060]  }
0xfc: {  	v24 =	vld [tilespmem:s0+$0x70]  }
0xfd: {  	v25 =	vld [tilespmem:s0+$0x6070]  }
0xfe: {  	v26 =	vld [tilespmem:s0+$0x400]  }
0xff: {  	v27 =	vld [tilespmem:s0+$0x6400]  }
0x100: {  	v28 =	vld [tilespmem:s0+$0x410]  }
0x101: {  	v29 =	vld [tilespmem:s0+$0x6410]  }
0x102: {  	v30 =	vld [tilespmem:s0+$0x420]  }
0x103: {  	v31 =	vld [tilespmem:s0+$0x6420]  }
0x104: {  	v32 =	vld [tilespmem:s0+$0x430]  }
0x105: {  	v33 =	vld [tilespmem:s0+$0x6430]  }
0x106: {  	v34 =	vld [tilespmem:s0+$0x440]  }
0x107: {  	v35 =	vld [tilespmem:s0+$0x6440]  }
0x108: {  	v36 =	vld [tilespmem:s0+$0x450]  }
0x109: {  	v37 =	vld [tilespmem:s0+$0x6450]  }
0x10a: {  	v38 =	vld [tilespmem:s0+$0x460]  }
0x10b: {  	v39 =	vld [tilespmem:s0+$0x6460]  }
0x10c: {  	v40 =	vld [tilespmem:s0+$0x470]  }
0x10d: {  	v41 =	vld [tilespmem:s0+$0x6470]  }
0x10e: {  	v42 =	vld [tilespmem:s0+$0x800]  }
0x10f: {  	v43 =	vld [tilespmem:s0+$0x6800]  }
0x110: {  	v44 =	vld [tilespmem:s0+$0x810]  }
0x111: {  	v45 =	vld [tilespmem:s0+$0x6810]  }
0x112: {  	v46 =	vld [tilespmem:s0+$0x820]  }
0x113: {  	v47 =	vld [tilespmem:s0+$0x6820]  }
0x114: {  	v48 =	vld [tilespmem:s0+$0x830]  }
0x115: {  	v49 =	vld [tilespmem:s0+$0x6830]  }
0x116: {  	v50 =	vld [tilespmem:s0+$0x840]  }
0x117: {  	v51 =	vld [tilespmem:s0+$0x6840]  }
0x118: {  	v52 =	vld [tilespmem:s0+$0x850]  }
0x119: {  	v53 =	vld [tilespmem:s0+$0x6850]  }
0x11a: {  	v54 =	vld [tilespmem:s0+$0x860]  }
0x11b: {  	v55 =	vld [tilespmem:s0+$0x6860]  }
0x11c: {  	v56 =	vld [tilespmem:s0+$0x870]  }
0x11d: {  	v0 =	vadd.f32 v2, v0;
	v2 =	vld [tilespmem:s0+$0x6870]  }
0x11e: {  	v1 =	vadd.f32 v3, v1;
	v3 =	vld [tilespmem:s0+$0xC00]  }
0x11f: {  	[tilespmem:s30+$0xD430] =	vst v0;
	v57 =	vld [tilespmem:s0+$0x6C50];
	v0 =	vadd.f32 v5, v4  }
0x120: {  	v58 =	vld [tilespmem:s0+$0xC60];
	[tilespmem:s30+$0xD440] =	vst v1;
	v1 =	vadd.f32 v7, v6  }
0x121: {  	v59 =	vld [tilespmem:s0+$0x6C60];
	[tilespmem:s30+$0xD450] =	vst v0;
	v0 =	vadd.f32 v9, v8  }
0x122: {  	v60 =	vld [tilespmem:s0+$0xC70];
	[tilespmem:s30+$0xD460] =	vst v1;
	v1 =	vadd.f32 v11, v10  }
0x123: {  	v61 =	vld [tilespmem:s0+$0x6C70];
	[tilespmem:s0+$0xD470] =	vst v0;
	v0 =	vadd.f32 v13, v12  }
0x124: {  	v62 =	vld [tilespmem:s0+$0x1000];
	[tilespmem:s0+$0xC000] =	vst v1;
	v1 =	vadd.f32 v15, v14  }
0x125: {  	v63 =	vld [tilespmem:s0+$0x7000];
	[tilespmem:s0+$0xC010] =	vst v0;
	v0 =	vadd.f32 v17, v16  }
0x126: {  	v4 =	vld [tilespmem:s0+$0x6C00];
	[tilespmem:s0+$0xC020] =	vst v1;
	v1 =	vadd.f32 v19, v18  }
0x127: {  	v5 =	vld [tilespmem:s0+$0xC10];
	[tilespmem:s0+$0xC030] =	vst v0;
	v0 =	vadd.f32 v21, v20  }
0x128: {  	v6 =	vld [tilespmem:s0+$0x6C10];
	[tilespmem:s0+$0xC040] =	vst v1;
	v1 =	vadd.f32 v23, v22  }
0x129: {  	v7 =	vld [tilespmem:s0+$0xC20];
	[tilespmem:s0+$0xC050] =	vst v0;
	v0 =	vadd.f32 v25, v24  }
0x12a: {  	v8 =	vld [tilespmem:s0+$0x6C20];
	[tilespmem:s0+$0xC060] =	vst v1;
	v1 =	vadd.f32 v27, v26  }
0x12b: {  	v9 =	vld [tilespmem:s0+$0xC30];
	[tilespmem:s0+$0xC070] =	vst v0;
	v0 =	vadd.f32 v29, v28  }
0x12c: {  	v10 =	vld [tilespmem:s0+$0x6C30];
	[tilespmem:s0+$0xC400] =	vst v1;
	v1 =	vadd.f32 v31, v30  }
0x12d: {  	v11 =	vld [tilespmem:s0+$0xC40];
	[tilespmem:s0+$0xC410] =	vst v0;
	v0 =	vadd.f32 v33, v32  }
0x12e: {  	v12 =	vld [tilespmem:s0+$0x6C40];
	[tilespmem:s0+$0xC420] =	vst v1;
	v1 =	vadd.f32 v35, v34  }
0x12f: {  	v13 =	vld [tilespmem:s0+$0xC50];
	[tilespmem:s0+$0xC430] =	vst v0;
	v0 =	vadd.f32 v37, v36  }
0x130: {  	v32 =	vld [tilespmem:s0+$0x1010];
	[tilespmem:s0+$0xC440] =	vst v1;
	v1 =	vadd.f32 v39, v38  }
0x131: {  	v33 =	vld [tilespmem:s0+$0x7010];
	[tilespmem:s0+$0xC450] =	vst v0;
	v0 =	vadd.f32 v41, v40  }
0x132: {  	v34 =	vld [tilespmem:s0+$0x1020];
	[tilespmem:s0+$0xC460] =	vst v1;
	v1 =	vadd.f32 v43, v42  }
0x133: {  	v35 =	vld [tilespmem:s0+$0x7020];
	[tilespmem:s0+$0xC470] =	vst v0;
	v0 =	vadd.f32 v45, v44  }
0x134: {  	v36 =	vld [tilespmem:s0+$0x1030];
	[tilespmem:s0+$0xC800] =	vst v1;
	v1 =	vadd.f32 v47, v46  }
0x135: {  	v37 =	vld [tilespmem:s0+$0x7030];
	[tilespmem:s0+$0xC810] =	vst v0;
	v0 =	vadd.f32 v49, v48  }
0x136: {  	v38 =	vld [tilespmem:s0+$0x1040];
	[tilespmem:s0+$0xC820] =	vst v1;
	v1 =	vadd.f32 v51, v50  }
0x137: {  	v39 =	vld [tilespmem:s0+$0x7040];
	[tilespmem:s0+$0xC830] =	vst v0;
	v0 =	vadd.f32 v53, v52  }
0x138: {  	v40 =	vld [tilespmem:s0+$0x1050];
	[tilespmem:s0+$0xC840] =	vst v1;
	v1 =	vadd.f32 v55, v54  }
0x139: {  	v41 =	vld [tilespmem:s0+$0x1410];
	[tilespmem:s0+$0xC850] =	vst v0;
	v0 =	vadd.f32 v2, v56  }
0x13a: {  	v42 =	vld [tilespmem:s0+$0x7410];
	[tilespmem:s0+$0xC860] =	vst v1;
	v1 =	vadd.f32 v4, v3  }
0x13b: {  	v43 =	vld [tilespmem:s0+$0x1420];
	[tilespmem:s0+$0xC870] =	vst v0;
	v0 =	vadd.f32 v6, v5  }
0x13c: {  	v44 =	vld [tilespmem:s0+$0x7420];
	[tilespmem:s0+$0xCC00] =	vst v1;
	v1 =	vadd.f32 v8, v7  }
0x13d: {  	v45 =	vld [tilespmem:s0+$0x1430];
	[tilespmem:s0+$0xCC10] =	vst v0;
	v0 =	vadd.f32 v10, v9  }
0x13e: {  	v46 =	vld [tilespmem:s0+$0x7430];
	[tilespmem:s0+$0xCC20] =	vst v1;
	v1 =	vadd.f32 v12, v11  }
0x13f: {  	v2 =	vld [tilespmem:s0+$0x7050];
	[tilespmem:s0+$0xCC30] =	vst v0;
	v0 =	vadd.f32 v57, v13  }
0x140: {  	v3 =	vld [tilespmem:s0+$0x1060];
	[tilespmem:s0+$0xCC40] =	vst v1;
	v1 =	vadd.f32 v59, v58  }
0x141: {  	v4 =	vld [tilespmem:s0+$0x7060];
	[tilespmem:s0+$0xCC50] =	vst v0;
	v0 =	vadd.f32 v61, v60  }
0x142: {  	v5 =	vld [tilespmem:s0+$0x1070];
	[tilespmem:s0+$0xCC60] =	vst v1;
	v1 =	vadd.f32 v63, v62  }
0x143: {  	v6 =	vld [tilespmem:s0+$0x7070];
	[tilespmem:s0+$0xCC70] =	vst v0;
	v0 =	vadd.f32 v33, v32  }
0x144: {  	v7 =	vld [tilespmem:s0+$0x1400];
	[tilespmem:s0+$0xD000] =	vst v1;
	v1 =	vadd.f32 v35, v34  }
0x145: {  	v8 =	vld [tilespmem:s0+$0x7400];
	[tilespmem:s0+$0xD010] =	vst v0;
	v0 =	vadd.f32 v37, v36  }
0x146: {  	v47 =	vld [tilespmem:s0+$0x1440];
	[tilespmem:s0+$0xD020] =	vst v1;
	v1 =	vadd.f32 v39, v38  }
0x147: {  	[tilespmem:s0+$0xD030] =	vst v0;
	v0 =	vadd.f32 v2, v40;
	v2 =	vld [tilespmem:s0+$0x7440]  }
0x148: {  	[tilespmem:s0+$0xD040] =	vst v1;
	v1 =	vadd.f32 v4, v3;
	v3 =	vld [tilespmem:s0+$0x1450]  }
0x149: {  	v4 =	vld [tilespmem:s0+$0x7450];
	[tilespmem:s0+$0xD050] =	vst v0;
	v0 =	vadd.f32 v6, v5  }
0x14a: {  	[tilespmem:s0+$0xD060] =	vst v1;
	v1 =	vadd.f32 v8, v7;
	v5 =	vld [tilespmem:s0+$0x1460]  }
0x14b: {  	v6 =	vld [tilespmem:s0+$0x7460];
	[tilespmem:s0+$0xD070] =	vst v0;
	v0 =	vadd.f32 v42, v41  }
0x14c: {  	[tilespmem:s0+$0xD400] =	vst v1;
	v1 =	vadd.f32 v44, v43  }
0x14d: {  	s2 =	sshrl.u32 s2, $0x3;
	p0 =	seq.s32 s28, $0x7;
	[tilespmem:s0+$0xD410] =	vst v0;
	v0 =	vadd.f32 v46, v45  }
0x14e: {  	s30 =	smul.u32 $0x300, s2;
	s2 =	sadd.s32 @!p0 s29, s11;
	[tilespmem:s0+$0xD420] =	vst v1;
	v1 =	vadd.f32 v2, v47  }
0x14f: {  	s2 =	sshrl.u32 @!p0 s2, $0x3;
	[tilespmem:s0+$0xD430] =	vst v0;
	v0 =	vadd.f32 v4, v3  }
0x150: {  	s2 =	smul.u32 @!p0 $0x300, s2;
	[tilespmem:s0+$0xD440] =	vst v1;
	v1 =	vadd.f32 v6, v5  }
0x151: {  	[tilespmem:s0+$0xD450] =	vst v0  }
0x152: {  	s24 =	sadd.s32 s6, s30;
	[tilespmem:s0+$0xD460] =	vst v1;
	s0 =	sadd.s32 @!p0 s1, s2  }
0x153: {  	[hbm4b:s24+s5] =	stream.linear.scatter [tilespmem:s20], [sflag:$0x5], $0x3000, $0x38;
	[tilespmem:$0x12000] =	vst v63  }
0x154: {  	s7 =	simm.s32 @!p0 $0x0;
	s0 =	sadd.s32 @!p0 $0x240000, s0  }
0x155: {  	[tilespmem:s7], [sflag:$0x1] =	stream.linear.gather @!p0 [hbm4b:s0+s7], $0x3000, $0x38;
	[tilespmem:$0x12000] =	vst v63  }
0x156: {  	s0 =	sadd.s32 @!p0 s3, s2;
	s2 =	simm.s32 @!p0 $0x6000  }
0x157: {  	[tilespmem:s2], [sflag:$0x3] =	stream.linear.gather @!p0 [hbm4b:s0+s7], $0x3000, $0x38;
	[tilespmem:$0x12000] =	vst v63  }
0x158: {  	_ =	swait.ge [sflag:s21], $0x3000  }
0x159: {  	[sflag:s21] =	ssyncset.done $0x0  }
0x15a: {  	[sflag:s21] =	ssyncadd.s32 $0xFFFFD000  }
0x15b: {  	_ =	swait.ge [sflag:s22], $0x3000  }
0x15c: {  	[sflag:s22] =	ssyncset.done $0x0  }
0x15d: {  	s0 =	simm.s32 @!p1 $0x6;
	s7 =	simm.s32 $0x0;
	[sflag:s22] =	ssyncadd.s32 $0xFFFFD000  }
0x15e: {  	s8 =	simm.s32 $0x0;
	s7 =	smul.u32 $0x1800, s7;
	_ =	swait.ge @!p1 [sflag:s0], $0x3000  }
0x15f: {  	s9 =	sand.u32 $0x380, s8;
	[sflag:s0] =	ssyncset.done @!p1 $0x0  }
0x160: {  	s9 =	sor.u32 s9, s7;
	[sflag:s0] =	ssyncadd.s32 @!p1 $0xFFFFD000  }
0x161: {  	v0 =	vld [tilespmem:s9+$0x3000]  }
0x162: {  	v1 =	vld [tilespmem:s9+$0x9000]  }
0x163: {  	v2 =	vld [tilespmem:s9+$0x3010]  }
0x164: {  	v3 =	vld [tilespmem:s9+$0x9010]  }
0x165: {  	v4 =	vld [tilespmem:s9+$0x3020]  }
0x166: {  	v5 =	vld [tilespmem:s9+$0x9020]  }
0x167: {  	v6 =	vld [tilespmem:s9+$0x3030]  }
0x168: {  	v7 =	vld [tilespmem:s9+$0x9030]  }
0x169: {  	v8 =	vld [tilespmem:s9+$0x3040]  }
0x16a: {  	v9 =	vld [tilespmem:s9+$0x9040]  }
0x16b: {  	v10 =	vld [tilespmem:s9+$0x3050]  }
0x16c: {  	v11 =	vld [tilespmem:s9+$0x9050]  }
0x16d: {  	v12 =	vld [tilespmem:s9+$0x3060]  }
0x16e: {  	v13 =	vld [tilespmem:s9+$0x9060]  }
0x16f: {  	v48 =	vld [tilespmem:s9+$0x3070]  }
0x170: {  	v49 =	vld [tilespmem:s9+$0x9070]  }
0x171: {  	v50 =	vld [tilespmem:s9+$0x3400]  }
0x172: {  	v51 =	vld [tilespmem:s9+$0x9400]  }
0x173: {  	v52 =	vld [tilespmem:s9+$0x3410]  }
0x174: {  	v53 =	vld [tilespmem:s9+$0x9410]  }
0x175: {  	v54 =	vld [tilespmem:s9+$0x3420]  }
0x176: {  	v55 =	vld [tilespmem:s9+$0x9420]  }
0x177: {  	v56 =	vld [tilespmem:s9+$0x3430]  }
0x178: {  	v57 =	vld [tilespmem:s9+$0x9430]  }
0x179: {  	v58 =	vld [tilespmem:s9+$0x3440]  }
0x17a: {  	v59 =	vld [tilespmem:s9+$0x9440]  }
0x17b: {  	v60 =	vld [tilespmem:s9+$0x3450]  }
0x17c: {  	v61 =	vld [tilespmem:s9+$0x9450]  }
0x17d: {  	v62 =	vld [tilespmem:s9+$0x3460]  }
0x17e: {  	v63 =	vld [tilespmem:s9+$0x9460]  }
0x17f: {  	v40 =	vld [tilespmem:s9+$0x3470]  }
0x180: {  	v41 =	vld [tilespmem:s9+$0x9470]  }
0x181: {  	v42 =	vld [tilespmem:s9+$0x3800]  }
0x182: {  	v43 =	vld [tilespmem:s9+$0x9800]  }
0x183: {  	v44 =	vld [tilespmem:s9+$0x3810]  }
0x184: {  	v45 =	vld [tilespmem:s9+$0x9810]  }
0x185: {  	v46 =	vld [tilespmem:s9+$0x3820]  }
0x186: {  	v0 =	vadd.f32 v1, v0;
	v1 =	vld [tilespmem:s9+$0x3830]  }
0x187: {  	v2 =	vadd.f32 v3, v2;
	v3 =	vld [tilespmem:s9+$0x9830]  }
0x188: {  	[tilespmem:s9+$0xF000] =	vst v0;
	v0 =	vadd.f32 v5, v4;
	v4 =	vld [tilespmem:s9+$0x3840]  }
0x189: {  	[tilespmem:s9+$0xF010] =	vst v2;
	v2 =	vadd.f32 v7, v6;
	v5 =	vld [tilespmem:s9+$0x9840]  }
0x18a: {  	v6 =	vld [tilespmem:s9+$0x3850];
	[tilespmem:s9+$0xF020] =	vst v0;
	v0 =	vadd.f32 v9, v8  }
0x18b: {  	v7 =	vld [tilespmem:s9+$0x9850];
	[tilespmem:s9+$0xF030] =	vst v2;
	v2 =	vadd.f32 v11, v10  }
0x18c: {  	v47 =	vld [tilespmem:s9+$0x9820];
	v1 =	vadd.f32 v3, v1;
	[tilespmem:s9+$0xF040] =	vst v0  }
0x18d: {  	v8 =	vld [tilespmem:s9+$0x3860];
	v0 =	vadd.f32 v13, v12;
	[tilespmem:s9+$0xF050] =	vst v2  }
0x18e: {  	v3 =	vld [tilespmem:s9+$0x9C40];
	v2 =	vadd.f32 v49, v48;
	[tilespmem:s9+$0xF830] =	vst v1  }
0x18f: {  	v48 =	vld [tilespmem:s9+$0x9860];
	v4 =	vadd.f32 v5, v4;
	[tilespmem:s9+$0xF060] =	vst v0  }
0x190: {  	v49 =	vld [tilespmem:s9+$0x3870];
	v1 =	vadd.f32 v7, v6;
	[tilespmem:s9+$0xF070] =	vst v2  }
0x191: {  	v5 =	vld [tilespmem:s9+$0x3C50];
	v0 =	vadd.f32 v51, v50;
	[tilespmem:s9+$0xF840] =	vst v4  }
0x192: {  	v6 =	vld [tilespmem:s9+$0x9C50];
	v2 =	vadd.f32 v53, v52;
	[tilespmem:s9+$0xF850] =	vst v1  }
0x193: {  	v7 =	vld [tilespmem:s9+$0x3C60];
	[tilespmem:s9+$0xF400] =	vst v0;
	v0 =	vadd.f32 v55, v54  }
0x194: {  	v50 =	vld [tilespmem:s9+$0x9870];
	[tilespmem:s9+$0xF410] =	vst v2;
	v2 =	vadd.f32 v57, v56  }
0x195: {  	v51 =	vld [tilespmem:s9+$0x3C00];
	v4 =	vadd.f32 v48, v8;
	[tilespmem:s9+$0xF420] =	vst v0  }
0x196: {  	v52 =	vld [tilespmem:s9+$0x9C00];
	v0 =	vadd.f32 v59, v58;
	[tilespmem:s9+$0xF430] =	vst v2  }
0x197: {  	v53 =	vld [tilespmem:s9+$0x3C10];
	v2 =	vadd.f32 v61, v60;
	[tilespmem:s9+$0xF860] =	vst v4  }
0x198: {  	v54 =	vld [tilespmem:s9+$0x9C10];
	[tilespmem:s9+$0xF440] =	vst v0;
	v0 =	vadd.f32 v63, v62  }
0x199: {  	v55 =	vld [tilespmem:s9+$0x3C20];
	[tilespmem:s9+$0xF450] =	vst v2;
	v2 =	vadd.f32 v41, v40  }
0x19a: {  	v56 =	vld [tilespmem:s9+$0x9C20];
	[tilespmem:s9+$0xF460] =	vst v0;
	v0 =	vadd.f32 v43, v42  }
0x19b: {  	v57 =	vld [tilespmem:s9+$0x3C30];
	[tilespmem:s9+$0xF470] =	vst v2;
	v2 =	vadd.f32 v45, v44  }
0x19c: {  	v58 =	vadd.f32 v47, v46;
	[tilespmem:s9+$0xF800] =	vst v0;
	v0 =	vld [tilespmem:s9+$0x9C30]  }
0x19d: {  	v1 =	vadd.f32 v50, v49;
	[tilespmem:s9+$0xF810] =	vst v2;
	v2 =	vld [tilespmem:s9+$0x3C40]  }
0x19e: {  	v8 =	vld [tilespmem:s9+$0x9C60];
	v4 =	vadd.f32 v52, v51;
	[tilespmem:s9+$0xF820] =	vst v58  }
0x19f: {  	v59 =	vld [tilespmem:s9+$0x3C70];
	[tilespmem:s9+$0xF870] =	vst v1;
	v1 =	vadd.f32 v54, v53  }
0x1a0: {  	v60 =	vld [tilespmem:s9+$0x9C70];
	[tilespmem:s9+$0xFC00] =	vst v4;
	v4 =	vadd.f32 v56, v55  }
0x1a1: {  	[tilespmem:s9+$0xFC10] =	vst v1;
	v0 =	vadd.f32 v0, v57  }
0x1a2: {  	[tilespmem:s9+$0xFC20] =	vst v4;
	v1 =	vadd.f32 v3, v2  }
0x1a3: {  	[tilespmem:s9+$0xFC30] =	vst v0;
	v0 =	vadd.f32 v6, v5  }
0x1a4: {  	[tilespmem:s9+$0xFC40] =	vst v1;
	v1 =	vadd.f32 v8, v7  }
0x1a5: {  	[tilespmem:s9+$0xFC50] =	vst v0;
	v0 =	vadd.f32 v60, v59  }
0x1a6: {  	[tilespmem:s9+$0xFC60] =	vst v1  }
0x1a7: {  	s10 =	sor.u32 $0x4000, s9;
	[tilespmem:s9+$0xFC70] =	vst v0;
	v0 =	vld [tilespmem:s9+$0xA000]  }
0x1a8: {  	v1 =	vld [tilespmem:s10+$0x0];
	_ =	sdelay $0x1  }
0x1a9: {  	s15 =	simm.s32 $0x0  }
0x1aa: {  	s31 =	smul.u32 $0x1800, s15;
	s0 =	simm.s32 $0x80  }
0x1ab: {  	s24 =	sand.u32 $0x380, s0  }
0x1ac: {  	s2 =	sor.u32 s24, s31;
	v0 =	vadd.f32 v0, v1  }
0x1ad: {  	v14 =	vld [tilespmem:s2+$0x9040]  }
0x1ae: {  	s13 =	sor.u32 $0x4010, s9;
	v1 =	vld [tilespmem:s9+$0xA010];
	[tilespmem:s9+$0x10000] =	vst v0  }
0x1af: {  	v0 =	vld [tilespmem:s13+$0x0]  }
0x1b0: {  	v15 =	vld [tilespmem:s2+$0x3050]  }
0x1b1: {  	v16 =	vld [tilespmem:s2+$0x9050]  }
0x1b2: {  	v17 =	vld [tilespmem:s2+$0x3060]  }
0x1b3: {  	v18 =	vld [tilespmem:s2+$0x9060]  }
0x1b4: {  	v19 =	vld [tilespmem:s2+$0x9070];
	v0 =	vadd.f32 v1, v0  }
0x1b5: {  	v20 =	vld [tilespmem:s2+$0x3400]  }
0x1b6: {  	v6 =	vld [tilespmem:s9+$0xA020];
	s10 =	sor.u32 $0x4020, s9;
	[tilespmem:s9+$0x10010] =	vst v0  }
0x1b7: {  	v0 =	vld [tilespmem:s10+$0x0]  }
0x1b8: {  	v21 =	vld [tilespmem:s2+$0x9400]  }
0x1b9: {  	v22 =	vld [tilespmem:s2+$0x3410]  }
0x1ba: {  	v27 =	vld [tilespmem:s2+$0x3440]  }
0x1bb: {  	v10 =	vld [tilespmem:s2+$0x3020]  }
0x1bc: {  	v13 =	vld [tilespmem:s2+$0x3040];
	v0 =	vadd.f32 v6, v0  }
0x1bd: {  	v48 =	vld [tilespmem:s2+$0x9440]  }
0x1be: {  	s8 =	sor.u32 $0x4030, s9;
	v5 =	vld [tilespmem:s9+$0xA030];
	[tilespmem:s9+$0x10020] =	vst v0  }
0x1bf: {  	v0 =	vld [tilespmem:s8+$0x0]  }
0x1c0: {  	v61 =	vld [tilespmem:s2+$0x9010]  }
0x1c1: {  	v46 =	vld [tilespmem:s2+$0x3430]  }
0x1c2: {  	v47 =	vld [tilespmem:s2+$0x9430]  }
0x1c3: {  	v49 =	vld [tilespmem:s2+$0x3450]  }
0x1c4: {  	v50 =	vld [tilespmem:s2+$0x9450];
	v0 =	vadd.f32 v5, v0  }
0x1c5: {  	v51 =	vld [tilespmem:s2+$0x3460]  }
0x1c6: {  	v4 =	vld [tilespmem:s9+$0xA040];
	s13 =	sor.u32 $0x4040, s9;
	[tilespmem:s9+$0x10030] =	vst v0  }
0x1c7: {  	v0 =	vld [tilespmem:s13+$0x0]  }
0x1c8: {  	v52 =	vld [tilespmem:s2+$0x9460]  }
0x1c9: {  	v62 =	vld [tilespmem:s2+$0x9020]  }
0x1ca: {  	v63 =	vld [tilespmem:s2+$0x3030]  }
0x1cb: {  	v58 =	vld [tilespmem:s2+$0x9810]  }
0x1cc: {  	v41 =	vld [tilespmem:s2+$0x9860];
	v0 =	vadd.f32 v4, v0  }
0x1cd: {  	v53 =	vld [tilespmem:s2+$0x3470]  }
0x1ce: {  	s15 =	sor.u32 $0x4050, s9;
	v3 =	vld [tilespmem:s9+$0xA050];
	[tilespmem:s9+$0x10040] =	vst v0  }
0x1cf: {  	v0 =	vld [tilespmem:s15+$0x0]  }
0x1d0: {  	v54 =	vld [tilespmem:s2+$0x9470]  }
0x1d1: {  	v55 =	vld [tilespmem:s2+$0x3800]  }
0x1d2: {  	v8 =	vld [tilespmem:s2+$0x3010]  }
0x1d3: {  	v56 =	vld [tilespmem:s2+$0x9800]  }
0x1d4: {  	v44 =	vld [tilespmem:s2+$0x9410];
	v0 =	vadd.f32 v3, v0  }
0x1d5: {  	v2 =	vld [tilespmem:s9+$0xA060]  }
0x1d6: {  	s24 =	sor.u32 $0x4060, s9;
	v6 =	vld [tilespmem:s2+$0x9030];
	[tilespmem:s9+$0x10050] =	vst v0  }
0x1d7: {  	v8 =	vadd.f32 v61, v8;
	v61 =	vld [tilespmem:s24+$0x0]  }
0x1d8: {  	v45 =	vld [tilespmem:s2+$0x3420]  }
0x1d9: {  	v42 =	vld [tilespmem:s2+$0x3870]  }
0x1da: {  	v57 =	vld [tilespmem:s2+$0x3810];
	[tilespmem:s2+$0xF010] =	vst v8;
	v8 =	vadd.f32 v62, v10  }
0x1db: {  	v7 =	vld [tilespmem:s2+$0x9000];
	v6 =	vadd.f32 v6, v63  }
0x1dc: {  	v59 =	vld [tilespmem:s2+$0x3820];
	[tilespmem:s2+$0xF020] =	vst v8;
	v2 =	vadd.f32 v2, v61  }
0x1dd: {  	v8 =	vadd.f32 v14, v13;
	[tilespmem:s2+$0xF030] =	vst v6;
	v5 =	vld [tilespmem:s2+$0x3070]  }
0x1de: {  	s8 =	sor.u32 $0x4070, s9;
	v6 =	vld [tilespmem:s9+$0xA070];
	[tilespmem:s9+$0x10060] =	vst v2  }
0x1df: {  	[tilespmem:s2+$0xF040] =	vst v8;
	v8 =	vld [tilespmem:s8+$0x0]  }
0x1e0: {  	v60 =	vld [tilespmem:s2+$0x9820]  }
0x1e1: {  	v1 =	vld [tilespmem:s2+$0x3000]  }
0x1e2: {  	v57 =	vadd.f32 v58, v57;
	v58 =	vld [tilespmem:s2+$0x9C30];
	v5 =	vadd.f32 v19, v5  }
0x1e3: {  	v4 =	vld [tilespmem:s2+$0x9420]  }
0x1e4: {  	v62 =	vld [tilespmem:s2+$0x3850];
	[tilespmem:s2+$0xF070] =	vst v5;
	v5 =	vadd.f32 v6, v8  }
0x1e5: {  	v59 =	vadd.f32 v60, v59;
	v60 =	vld [tilespmem:s2+$0x3C40];
	s15 =	sadd.s32 $0x0, s7  }
0x1e6: {  	v1 =	vadd.f32 v7, v1;
	v7 =	vld [tilespmem:s2+$0x9830];
	s7 =	sor.u32 $0x4400, s15;
	[tilespmem:s9+$0x10070] =	vst v5  }
0x1e7: {  	v8 =	vadd.f32 v44, v22;
	v44 =	vld [tilespmem:s7+$0x0]  }
0x1e8: {  	v4 =	vadd.f32 v4, v45;
	v45 =	vadd.f32 v47, v46;
	v47 =	vld [tilespmem:s7+$0x6000]  }
0x1e9: {  	v16 =	vadd.f32 v16, v15;
	[tilespmem:s2+$0xF000] =	vst v1;
	v1 =	vld [tilespmem:s2+$0x9840]  }
0x1ea: {  	v63 =	vld [tilespmem:s2+$0x9850]  }
0x1eb: {  	v18 =	vadd.f32 v18, v17;
	[tilespmem:s2+$0xF050] =	vst v16;
	v43 =	vadd.f32 v21, v20;
	v46 =	vld [tilespmem:s2+$0x3C10]  }
0x1ec: {  	[tilespmem:s2+$0xF420] =	vst v4;
	v4 =	vadd.f32 v48, v27;
	v48 =	vadd.f32 v50, v49;
	v50 =	vld [tilespmem:s2+$0x3C20]  }
0x1ed: {  	[tilespmem:s2+$0xF060] =	vst v18;
	v49 =	vadd.f32 v52, v51;
	v52 =	vld [tilespmem:s2+$0x9C20];
	v13 =	vadd.f32 v47, v44  }
0x1ee: {  	[tilespmem:s2+$0xF400] =	vst v43;
	v3 =	vld [tilespmem:s2+$0x3830]  }
0x1ef: {  	s13 =	sor.u32 $0x4410, s15;
	v0 =	vld [tilespmem:s2+$0x3840];
	[tilespmem:s7+$0xC000] =	vst v13  }
0x1f0: {  	[tilespmem:s2+$0xF810] =	vst v57;
	v51 =	vadd.f32 v54, v53;
	v53 =	vld [tilespmem:s13+$0x0]  }
0x1f1: {  	[tilespmem:s2+$0xF820] =	vst v59;
	v54 =	vadd.f32 v56, v55;
	v56 =	vld [tilespmem:s13+$0x6000]  }
0x1f2: {  	[tilespmem:s2+$0xF430] =	vst v45;
	v55 =	vld [tilespmem:s2+$0x3C30]  }
0x1f3: {  	[tilespmem:s2+$0xF440] =	vst v4;
	v4 =	vld [tilespmem:s2+$0x9C10]  }
0x1f4: {  	[tilespmem:s2+$0xF450] =	vst v48;
	v3 =	vadd.f32 v7, v3;
	v6 =	vld [tilespmem:s2+$0x9870]  }
0x1f5: {  	[tilespmem:s2+$0xF460] =	vst v49;
	v2 =	vld [tilespmem:s2+$0x3860]  }
0x1f6: {  	v7 =	vld [tilespmem:s2+$0x9C40];
	v0 =	vadd.f32 v1, v0;
	[tilespmem:s2+$0xF830] =	vst v3;
	v1 =	vadd.f32 v56, v53  }
0x1f7: {  	v3 =	vadd.f32 v63, v62;
	v5 =	vld [tilespmem:s2+$0x3C00];
	[tilespmem:s2+$0xF410] =	vst v8  }
0x1f8: {  	s24 =	sor.u32 $0x4420, s15;
	v8 =	vld [tilespmem:s2+$0x9C00];
	[tilespmem:s13+$0xC000] =	vst v1  }
0x1f9: {  	[tilespmem:s2+$0xF850] =	vst v3;
	v3 =	vadd.f32 v6, v42;
	v61 =	vld [tilespmem:s24+$0x0]  }
0x1fa: {  	[tilespmem:s2+$0xF470] =	vst v51;
	v1 =	vadd.f32 v41, v2;
	v2 =	vld [tilespmem:s24+$0x6000]  }
0x1fb: {  	v62 =	vld [tilespmem:s2+$0x9C50];
	[tilespmem:s2+$0xF870] =	vst v3;
	v3 =	vadd.f32 v4, v46  }
0x1fc: {  	v63 =	vld [tilespmem:s2+$0x3C60];
	[tilespmem:s2+$0xF840] =	vst v0  }
0x1fd: {  	v0 =	vld [tilespmem:s2+$0x3C50];
	[tilespmem:s2+$0xFC10] =	vst v3  }
0x1fe: {  	v3 =	vld [tilespmem:s2+$0x9C70];
	[tilespmem:s2+$0xF860] =	vst v1;
	v1 =	vadd.f32 v8, v5  }
0x1ff: {  	[tilespmem:s2+$0xF800] =	vst v54;
	v5 =	vld [tilespmem:s2+$0x9C60];
	v2 =	vadd.f32 v2, v61  }
0x200: {  	v6 =	vadd.f32 v58, v55;
	[tilespmem:s2+$0xFC00] =	vst v1;
	v1 =	vld [tilespmem:s2+$0x3C70]  }
0x201: {  	s10 =	sor.u32 $0x4430, s15;
	v4 =	vadd.f32 v52, v50;
	[tilespmem:s24+$0xC000] =	vst v2  }
0x202: {  	v7 =	vadd.f32 v7, v60;
	[tilespmem:s2+$0xFC30] =	vst v6;
	v2 =	vld [tilespmem:s10+$0x0]  }
0x203: {  	v6 =	vadd.f32 v62, v0;
	[tilespmem:s2+$0xFC20] =	vst v4;
	v4 =	vld [tilespmem:s10+$0x6000]  }
0x204: {  	[tilespmem:s2+$0xFC40] =	vst v7;
	s9 =	simm.s32 $0x2;
	v0 =	vld [tilespmem:s2+$0xA070];
	s7 =	simm.s32 $0x80;
	v5 =	vadd.f32 v5, v63  }
.LBB2_5:
0x205: {  	p1 =	sne.s32 s9, $0xF;
	[tilespmem:s2+$0xFC50] =	vst v6;
	v6 =	vadd.f32 v3, v1;
	v1 =	vld [tilespmem:s2+$0xA060]  }
0x206: {  	[tilespmem:s2+$0xFC60] =	vst v5;
	v3 =	vld [tilespmem:s2+$0xA050]  }
0x207: {  	s13 =	sor.u32 $0x4000, s2;
	[tilespmem:s2+$0xFC70] =	vst v6;
	v5 =	vld [tilespmem:s2+$0xA000]  }
0x208: {  	v6 =	vld [tilespmem:s13+$0x0];
	v2 =	vadd.f32 v4, v2  }
0x209: {  	v7 =	vld [tilespmem:s2+$0xA040]  }
0x20a: {  	s8 =	sor.u32 $0x4440, s15;
	v8 =	vld [tilespmem:s2+$0xA030];
	[tilespmem:s10+$0xC000] =	vst v2  }
0x20b: {  	s10 =	sshrl.u32 s9, $0x3;
	v9 =	vld [tilespmem:s8+$0x0]  }
0x20c: {  	s0 =	sadd.s32 $0x80, s0;
	s10 =	smul.u32 $0x1800, s10;
	v10 =	vld [tilespmem:s8+$0x6000]  }
0x20d: {  	s13 =	sand.u32 $0x380, s0;
	v4 =	vadd.f32 v5, v6;
	v6 =	vld [tilespmem:s2+$0xA020]  }
0x20e: {  	s13 =	sor.u32 s13, s10;
	v11 =	vld [tilespmem:s2+$0xA010]  }
0x20f: {  	s24 =	sor.u32 $0x4010, s2;
	v2 =	vld [tilespmem:s13+$0x3000];
	[tilespmem:s2+$0x10000] =	vst v4  }
0x210: {  	v12 =	vld [tilespmem:s24+$0x0]  }
0x211: {  	v4 =	vld [tilespmem:s13+$0x9000];
	v9 =	vadd.f32 v10, v9  }
0x212: {  	v5 =	vld [tilespmem:s13+$0x3010]  }
0x213: {  	v10 =	vld [tilespmem:s13+$0x9010];
	[tilespmem:s8+$0xC000] =	vst v9;
	s8 =	sor.u32 $0x4450, s15  }
0x214: {  	v9 =	vld [tilespmem:s8+$0x0]  }
0x215: {  	v11 =	vadd.f32 v11, v12;
	v12 =	vld [tilespmem:s8+$0x6000]  }
0x216: {  	v13 =	vld [tilespmem:s13+$0x3020]  }
0x217: {  	s24 =	sor.u32 $0x4020, s2;
	v14 =	vld [tilespmem:s13+$0x9020];
	[tilespmem:s2+$0x10010] =	vst v11  }
0x218: {  	v11 =	vld [tilespmem:s24+$0x0]  }
0x219: {  	v15 =	vld [tilespmem:s13+$0x3030]  }
0x21a: {  	v16 =	vld [tilespmem:s13+$0x9030];
	v9 =	vadd.f32 v12, v9  }
0x21b: {  	v12 =	vld [tilespmem:s13+$0x3040]  }
0x21c: {  	v17 =	vld [tilespmem:s13+$0x9040];
	[tilespmem:s8+$0xC000] =	vst v9;
	s8 =	sor.u32 $0x4460, s15  }
0x21d: {  	v6 =	vadd.f32 v6, v11;
	v9 =	vld [tilespmem:s8+$0x0]  }
0x21e: {  	v11 =	vld [tilespmem:s8+$0x6000]  }
0x21f: {  	s24 =	sor.u32 $0x4030, s2;
	v18 =	vld [tilespmem:s13+$0x3050];
	[tilespmem:s2+$0x10020] =	vst v6  }
0x220: {  	v6 =	vld [tilespmem:s24+$0x0]  }
0x221: {  	v19 =	vld [tilespmem:s13+$0x9050]  }
0x222: {  	v20 =	vld [tilespmem:s13+$0x3060]  }
0x223: {  	v21 =	vld [tilespmem:s13+$0x9060];
	v9 =	vadd.f32 v11, v9  }
0x224: {  	v11 =	vld [tilespmem:s13+$0x3070]  }
0x225: {  	v22 =	vld [tilespmem:s13+$0x9070];
	v6 =	vadd.f32 v8, v6;
	[tilespmem:s8+$0xC000] =	vst v9;
	s8 =	sor.u32 $0x4470, s15  }
0x226: {  	v8 =	vld [tilespmem:s8+$0x0]  }
0x227: {  	s15 =	sor.u32 $0x4040, s2;
	[tilespmem:s2+$0x10030] =	vst v6;
	v6 =	vld [tilespmem:s8+$0x6000]  }
0x228: {  	v9 =	vld [tilespmem:s15+$0x0]  }
0x229: {  	v23 =	vld [tilespmem:s13+$0x3400]  }
0x22a: {  	v24 =	vld [tilespmem:s13+$0x9400]  }
0x22b: {  	v25 =	vld [tilespmem:s13+$0x3410]  }
0x22c: {  	v26 =	vld [tilespmem:s13+$0x9410];
	v6 =	vadd.f32 v6, v8  }
0x22d: {  	v8 =	vld [tilespmem:s13+$0x3420];
	v7 =	vadd.f32 v7, v9  }
0x22e: {  	v9 =	vld [tilespmem:s13+$0x9420];
	[tilespmem:s8+$0xC000] =	vst v6  }
0x22f: {  	s8 =	sor.u32 $0x4050, s2;
	v6 =	vld [tilespmem:s13+$0x3430];
	[tilespmem:s2+$0x10040] =	vst v7  }
0x230: {  	v7 =	vld [tilespmem:s8+$0x0]  }
0x231: {  	v27 =	vld [tilespmem:s13+$0x9430]  }
0x232: {  	v28 =	vld [tilespmem:s13+$0x3440]  }
0x233: {  	v29 =	vld [tilespmem:s13+$0x9440]  }
0x234: {  	v30 =	vld [tilespmem:s13+$0x3450]  }
0x235: {  	v31 =	vld [tilespmem:s13+$0x9450];
	v3 =	vadd.f32 v3, v7  }
0x236: {  	v7 =	vld [tilespmem:s13+$0x3460]  }
0x237: {  	s8 =	sor.u32 $0x4060, s2;
	v32 =	vld [tilespmem:s13+$0x9460];
	[tilespmem:s2+$0x10050] =	vst v3  }
0x238: {  	v3 =	vld [tilespmem:s8+$0x0]  }
0x239: {  	v33 =	vld [tilespmem:s13+$0x3470]  }
0x23a: {  	v34 =	vld [tilespmem:s13+$0x9470]  }
0x23b: {  	v35 =	vld [tilespmem:s13+$0x3800]  }
0x23c: {  	v36 =	vld [tilespmem:s13+$0x9800]  }
0x23d: {  	v37 =	vld [tilespmem:s13+$0x3810];
	v1 =	vadd.f32 v1, v3  }
0x23e: {  	v3 =	vld [tilespmem:s13+$0x9810]  }
0x23f: {  	s8 =	sor.u32 $0x4070, s2;
	v38 =	vld [tilespmem:s13+$0x3820];
	[tilespmem:s2+$0x10060] =	vst v1  }
0x240: {  	v1 =	vld [tilespmem:s8+$0x0]  }
0x241: {  	v39 =	vld [tilespmem:s13+$0x9820]  }
0x242: {  	v40 =	vld [tilespmem:s13+$0x3830]  }
0x243: {  	v2 =	vadd.f32 v4, v2;
	v4 =	vld [tilespmem:s13+$0x9830]  }
0x244: {  	v5 =	vadd.f32 v10, v5;
	v10 =	vld [tilespmem:s13+$0x3840]  }
0x245: {  	[tilespmem:s13+$0xF000] =	vst v2;
	v2 =	vld [tilespmem:s13+$0x9840];
	v0 =	vadd.f32 v0, v1  }
0x246: {  	s15 =	sadd.s32 s31, s7;
	s31 =	smov.u32 s10;
	s7 =	smov.u32 s0;
	v1 =	vadd.f32 v14, v13;
	[tilespmem:s13+$0xF010] =	vst v5;
	v5 =	vld [tilespmem:s13+$0x3850]  }
0x247: {  	s8 =	sor.u32 $0x4400, s15;
	v13 =	vadd.f32 v16, v15;
	v14 =	vld [tilespmem:s13+$0x9850];
	[tilespmem:s2+$0x10070] =	vst v0;
	s2 =	smov.u32 s13  }
0x248: {  	v0 =	vadd.f32 v17, v12;
	[tilespmem:s2+$0xF020] =	vst v1;
	v1 =	vld [tilespmem:s8+$0x0]  }
0x249: {  	v12 =	vadd.f32 v19, v18;
	[tilespmem:s2+$0xF030] =	vst v13;
	v13 =	vld [tilespmem:s8+$0x6000]  }
0x24a: {  	[tilespmem:s2+$0xF040] =	vst v0;
	v0 =	vadd.f32 v21, v20;
	v15 =	vld [tilespmem:s2+$0x3860]  }
0x24b: {  	v11 =	vadd.f32 v22, v11;
	[tilespmem:s2+$0xF050] =	vst v12;
	v12 =	vld [tilespmem:s2+$0x9860]  }
0x24c: {  	[tilespmem:s2+$0xF060] =	vst v0;
	v0 =	vadd.f32 v24, v23;
	v16 =	vld [tilespmem:s2+$0x3870]  }
0x24d: {  	[tilespmem:s2+$0xF070] =	vst v11;
	v11 =	vadd.f32 v26, v25;
	v17 =	vld [tilespmem:s2+$0x9870]  }
0x24e: {  	[tilespmem:s2+$0xF400] =	vst v0;
	v0 =	vld [tilespmem:s2+$0x3C00];
	v1 =	vadd.f32 v13, v1  }
0x24f: {  	v8 =	vadd.f32 v9, v8;
	[tilespmem:s2+$0xF410] =	vst v11;
	v9 =	vld [tilespmem:s2+$0x9C00]  }
0x250: {  	v6 =	vadd.f32 v27, v6;
	v11 =	vld [tilespmem:s2+$0x3C10];
	[tilespmem:s8+$0xC000] =	vst v1;
	s8 =	sor.u32 $0x4410, s15  }
0x251: {  	v1 =	vadd.f32 v29, v28;
	[tilespmem:s2+$0xF420] =	vst v8;
	v8 =	vld [tilespmem:s8+$0x0]  }
0x252: {  	[tilespmem:s2+$0xF430] =	vst v6;
	v6 =	vadd.f32 v31, v30;
	v13 =	vld [tilespmem:s8+$0x6000]  }
0x253: {  	[tilespmem:s2+$0xF440] =	vst v1;
	v1 =	vadd.f32 v32, v7;
	v7 =	vld [tilespmem:s2+$0x9C10]  }
0x254: {  	[tilespmem:s2+$0xF450] =	vst v6;
	v6 =	vadd.f32 v34, v33;
	v18 =	vld [tilespmem:s2+$0x3C20]  }
0x255: {  	[tilespmem:s2+$0xF460] =	vst v1;
	v1 =	vadd.f32 v36, v35;
	v19 =	vld [tilespmem:s2+$0x9C20]  }
0x256: {  	v3 =	vadd.f32 v3, v37;
	[tilespmem:s2+$0xF470] =	vst v6;
	v6 =	vld [tilespmem:s2+$0x3C30]  }
0x257: {  	[tilespmem:s2+$0xF800] =	vst v1;
	v20 =	vld [tilespmem:s2+$0x9C30];
	v1 =	vadd.f32 v13, v8  }
0x258: {  	[tilespmem:s2+$0xF810] =	vst v3;
	v3 =	vadd.f32 v39, v38;
	v8 =	vld [tilespmem:s2+$0x3C40]  }
0x259: {  	v4 =	vadd.f32 v4, v40;
	v13 =	vld [tilespmem:s2+$0x9C40];
	[tilespmem:s8+$0xC000] =	vst v1;
	s8 =	sor.u32 $0x4420, s15  }
0x25a: {  	v1 =	vadd.f32 v2, v10;
	[tilespmem:s2+$0xF820] =	vst v3;
	v2 =	vld [tilespmem:s8+$0x0]  }
0x25b: {  	v3 =	vadd.f32 v14, v5;
	[tilespmem:s2+$0xF830] =	vst v4;
	v4 =	vld [tilespmem:s8+$0x6000]  }
0x25c: {  	[tilespmem:s2+$0xF840] =	vst v1;
	v1 =	vadd.f32 v12, v15;
	v5 =	vld [tilespmem:s2+$0x3C50]  }
0x25d: {  	[tilespmem:s2+$0xF850] =	vst v3;
	v3 =	vadd.f32 v17, v16;
	v10 =	vld [tilespmem:s2+$0x9C50]  }
0x25e: {  	v0 =	vadd.f32 v9, v0;
	[tilespmem:s2+$0xF860] =	vst v1;
	v9 =	vld [tilespmem:s2+$0x3C60]  }
0x25f: {  	[tilespmem:s2+$0xF870] =	vst v3;
	v3 =	vadd.f32 v7, v11;
	v7 =	vld [tilespmem:s2+$0x9C60]  }
0x260: {  	[tilespmem:s2+$0xFC00] =	vst v0;
	v1 =	vld [tilespmem:s2+$0x3C70];
	v0 =	vadd.f32 v4, v2  }
.Ltmp3:
0x261: {  	v2 =	vadd.f32 v19, v18;
	[tilespmem:s2+$0xFC10] =	vst v3;
	v3 =	vld [tilespmem:s2+$0x9C70];
	(pc) =	sbr.rel @p1 .LBB2_5-.Ltmp3, $4  }
0x262: {  	s10 =	sor.u32 $0x4430, s15;
	v4 =	vadd.f32 v20, v6;
	[tilespmem:s8+$0xC000] =	vst v0  }
0x263: {  	v0 =	vadd.f32 v13, v8;
	[tilespmem:s2+$0xFC20] =	vst v2;
	v2 =	vld [tilespmem:s10+$0x0]  }
0x264: {  	v6 =	vadd.f32 v10, v5;
	[tilespmem:s2+$0xFC30] =	vst v4;
	v4 =	vld [tilespmem:s10+$0x6000]  }
0x265: {  	s9 =	sadd.s32 $0x1, s9;
	v5 =	vadd.f32 v7, v9;
	[tilespmem:s2+$0xFC40] =	vst v0;
	v0 =	vld [tilespmem:s2+$0xA070]  }
0x266: {  	[tilespmem:s2+$0xFC50] =	vst v6;
	v1 =	vadd.f32 v3, v1  }
0x267: {  	[tilespmem:s2+$0xFC60] =	vst v5  }
0x268: {  	s0 =	sor.u32 $0x4000, s2;
	v50 =	vld [tilespmem:s2+$0xA000];
	[tilespmem:s2+$0xFC70] =	vst v1  }
0x269: {  	v5 =	vld [tilespmem:s0+$0x0];
	_ =	sdelay $0x4  }
0x26a: {  	v1 =	vadd.f32 v50, v5;
	_ =	sdelay $0x1  }
0x26b: {  	v9 =	vld [tilespmem:s2+$0xA010];
	s9 =	sor.u32 $0x4010, s2;
	[tilespmem:s2+$0x10000] =	vst v1  }
0x26c: {  	v1 =	vld [tilespmem:s9+$0x0];
	_ =	sdelay $0x4  }
0x26d: {  	v1 =	vadd.f32 v9, v1;
	_ =	sdelay $0x1  }
0x26e: {  	v51 =	vld [tilespmem:s2+$0xA020];
	s13 =	sor.u32 $0x4020, s2;
	[tilespmem:s2+$0x10010] =	vst v1  }
0x26f: {  	v1 =	vld [tilespmem:s13+$0x0];
	_ =	sdelay $0x4  }
0x270: {  	v1 =	vadd.f32 v51, v1;
	_ =	sdelay $0x1  }
0x271: {  	v8 =	vld [tilespmem:s2+$0xA030];
	s24 =	sor.u32 $0x4030, s2;
	[tilespmem:s2+$0x10020] =	vst v1  }
0x272: {  	v1 =	vld [tilespmem:s24+$0x0];
	_ =	sdelay $0x4  }
0x273: {  	v1 =	vadd.f32 v8, v1;
	_ =	sdelay $0x1  }
0x274: {  	v7 =	vld [tilespmem:s2+$0xA040];
	s8 =	sor.u32 $0x4040, s2;
	[tilespmem:s2+$0x10030] =	vst v1  }
0x275: {  	v1 =	vld [tilespmem:s8+$0x0];
	_ =	sdelay $0x4  }
0x276: {  	v1 =	vadd.f32 v7, v1;
	_ =	sdelay $0x1  }
0x277: {  	v49 =	vld [tilespmem:s2+$0xA050];
	s9 =	sor.u32 $0x4050, s2;
	[tilespmem:s2+$0x10040] =	vst v1  }
0x278: {  	v1 =	vld [tilespmem:s9+$0x0];
	_ =	sdelay $0x4  }
0x279: {  	v1 =	vadd.f32 v49, v1;
	_ =	sdelay $0x1  }
0x27a: {  	v48 =	vld [tilespmem:s2+$0xA060];
	s13 =	sor.u32 $0x4060, s2;
	[tilespmem:s2+$0x10050] =	vst v1  }
0x27b: {  	v1 =	vld [tilespmem:s13+$0x0];
	_ =	sdelay $0x4  }
0x27c: {  	v1 =	vadd.f32 v48, v1;
	_ =	sdelay $0x1  }
0x27d: {  	s24 =	sor.u32 $0x4070, s2;
	[tilespmem:s2+$0x10060] =	vst v1  }
0x27e: {  	v1 =	vld [tilespmem:s24+$0x0];
	_ =	sdelay $0x4  }
0x27f: {  	v0 =	vadd.f32 v0, v1  }
0x280: {  	s0 =	sadd.s32 s31, s7  }
0x281: {  	s7 =	sor.u32 $0x4400, s0;
	[tilespmem:s2+$0x10070] =	vst v0  }
0x282: {  	v0 =	vld [tilespmem:s7+$0x0]  }
0x283: {  	v52 =	vld [tilespmem:s7+$0x6000];
	_ =	sdelay $0x4  }
0x284: {  	v0 =	vadd.f32 v52, v0;
	_ =	sdelay $0x1  }
0x285: {  	s8 =	sor.u32 $0x4410, s0;
	[tilespmem:s7+$0xC000] =	vst v0  }
0x286: {  	v0 =	vld [tilespmem:s8+$0x0]  }
0x287: {  	v53 =	vld [tilespmem:s8+$0x6000];
	_ =	sdelay $0x4  }
0x288: {  	v0 =	vadd.f32 v53, v0;
	_ =	sdelay $0x1  }
0x289: {  	s9 =	sor.u32 $0x4420, s0;
	[tilespmem:s8+$0xC000] =	vst v0  }
0x28a: {  	v0 =	vld [tilespmem:s9+$0x0]  }
0x28b: {  	v54 =	vld [tilespmem:s9+$0x6000];
	_ =	sdelay $0x4  }
0x28c: {  	v0 =	vadd.f32 v54, v0;
	_ =	sdelay $0x1  }
0x28d: {  	s13 =	sor.u32 $0x4430, s0;
	[tilespmem:s9+$0xC000] =	vst v0  }
0x28e: {  	v0 =	vld [tilespmem:s13+$0x0]  }
0x28f: {  	v55 =	vld [tilespmem:s13+$0x6000];
	_ =	sdelay $0x2  }
0x290: {  	v2 =	vadd.f32 v4, v2;
	_ =	sdelay $0x1  }
0x291: {  	[tilespmem:s10+$0xC000] =	vst v2;
	s24 =	sor.u32 $0x4440, s15;
	v0 =	vadd.f32 v55, v0  }
0x292: {  	v56 =	vld [tilespmem:s24+$0x0]  }
0x293: {  	s31 =	sor.u32 $0x4440, s0;
	v2 =	vld [tilespmem:s24+$0x6000];
	[tilespmem:s13+$0xC000] =	vst v0  }
0x294: {  	v0 =	vld [tilespmem:s31+$0x0]  }
0x295: {  	v57 =	vld [tilespmem:s31+$0x6000];
	_ =	sdelay $0x2  }
0x296: {  	v1 =	vadd.f32 v2, v56;
	_ =	sdelay $0x1  }
0x297: {  	[tilespmem:s24+$0xC000] =	vst v1;
	s8 =	sor.u32 $0x4450, s15;
	v0 =	vadd.f32 v57, v0  }
0x298: {  	v1 =	vld [tilespmem:s8+$0x0]  }
0x299: {  	v58 =	vld [tilespmem:s8+$0x6000];
	s9 =	sor.u32 $0x4450, s0;
	[tilespmem:s31+$0xC000] =	vst v0  }
0x29a: {  	v0 =	vld [tilespmem:s9+$0x0]  }
0x29b: {  	v59 =	vld [tilespmem:s9+$0x6000];
	_ =	sdelay $0x2  }
0x29c: {  	v1 =	vadd.f32 v58, v1;
	_ =	sdelay $0x1  }
0x29d: {  	s10 =	sor.u32 $0x4460, s15;
	[tilespmem:s8+$0xC000] =	vst v1;
	v0 =	vadd.f32 v59, v0  }
0x29e: {  	v1 =	vld [tilespmem:s10+$0x0]  }
0x29f: {  	v60 =	vld [tilespmem:s10+$0x6000];
	s13 =	sor.u32 $0x4460, s0;
	[tilespmem:s9+$0xC000] =	vst v0  }
0x2a0: {  	v0 =	vld [tilespmem:s13+$0x0]  }
0x2a1: {  	v61 =	vld [tilespmem:s13+$0x6000];
	_ =	sdelay $0x2  }
0x2a2: {  	v1 =	vadd.f32 v60, v1;
	_ =	sdelay $0x1  }
0x2a3: {  	s24 =	sor.u32 $0x4470, s15;
	[tilespmem:s10+$0xC000] =	vst v1;
	v0 =	vadd.f32 v61, v0  }
0x2a4: {  	v1 =	vld [tilespmem:s24+$0x0]  }
0x2a5: {  	s0 =	sor.u32 $0x4470, s0;
	v62 =	vld [tilespmem:s24+$0x6000];
	[tilespmem:s13+$0xC000] =	vst v0  }
0x2a6: {  	v0 =	vld [tilespmem:s0+$0x0]  }
0x2a7: {  	v63 =	vld [tilespmem:s0+$0x6000];
	_ =	sdelay $0x3  }
.Ltmp4:
0x2a8: {  	v1 =	vadd.f32 v62, v1;
	(pc) =	sbr.rel @p0 .LBB2_8-.Ltmp4, $4  }
0x2a9: {  	v0 =	vadd.f32 v63, v0  }
0x2aa: {  	[tilespmem:s24+$0xC000] =	vst v1  }
0x2ab: {  	s31 =	sadd.s32 s14, s30;
	[tilespmem:s0+$0xC000] =	vst v0  }
0x2ac: {  	[hbm4b:s31+s5] =	stream.linear.scatter [tilespmem:s23], [sflag:$0x6], $0x3000, $0x38;
	[tilespmem:$0x12000] =	vst v63  }
0x2ad: {  	s0 =	sadd.s32 s29, s12  }
0x2ae: {  	s0 =	sshrl.u32 s0, $0x3  }
0x2af: {  	s0 =	smul.u32 $0x300, s0;
	_ =	sdelay $0x1  }
.Ltmp5:
0x2b0: {  	s2 =	sadd.s32 s1, s0;
	(pc) =	sbr.rel .LBB2_2-.Ltmp5, $4  }
0x2b1: {  	s2 =	sadd.s32 $0x240000, s2  }
0x2b2: {  	[tilespmem:s16], [sflag:$0x2] =	stream.linear.gather [hbm4b:s2+s5], $0x3000, $0x38;
	[tilespmem:$0x12000] =	vst v63  }
0x2b3: {  	s28 =	sadd.s32 $0x1, s28;
	s0 =	sadd.s32 s3, s0  }
0x2b4: {  	[tilespmem:s17], [sflag:$0x4] =	stream.linear.gather [hbm4b:s0+s5], $0x3000, $0x38;
	[tilespmem:$0x12000] =	vst v63  }
.LBB2_9:
0x2b5: {  	_ =	sfence.sel $0x180000  }
0x2b6: {  	[bflag:$0x0] =	sbarrier.arrive $0xFFFF  }
0x2b7: {  	_ =	strace $0x90000047  }
0x2b8: {  	s0 =	stileid.u32;
	[bflag:$0x2] =	sbarrier.arrive $0xFFFF  }
0x2b9: {  	p0 =	sne.s32 s0, $0x0;
	s0 =	rddreg [dreg:$0x3]  }
0x2ba: {  	s0 =	sadd.s32 @!p0 $0x100000, s0  }
0x2bb: {  	[sflag:s0] =	ssyncadd.tile.s32 @!p0 $0x1;
	_ =	shalt  }
.Lfunc_end2:
_tile_overlayer_lowered:
.L_overlay_start_2:
0x2bc: {  	(tag) =	ssettag $0x2  }
0x2bd: {  	s0 =	rddreg [dreg:$0x0];
	s2 =	stileid.u32  }
0x2be: {  	s1 =	rddreg [dreg:$0x1];
	p0 =	sne.s32 s2, $0x0  }
0x2bf: {  	s3 =	rddreg [dreg:$0x2];
	[bflag:$0x3] =	sbarrier.arrive $0xFFFF;
	s2 =	simm.s32 @!p0 $0x1C07  }
0x2c0: {  	[timem:s3], [sflag:s2] =	dma.local @!p0 [hbm:s0], s1  }
0x2c1: {  	s0 =	simm.s32 @!p0 $0x7  }
0x2c2: {  	_ =	swait.ge @!p0 [sflag:s0], s1  }
0x2c3: {  	s1 =	ssub.s32 @!p0 $0x0, s1;
	[sflag:s0] =	ssyncset.done @!p0 $0x0  }
0x2c4: {  	[sflag:s0] =	ssyncadd.s32 @!p0 s1  }
0x2c5: {  	[bflag:$0x3] =	sbarrier.arrive $0xFFFF  }
0x2c6: {  	_ =	shalt  }

</sc_bundles>
